<compile_context>
chip_gen: v7x
topology: tpu7x:2x2x1
jax: 0.10.2.dev20260603
libtpu: 0.0.44.dev20260713+nightly
codegen_flags: <defaults>
</compile_context>

<pallas_src>
import functools

import jax
import jax.numpy as jnp
from jax import lax
from jax.experimental import pallas as pl
from jax.experimental.pallas import tpu as pltpu
from jax.experimental.pallas import tpu_sc as plsc

NC = 2
NS = 16
NW = NC * NS
CH = 128
DC = 32
DP = 128



def _lin0_body(x_ref, w_ref, b_ref, o_ref):
    o_ref[...] = jnp.maximum(
        jnp.dot(x_ref[...], w_ref[...], preferred_element_type=jnp.float32)
        + b_ref[...], 0.0)


def _ew_body(ea_ref, we1_ref, be1_ref, we2_ref, be2_ref, o_ref):
    h1 = jnp.maximum(
        jnp.dot(ea_ref[...], we1_ref[...], preferred_element_type=jnp.float32)
        + be1_ref[...], 0.0)
    o_ref[...] = (jnp.dot(h1, we2_ref[...], preferred_element_type=jnp.float32)
                  + be2_ref[...]).astype(jnp.bfloat16)


def _msg_body(s_ref, ew_ref, sel_ref, o_ref):
    s = s_ref[:, 0:DC]
    srep = jnp.concatenate([s] * DC, axis=1)
    t = ew_ref[...].astype(jnp.float32) * srep
    msg = jnp.dot(t, sel_ref[...], preferred_element_type=jnp.float32)
    o_ref[...] = jnp.concatenate(
        [msg, jnp.zeros((msg.shape[0], DP - DC), jnp.float32)], axis=1)


def _gru_body(h_ref, agg_ref, deg_ref, wroot_ref, bconv_ref,
              wih_ref, whh_ref, bih_ref, bhh_ref, o_ref):
    h = h_ref[:, 0:DC]
    agg = agg_ref[0, :, 0:DC] + agg_ref[1, :, 0:DC]
    deg = jnp.maximum(deg_ref[0, :, 0:DC] + deg_ref[1, :, 0:DC], 1.0)
    m = jnp.maximum(
        jnp.dot(h, wroot_ref[...], preferred_element_type=jnp.float32)
        + agg / deg + bconv_ref[...], 0.0)
    gi = jnp.dot(m, wih_ref[...], preferred_element_type=jnp.float32) + bih_ref[...]
    gh = jnp.dot(h, whh_ref[...], preferred_element_type=jnp.float32) + bhh_ref[...]
    r = jax.nn.sigmoid(gi[:, 0:DC] + gh[:, 0:DC])
    z = jax.nn.sigmoid(gi[:, DC:2 * DC] + gh[:, DC:2 * DC])
    ng = jnp.tanh(gi[:, 2 * DC:3 * DC] + r * gh[:, 2 * DC:3 * DC])
    hn = (1.0 - z) * ng + z * h
    o_ref[...] = jnp.concatenate(
        [hn, jnp.zeros((hn.shape[0], DP - DC), jnp.float32)], axis=1)


def _s2s_body(h_ref, bcol_ref, ga_ref, wih_ref, whh_ref, bih_ref, bhh_ref,
              w1_ref, b1_ref, w2_ref, b2_ref, o_ref):
    h = h_ref[:, 0:DC]
    n = h.shape[0]
    ng = ga_ref.shape[0]
    m2 = bcol_ref[...] == lax.broadcasted_iota(jnp.int32, (n, ng), 1)
    m2f = m2.astype(jnp.float32)
    qh = jnp.zeros((ng, DC), jnp.float32)
    qc = jnp.zeros((ng, DC), jnp.float32)
    q_star = jnp.zeros((ng, 2 * DC), jnp.float32)
    for _ in range(3):
        gates = (jnp.dot(q_star, wih_ref[...], preferred_element_type=jnp.float32)
                 + bih_ref[...]
                 + jnp.dot(qh, whh_ref[...], preferred_element_type=jnp.float32)
                 + bhh_ref[...])
        ig = jax.nn.sigmoid(gates[:, 0:DC])
        fg = jax.nn.sigmoid(gates[:, DC:2 * DC])
        gg = jnp.tanh(gates[:, 2 * DC:3 * DC])
        og = jax.nn.sigmoid(gates[:, 3 * DC:4 * DC])
        qc = fg * qc + ig * gg
        qh = og * jnp.tanh(qc)
        e2 = lax.dot_general(h, qh, (((1,), (1,)), ((), ())),
                             preferred_element_type=jnp.float32)
        e = jnp.sum(jnp.where(m2, e2, 0.0), axis=1, keepdims=True)
        emax = jnp.max(jnp.where(m2, e, -1e30), axis=0, keepdims=True)
        ee = jnp.exp(e - jnp.sum(m2f * emax, axis=1, keepdims=True))
        denom = jnp.sum(m2f * ee, axis=0, keepdims=True)
        a = ee / (jnp.sum(m2f * denom, axis=1, keepdims=True) + 1e-16)
        rvec = lax.dot_general(m2f * a, h, (((0,), (0,)), ((), ())),
                               preferred_element_type=jnp.float32)
        q_star = jnp.concatenate([qh, rvec], axis=1)
    og2 = jnp.concatenate([q_star, ga_ref[...]], axis=1)
    og2 = jnp.maximum(
        jnp.dot(og2, w1_ref[...], preferred_element_type=jnp.float32)
        + b1_ref[...], 0.0)
    o_ref[...] = (jnp.dot(og2, w2_ref[...], preferred_element_type=jnp.float32)
                  + b2_ref[...])



def _sc_mesh():
    return plsc.VectorSubcoreMesh(core_axis_name="c", subcore_axis_name="s")


@functools.lru_cache(maxsize=None)
def _make_gather(ep):
    nchunk = ep // (CH * NW)

    @functools.partial(
        pl.kernel,
        out_type=jax.ShapeDtypeStruct((ep, DP), jnp.float32),
        mesh=_sc_mesh(),
        scratch_types=[pltpu.VMEM((CH,), jnp.int32),
                       pltpu.VMEM((CH, DP), jnp.float32),
                       pltpu.SemaphoreType.DMA],
    )
    def gather_k(table_hbm, src_hbm, out_hbm, idx_v, rows_v, sem):
        wid = lax.axis_index("s") * NC + lax.axis_index("c")

        def body(r, carry):
            off = (r * NW + wid) * CH
            pltpu.sync_copy(src_hbm.at[pl.ds(off, CH)], idx_v)
            pltpu.async_copy(table_hbm.at[idx_v], rows_v, sem).wait()
            pltpu.sync_copy(rows_v, out_hbm.at[pl.ds(off, CH)])
            return carry

        lax.fori_loop(0, nchunk, body, 0)

    return gather_k


@functools.lru_cache(maxsize=None)
def _make_scatter(ep, nr):
    nchunk = ep // (CH * NW)
    rps = nr // NS

    @functools.partial(
        pl.kernel,
        out_type=jax.ShapeDtypeStruct((NC * nr, DP), jnp.float32),
        mesh=_sc_mesh(),
        scratch_types=[pltpu.VMEM((CH,), jnp.int32),
                       pltpu.VMEM((CH, DP), jnp.float32),
                       pltpu.VMEM_SHARED((nr, DP), jnp.float32),
                       pltpu.SemaphoreType.DMA,
                       pltpu.SemaphoreType.DMA],
    )
    def scatter_k(msg_hbm, dst_hbm, zeros_hbm, out_hbm, idx_v, rows_v, shared,
                  sem, sem2):
        c = lax.axis_index("c")
        s = lax.axis_index("s")
        wid = s * NC + c
        pltpu.sync_copy(zeros_hbm.at[pl.ds(s * rps, rps)],
                        shared.at[pl.ds(s * rps, rps)])
        plsc.subcore_barrier()

        def body(r, carry):
            off = (r * NW + wid) * CH
            a = pltpu.async_copy(dst_hbm.at[pl.ds(off, CH)], idx_v, sem)
            b = pltpu.async_copy(msg_hbm.at[pl.ds(off, CH)], rows_v, sem2)
            a.wait()
            b.wait()
            pltpu.sync_copy(rows_v, shared.at[idx_v], add=True)
            return carry

        lax.fori_loop(0, nchunk, body, 0)
        plsc.subcore_barrier()
        pltpu.sync_copy(shared.at[pl.ds(s * rps, rps)],
                        out_hbm.at[pl.ds(c * nr + s * rps, rps)])

    return scatter_k


@functools.lru_cache(maxsize=None)
def _make_degree(ep, nr):
    nchunk = ep // (CH * NW)
    rps = nr // NS

    @functools.partial(
        pl.kernel,
        out_type=jax.ShapeDtypeStruct((NC * nr, DP), jnp.float32),
        mesh=_sc_mesh(),
        scratch_types=[pltpu.VMEM((CH,), jnp.int32),
                       pltpu.VMEM((CH, DP), jnp.float32),
                       pltpu.VMEM_SHARED((nr, DP), jnp.float32),
                       pltpu.SemaphoreType.DMA],
    )
    def degree_k(dst_hbm, zeros_hbm, ones_hbm, out_hbm, idx_v, rows_v, shared, sem):
        c = lax.axis_index("c")
        s = lax.axis_index("s")
        wid = s * NC + c
        pltpu.sync_copy(zeros_hbm.at[pl.ds(s * rps, rps)],
                        shared.at[pl.ds(s * rps, rps)])
        pltpu.sync_copy(ones_hbm, rows_v)
        plsc.subcore_barrier()

        def body(r, carry):
            off = (r * NW + wid) * CH
            pltpu.sync_copy(dst_hbm.at[pl.ds(off, CH)], idx_v)
            pltpu.sync_copy(rows_v, shared.at[idx_v], add=True)
            return carry

        lax.fori_loop(0, nchunk, body, 0)
        plsc.subcore_barrier()
        pltpu.sync_copy(shared.at[pl.ds(s * rps, rps)],
                        out_hbm.at[pl.ds(c * nr + s * rps, rps)])

    return degree_k



def kernel(x, edge_index, edge_attr, batch, graph_attr, W0, b0, We1, be1,
           We2, be2, Wroot, bconv, gru_Wih, gru_Whh, gru_bih, gru_bhh,
           lstm_Wih, lstm_Whh, lstm_bih, lstm_bhh, W1, b1, W2, b2):
    n, df = x.shape
    e = edge_index.shape[1]
    de = edge_attr.shape[1]
    ng, dg = graph_attr.shape

    ep = -(-e // (CH * NW)) * (CH * NW)
    nr = -(-(n + 1) // 128) * 128

    src_p = jnp.concatenate([edge_index[0], jnp.zeros((ep - e,), jnp.int32)])
    dst_p = jnp.concatenate([edge_index[1], jnp.full((ep - e,), n, jnp.int32)])
    ea_p = jnp.concatenate([edge_attr, jnp.zeros((ep - e, de), jnp.float32)])
    zeros_nr = jnp.zeros((nr, DP), jnp.float32)
    ones_ch = jnp.ones((CH, DP), jnp.float32)

    w0_p = jnp.concatenate([W0, jnp.zeros((df, DP - DC), jnp.float32)], axis=1)
    b0_p = jnp.concatenate([b0, jnp.zeros((DP - DC,), jnp.float32)]).reshape(1, DP)

    bl = 1000
    nb = n // bl
    bke = 1024
    neb = ep // bke

    h = pl.pallas_call(
        _lin0_body,
        grid=(nb,),
        in_specs=[pl.BlockSpec((bl, df), lambda i: (i, 0)),
                  pl.BlockSpec((df, DP), lambda i: (0, 0)),
                  pl.BlockSpec((1, DP), lambda i: (0, 0))],
        out_specs=pl.BlockSpec((bl, DP), lambda i: (i, 0)),
        out_shape=jax.ShapeDtypeStruct((n, DP), jnp.float32),
    )(x, w0_p, b0_p)

    perm = (jnp.arange(DC * DC) % DC) * DC + jnp.arange(DC * DC) // DC
    we2g = We2[:, perm]
    be2g = be2[perm]
    sel = jnp.kron(jnp.eye(DC, dtype=jnp.float32), jnp.ones((DC, 1), jnp.float32))
    ew = pl.pallas_call(
        _ew_body,
        grid=(neb,),
        in_specs=[pl.BlockSpec((bke, de), lambda i: (i, 0)),
                  pl.BlockSpec((de, We1.shape[1]), lambda i: (0, 0)),
                  pl.BlockSpec((1, We1.shape[1]), lambda i: (0, 0)),
                  pl.BlockSpec((We2.shape[0], DC * DC), lambda i: (0, 0)),
                  pl.BlockSpec((1, DC * DC), lambda i: (0, 0))],
        out_specs=pl.BlockSpec((bke, DC * DC), lambda i: (i, 0)),
        out_shape=jax.ShapeDtypeStruct((ep, DC * DC), jnp.bfloat16),
    )(ea_p, We1, be1.reshape(1, -1), we2g, be2g.reshape(1, -1))

    deg = _make_degree(ep, nr)(dst_p, zeros_nr, ones_ch).reshape(NC, nr, DP)

    gather_k = _make_gather(ep)
    scatter_k = _make_scatter(ep, nr)

    wih_t = gru_Wih.T
    whh_t = gru_Whh.T
    gbih = gru_bih.reshape(1, -1)
    gbhh = gru_bhh.reshape(1, -1)

    for _ in range(3):
        s_rows = gather_k(h, src_p)
        msg = pl.pallas_call(
            _msg_body,
            grid=(neb,),
            in_specs=[pl.BlockSpec((bke, DP), lambda i: (i, 0)),
                      pl.BlockSpec((bke, DC * DC), lambda i: (i, 0)),
                      pl.BlockSpec((DC * DC, DC), lambda i: (0, 0))],
            out_specs=pl.BlockSpec((bke, DP), lambda i: (i, 0)),
            out_shape=jax.ShapeDtypeStruct((ep, DP), jnp.float32),
        )(s_rows, ew, sel)
        agg = scatter_k(msg, dst_p, zeros_nr).reshape(NC, nr, DP)
        h = pl.pallas_call(
            _gru_body,
            grid=(nb,),
            in_specs=[pl.BlockSpec((bl, DP), lambda i: (i, 0)),
                      pl.BlockSpec((NC, bl, DP), lambda i: (0, i, 0)),
                      pl.BlockSpec((NC, bl, DP), lambda i: (0, i, 0)),
                      pl.BlockSpec((DC, DC), lambda i: (0, 0)),
                      pl.BlockSpec((1, DC), lambda i: (0, 0)),
                      pl.BlockSpec((DC, 3 * DC), lambda i: (0, 0)),
                      pl.BlockSpec((DC, 3 * DC), lambda i: (0, 0)),
                      pl.BlockSpec((1, 3 * DC), lambda i: (0, 0)),
                      pl.BlockSpec((1, 3 * DC), lambda i: (0, 0))],
            out_specs=pl.BlockSpec((bl, DP), lambda i: (i, 0)),
            out_shape=jax.ShapeDtypeStruct((n, DP), jnp.float32),
        )(h, agg, deg, Wroot, bconv.reshape(1, DC), wih_t, whh_t, gbih, gbhh)

    out = pl.pallas_call(
        _s2s_body,
        out_shape=jax.ShapeDtypeStruct((ng, 1), jnp.float32),
    )(h, batch.reshape(n, 1), graph_attr, lstm_Wih.T, lstm_Whh.T,
      lstm_bih.reshape(1, -1), lstm_bhh.reshape(1, -1),
      W1, b1.reshape(1, -1), W2, b2.reshape(1, 1))
    return out

# --- scband reference (transcript-rebuilt; emitter-appended) ---
"""Pipeline reference for scband-graph-prediction-model-9371618640686 (READ-ONLY COPY).

The authoritative reference and input builder live on the scoring server;
editing this copy changes nothing except your own understanding.
"""

import jax, jax.numpy as jnp
import numpy as np

N = 10000
E = 160000
D_FEAT = 128
D_EDGE = 16
D_CONV = 32
D_LIN = 128
N_GRAPH = 64
D_GATTR = 16
D_OUT = 1
MP_TIMES = 3
STEPS = 3


def setup_inputs(seed: int = 0):
    key = jax.random.key(seed)
    ks = jax.random.split(key, 20)
    s = 0.05
    inp = {}
    inp["x"] = jax.random.normal(ks[0], (N, D_FEAT), dtype=jnp.float32)
    inp["edge_index"] = jax.random.randint(ks[1], (2, E), 0, N, dtype=jnp.int32)
    inp["edge_attr"] = jax.random.normal(ks[2], (E, D_EDGE), dtype=jnp.float32)
    inp["batch"] = jnp.sort(jax.random.randint(ks[3], (N,), 0, N_GRAPH, dtype=jnp.int32))
    inp["graph_attr"] = jax.random.normal(ks[4], (N_GRAPH, D_GATTR), dtype=jnp.float32)
    inp["W0"] = jax.random.normal(ks[5], (D_FEAT, D_CONV), dtype=jnp.float32) * s
    inp["b0"] = jnp.zeros((D_CONV,), jnp.float32)
    inp["We1"] = jax.random.normal(ks[6], (D_EDGE, D_LIN), dtype=jnp.float32) * s
    inp["be1"] = jnp.zeros((D_LIN,), jnp.float32)
    inp["We2"] = jax.random.normal(ks[7], (D_LIN, D_CONV * D_CONV), dtype=jnp.float32) * s
    inp["be2"] = jnp.zeros((D_CONV * D_CONV,), jnp.float32)
    inp["Wroot"] = jax.random.normal(ks[8], (D_CONV, D_CONV), dtype=jnp.float32) * s
    inp["bconv"] = jnp.zeros((D_CONV,), jnp.float32)
    inp["gru_Wih"] = jax.random.normal(ks[9], (3 * D_CONV, D_CONV), dtype=jnp.float32) * s
    inp["gru_Whh"] = jax.random.normal(ks[10], (3 * D_CONV, D_CONV), dtype=jnp.float32) * s
    inp["gru_bih"] = jnp.zeros((3 * D_CONV,), jnp.float32)
    inp["gru_bhh"] = jnp.zeros((3 * D_CONV,), jnp.float32)
    inp["lstm_Wih"] = jax.random.normal(ks[11], (4 * D_CONV, 2 * D_CONV), dtype=jnp.float32) * s
    inp["lstm_Whh"] = jax.random.normal(ks[12], (4 * D_CONV, D_CONV), dtype=jnp.float32) * s
    inp["lstm_bih"] = jnp.zeros((4 * D_CONV,), jnp.float32)
    inp["lstm_bhh"] = jnp.zeros((4 * D_CONV,), jnp.float32)
    inp["W1"] = jax.random.normal(ks[13], (2 * D_CONV + D_GATTR, D_CONV), dtype=jnp.float32) * s
    inp["b1"] = jnp.zeros((D_CONV,), jnp.float32)
    inp["W2"] = jax.random.normal(ks[14], (D_CONV, D_OUT), dtype=jnp.float32) * s
    inp["b2"] = jnp.zeros((D_OUT,), jnp.float32)
    return inp


def _forward(x, edge_attr, graph_attr, W0, b0, We1, be1, We2, be2, Wroot, bconv,
             gru_Wih, gru_Whh, gru_bih, gru_bhh,
             lstm_Wih, lstm_Whh, lstm_bih, lstm_bhh,
             W1, b1, W2, b2, edge_index, batch):
    src = edge_index[0]
    dst = edge_index[1]
    # lin0 + relu
    out = jax.nn.relu(x @ W0 + b0)
    h = out
    # NNConv edge network: per-edge [D_CONV, D_CONV] weight matrices (constant over mp iterations)
    ew = (jax.nn.relu(edge_attr @ We1 + be1) @ We2 + be2).reshape(E, D_CONV, D_CONV)
    deg = jax.ops.segment_sum(jnp.ones((E,), jnp.float32), dst, num_segments=N)
    deg = jnp.maximum(deg, 1.0)
    for _ in range(MP_TIMES):
        # NNConv message: x_src @ Theta(e), mean-aggregated at dst, plus root transform
        msg = jnp.einsum('ei,eio->eo', jnp.take(out, src, axis=0), ew)
        agg = jax.ops.segment_sum(msg, dst, num_segments=N) / deg[:, None]
        m = jax.nn.relu(out @ Wroot + agg + bconv)
        # GRU cell (seq_len=1)
        gi = m @ gru_Wih.T + gru_bih
        gh = h @ gru_Whh.T + gru_bhh
        ir, iz, inn = jnp.split(gi, 3, axis=1)
        hr, hz, hn = jnp.split(gh, 3, axis=1)
        r = jax.nn.sigmoid(ir + hr)
        z = jax.nn.sigmoid(iz + hz)
        ng = jnp.tanh(inn + r * hn)
        h = (1.0 - z) * ng + z * h
        out = h
    # Set2Set pooling
    qh = jnp.zeros((N_GRAPH, D_CONV), jnp.float32)
    qc = jnp.zeros((N_GRAPH, D_CONV), jnp.float32)
    q_star = jnp.zeros((N_GRAPH, 2 * D_CONV), jnp.float32)
    for _ in range(STEPS):
        gates = q_star @ lstm_Wih.T + lstm_bih + qh @ lstm_Whh.T + lstm_bhh
        ig, fg, gg, og = jnp.split(gates, 4, axis=1)
        ig = jax.nn.sigmoid(ig)
        fg = jax.nn.sigmoid(fg)
        gg = jnp.tanh(gg)
        og = jax.nn.sigmoid(og)
        qc = fg * qc + ig * gg
        qh = og * jnp.tanh(qc)
        q = qh
        e = jnp.sum(out * jnp.take(q, batch, axis=0), axis=1)
        emax = jax.ops.segment_max(e, batch, num_segments=N_GRAPH)
        emax = jnp.where(jnp.isfinite(emax), emax, 0.0)
        ee = jnp.exp(e - jnp.take(emax, batch, axis=0))
        denom = jax.ops.segment_sum(ee, batch, num_segments=N_GRAPH)
        a = ee / (jnp.take(denom, batch, axis=0) + 1e-16)
        rvec = jax.ops.segment_sum(a[:, None] * out, batch, num_segments=N_GRAPH)
        q_star = jnp.concatenate([q, rvec], axis=1)
    og2 = jnp.concatenate([q_star, graph_attr], axis=1)
    og2 = jax.nn.relu(og2 @ W1 + b1)
    return og2 @ W2 + b2


def reference(x, edge_index, edge_attr, batch, graph_attr, W0, b0, We1, be1, We2, be2,
              Wroot, bconv, gru_Wih, gru_Whh, gru_bih, gru_bhh,
              lstm_Wih, lstm_Whh, lstm_bih, lstm_bhh, W1, b1, W2, b2):
    return _forward(x, edge_attr, graph_attr, W0, b0, We1, be1, We2, be2, Wroot, bconv,
                    gru_Wih, gru_Whh, gru_bih, gru_bhh,
                    lstm_Wih, lstm_Whh, lstm_bih, lstm_bhh,
                    W1, b1, W2, b2, edge_index, batch)

if __name__ == "__main__":
    import jax
    _d = setup_inputs()
    print(jax.jit(kernel)(*tuple(_d.values())))

</pallas_src>

<mosaic_0001>
#map = affine_map<(d0, d1) -> (0, 0)>
#map1 = affine_map<(d0, d1) -> (0)>
module attributes {stable_mosaic.version = 14 : i64} {
  func.func @gather_k(%arg0: i32, %arg1: i32, %arg2: memref<10000x128xf32, #tpu.memory_space<hbm>>, %arg3: memref<163840xi32, #tpu.memory_space<hbm>>, %arg4: memref<163840x128xf32, #tpu.memory_space<hbm>>, %arg5: memref<128xi32, #tpu.memory_space<vmem>>, %arg6: memref<128x128xf32, #tpu.memory_space<vmem>>, %arg7: memref<!tpu.dma_semaphore, #tpu.memory_space<semaphore_mem>>) attributes {dimension_semantics = [#tpu.dimension_semantics<core_parallel>, #tpu.dimension_semantics<subcore_parallel>], iteration_bounds = array<i64: 2, 16>, scalar_prefetch = 0 : i64, scratch_operands = 3 : i64, tpu.core_type = #tpu.core_type<sc_vector_subcore>, window_params = [{transform_indices = #map}, {transform_indices = #map1}, {transform_indices = #map}]} {
    %mul3A = arith.constant 2 : i32
    %mul3A_0 = arith.muli %arg1, %mul3A : i32
    %add3A = arith.addi %mul3A_0, %arg0 : i32
    %scan3A = arith.constant 0 : i32
    %scan3A_1 = arith.constant 0 : i32
    %scan3A_2 = arith.constant 40 : i32
    %scan3A_3 = arith.addi %scan3A_1, %scan3A_2 : i32
    %scan3A_4 = arith.constant 1 : i32
    scf.for %scan3A_6 = %scan3A_1 to %scan3A_3 step %scan3A_4  : i32 {
      %mul3A_7 = arith.constant 32 : i32
      %mul3A_8 = arith.muli %scan3A_6, %mul3A_7 : i32
      %add3A_9 = arith.addi %mul3A_8, %add3A : i32
      %mul3A_10 = arith.constant 128 : i32
      %mul3A_11 = arith.muli %add3A_9, %mul3A_10 : i32
      "tpu.region"() ({
        %run_scoped3A = tpu.sem_alloc : memref<!tpu.dma_semaphore, #tpu.memory_space<semaphore_mem>>
        %dma_start3A_16 = tpu.memref_slice %arg3[%mul3A_11] : memref<163840xi32, #tpu.memory_space<hbm>> -> memref<128xi32, #tpu.memory_space<hbm>>
        %dma_start3A_17 = tpu.memref_slice %arg3[%mul3A_11] : memref<163840xi32, #tpu.memory_space<hbm>> -> memref<128xi32, #tpu.memory_space<hbm>>
        tpu.enqueue_dma source(%dma_start3A_17 : memref<128xi32, #tpu.memory_space<hbm>>) target(%arg5 : memref<128xi32, #tpu.memory_space<vmem>>) target_semaphore(%run_scoped3A : memref<!tpu.dma_semaphore, #tpu.memory_space<semaphore_mem>>)
        %dma_wait3A_18 = tpu.memref_slice %arg3[%mul3A_11] : memref<163840xi32, #tpu.memory_space<hbm>> -> memref<128xi32, #tpu.memory_space<hbm>>
        %dma_wait3A_19 = tpu.memref_slice %arg3[%mul3A_11] : memref<163840xi32, #tpu.memory_space<hbm>> -> memref<128xi32, #tpu.memory_space<hbm>>
        tpu.wait_dma2 semaphore(%run_scoped3A : memref<!tpu.dma_semaphore, #tpu.memory_space<semaphore_mem>>) src(%dma_wait3A_19 : memref<128xi32, #tpu.memory_space<hbm>>) dst(%arg5 : memref<128xi32, #tpu.memory_space<vmem>>)
        tpu.yield
      }) : () -> ()
      %dma_start3A = arith.constant 0 : i32
      %dma_start3A_12 = arith.constant 0 : i32
      %dma_start3A_13 = tpu.memref_slice %arg2[%dma_start3A, %dma_start3A_12] : memref<10000x128xf32, #tpu.memory_space<hbm>> -> memref<10000x128xf32, #tpu.memory_space<hbm>>
      tpu.enqueue_indirect_dma source(%dma_start3A_13 : memref<10000x128xf32, #tpu.memory_space<hbm>>) target(%arg6 : memref<128x128xf32, #tpu.memory_space<vmem>>) offsets(%arg5 : memref<128xi32, #tpu.memory_space<vmem>>) semaphore(%arg7 : memref<!tpu.dma_semaphore, #tpu.memory_space<semaphore_mem>>)
      %dma_wait3A = arith.constant 0 : i32
      %dma_wait3A_14 = arith.constant 0 : i32
      %dma_wait3A_15 = tpu.memref_slice %arg2[%dma_wait3A, %dma_wait3A_14] : memref<10000x128xf32, #tpu.memory_space<hbm>> -> memref<10000x128xf32, #tpu.memory_space<hbm>>
      tpu.wait_indirect_dma semaphore(%arg7 : memref<!tpu.dma_semaphore, #tpu.memory_space<semaphore_mem>>) src(%dma_wait3A_15 : memref<10000x128xf32, #tpu.memory_space<hbm>>) dst(%arg6 : memref<128x128xf32, #tpu.memory_space<vmem>>)
      "tpu.region"() ({
        %run_scoped3A = tpu.sem_alloc : memref<!tpu.dma_semaphore, #tpu.memory_space<semaphore_mem>>
        %dma_start3A_16 = arith.constant 0 : i32
        %dma_start3A_17 = tpu.memref_slice %arg4[%mul3A_11, %dma_start3A_16] : memref<163840x128xf32, #tpu.memory_space<hbm>> -> memref<128x128xf32, #tpu.memory_space<hbm>>
        %dma_start3A_18 = arith.constant 0 : i32
        %dma_start3A_19 = tpu.memref_slice %arg4[%mul3A_11, %dma_start3A_18] : memref<163840x128xf32, #tpu.memory_space<hbm>> -> memref<128x128xf32, #tpu.memory_space<hbm>>
        tpu.enqueue_dma source(%arg6 : memref<128x128xf32, #tpu.memory_space<vmem>>) target(%dma_start3A_19 : memref<128x128xf32, #tpu.memory_space<hbm>>) target_semaphore(%run_scoped3A : memref<!tpu.dma_semaphore, #tpu.memory_space<semaphore_mem>>)
        %dma_wait3A_20 = arith.constant 0 : i32
        %dma_wait3A_21 = tpu.memref_slice %arg4[%mul3A_11, %dma_wait3A_20] : memref<163840x128xf32, #tpu.memory_space<hbm>> -> memref<128x128xf32, #tpu.memory_space<hbm>>
        %dma_wait3A_22 = arith.constant 0 : i32
        %dma_wait3A_23 = tpu.memref_slice %arg4[%mul3A_11, %dma_wait3A_22] : memref<163840x128xf32, #tpu.memory_space<hbm>> -> memref<128x128xf32, #tpu.memory_space<hbm>>
        tpu.wait_dma2 semaphore(%run_scoped3A : memref<!tpu.dma_semaphore, #tpu.memory_space<semaphore_mem>>) src(%arg6 : memref<128x128xf32, #tpu.memory_space<vmem>>) dst(%dma_wait3A_23 : memref<128x128xf32, #tpu.memory_space<hbm>>)
        tpu.yield
      }) : () -> ()
    }
    %scan3A_5 = arith.constant 40 : i32
    return
  }
}

#map = affine_map<(d0, d1) -> (0, 0)>
#map1 = affine_map<(d0, d1) -> (0)>
module attributes {stable_mosaic.version = 14 : i64} {
  func.func @gather_k(%arg0: i32, %arg1: i32, %arg2: memref<10000x128xf32, #tpu.memory_space<hbm>>, %arg3: memref<163840xi32, #tpu.memory_space<hbm>>, %arg4: memref<163840x128xf32, #tpu.memory_space<hbm>>, %arg5: memref<128xi32, #tpu.memory_space<vmem>>, %arg6: memref<128x128xf32, #tpu.memory_space<vmem>>, %arg7: memref<!tpu.dma_semaphore, #tpu.memory_space<semaphore_mem>>) attributes {dimension_semantics = [#tpu.dimension_semantics<core_parallel>, #tpu.dimension_semantics<subcore_parallel>], iteration_bounds = array<i64: 2, 16>, scalar_prefetch = 0 : i64, scratch_operands = 3 : i64, tpu.core_type = #tpu.core_type<sc_vector_subcore>, window_params = [{transform_indices = #map}, {transform_indices = #map1}, {transform_indices = #map}]} {
    %mul3A = arith.constant 2 : i32
    %mul3A_0 = arith.muli %arg1, %mul3A : i32
    %add3A = arith.addi %mul3A_0, %arg0 : i32
    %scan3A = arith.constant 0 : i32
    %scan3A_1 = arith.constant 0 : i32
    %scan3A_2 = arith.constant 40 : i32
    %scan3A_3 = arith.addi %scan3A_1, %scan3A_2 : i32
    %scan3A_4 = arith.constant 1 : i32
    scf.for %scan3A_6 = %scan3A_1 to %scan3A_3 step %scan3A_4  : i32 {
      %mul3A_7 = arith.constant 32 : i32
      %mul3A_8 = arith.muli %scan3A_6, %mul3A_7 : i32
      %add3A_9 = arith.addi %mul3A_8, %add3A : i32
      %mul3A_10 = arith.constant 128 : i32
      %mul3A_11 = arith.muli %add3A_9, %mul3A_10 : i32
      "tpu.region"() ({
        %run_scoped3A = tpu.sem_alloc : memref<!tpu.dma_semaphore, #tpu.memory_space<semaphore_mem>>
        %dma_start3A_16 = tpu.memref_slice %arg3[%mul3A_11] : memref<163840xi32, #tpu.memory_space<hbm>> -> memref<128xi32, #tpu.memory_space<hbm>>
        %dma_start3A_17 = tpu.memref_slice %arg3[%mul3A_11] : memref<163840xi32, #tpu.memory_space<hbm>> -> memref<128xi32, #tpu.memory_space<hbm>>
        tpu.enqueue_dma source(%dma_start3A_17 : memref<128xi32, #tpu.memory_space<hbm>>) target(%arg5 : memref<128xi32, #tpu.memory_space<vmem>>) target_semaphore(%run_scoped3A : memref<!tpu.dma_semaphore, #tpu.memory_space<semaphore_mem>>)
        %dma_wait3A_18 = tpu.memref_slice %arg3[%mul3A_11] : memref<163840xi32, #tpu.memory_space<hbm>> -> memref<128xi32, #tpu.memory_space<hbm>>
        %dma_wait3A_19 = tpu.memref_slice %arg3[%mul3A_11] : memref<163840xi32, #tpu.memory_space<hbm>> -> memref<128xi32, #tpu.memory_space<hbm>>
        tpu.wait_dma2 semaphore(%run_scoped3A : memref<!tpu.dma_semaphore, #tpu.memory_space<semaphore_mem>>) src(%dma_wait3A_19 : memref<128xi32, #tpu.memory_space<hbm>>) dst(%arg5 : memref<128xi32, #tpu.memory_space<vmem>>)
        tpu.yield
      }) : () -> ()
      %dma_start3A = arith.constant 0 : i32
      %dma_start3A_12 = arith.constant 0 : i32
      %dma_start3A_13 = tpu.memref_slice %arg2[%dma_start3A, %dma_start3A_12] : memref<10000x128xf32, #tpu.memory_space<hbm>> -> memref<10000x128xf32, #tpu.memory_space<hbm>>
      tpu.enqueue_indirect_dma source(%dma_start3A_13 : memref<10000x128xf32, #tpu.memory_space<hbm>>) target(%arg6 : memref<128x128xf32, #tpu.memory_space<vmem>>) offsets(%arg5 : memref<128xi32, #tpu.memory_space<vmem>>) semaphore(%arg7 : memref<!tpu.dma_semaphore, #tpu.memory_space<semaphore_mem>>)
      %dma_wait3A = arith.constant 0 : i32
      %dma_wait3A_14 = arith.constant 0 : i32
      %dma_wait3A_15 = tpu.memref_slice %arg2[%dma_wait3A, %dma_wait3A_14] : memref<10000x128xf32, #tpu.memory_space<hbm>> -> memref<10000x128xf32, #tpu.memory_space<hbm>>
      tpu.wait_indirect_dma semaphore(%arg7 : memref<!tpu.dma_semaphore, #tpu.memory_space<semaphore_mem>>) src(%dma_wait3A_15 : memref<10000x128xf32, #tpu.memory_space<hbm>>) dst(%arg6 : memref<128x128xf32, #tpu.memory_space<vmem>>)
      "tpu.region"() ({
        %run_scoped3A = tpu.sem_alloc : memref<!tpu.dma_semaphore, #tpu.memory_space<semaphore_mem>>
        %dma_start3A_16 = arith.constant 0 : i32
        %dma_start3A_17 = tpu.memref_slice %arg4[%mul3A_11, %dma_start3A_16] : memref<163840x128xf32, #tpu.memory_space<hbm>> -> memref<128x128xf32, #tpu.memory_space<hbm>>
        %dma_start3A_18 = arith.constant 0 : i32
        %dma_start3A_19 = tpu.memref_slice %arg4[%mul3A_11, %dma_start3A_18] : memref<163840x128xf32, #tpu.memory_space<hbm>> -> memref<128x128xf32, #tpu.memory_space<hbm>>
        tpu.enqueue_dma source(%arg6 : memref<128x128xf32, #tpu.memory_space<vmem>>) target(%dma_start3A_19 : memref<128x128xf32, #tpu.memory_space<hbm>>) target_semaphore(%run_scoped3A : memref<!tpu.dma_semaphore, #tpu.memory_space<semaphore_mem>>)
        %dma_wait3A_20 = arith.constant 0 : i32
        %dma_wait3A_21 = tpu.memref_slice %arg4[%mul3A_11, %dma_wait3A_20] : memref<163840x128xf32, #tpu.memory_space<hbm>> -> memref<128x128xf32, #tpu.memory_space<hbm>>
        %dma_wait3A_22 = arith.constant 0 : i32
        %dma_wait3A_23 = tpu.memref_slice %arg4[%mul3A_11, %dma_wait3A_22] : memref<163840x128xf32, #tpu.memory_space<hbm>> -> memref<128x128xf32, #tpu.memory_space<hbm>>
        tpu.wait_dma2 semaphore(%run_scoped3A : memref<!tpu.dma_semaphore, #tpu.memory_space<semaphore_mem>>) src(%arg6 : memref<128x128xf32, #tpu.memory_space<vmem>>) dst(%dma_wait3A_23 : memref<128x128xf32, #tpu.memory_space<hbm>>)
        tpu.yield
      }) : () -> ()
    }
    %scan3A_5 = arith.constant 40 : i32
    return
  }
}

#map = affine_map<(d0, d1) -> (0)>
#map1 = affine_map<(d0, d1) -> (0, 0)>
module attributes {stable_mosaic.version = 14 : i64} {
  func.func @degree_k(%arg0: i32, %arg1: i32, %arg2: memref<163840xi32, #tpu.memory_space<hbm>>, %arg3: memref<10112x128xf32, #tpu.memory_space<hbm>>, %arg4: memref<128x128xf32, #tpu.memory_space<hbm>>, %arg5: memref<20224x128xf32, #tpu.memory_space<hbm>>, %arg6: memref<128xi32, #tpu.memory_space<vmem>>, %arg7: memref<128x128xf32, #tpu.memory_space<vmem>>, %arg8: memref<10112x128xf32, #tpu.memory_space<vmem_shared>>, %arg9: memref<!tpu.dma_semaphore, #tpu.memory_space<semaphore_mem>>) attributes {dimension_semantics = [#tpu.dimension_semantics<core_parallel>, #tpu.dimension_semantics<subcore_parallel>], iteration_bounds = array<i64: 2, 16>, scalar_prefetch = 0 : i64, scratch_operands = 4 : i64, tpu.core_type = #tpu.core_type<sc_vector_subcore>, window_params = [{transform_indices = #map}, {transform_indices = #map1}, {transform_indices = #map1}, {transform_indices = #map1}]} {
    %mul3A = arith.constant 2 : i32
    %mul3A_0 = arith.muli %arg1, %mul3A : i32
    %add3A = arith.addi %mul3A_0, %arg0 : i32
    %mul3A_1 = arith.constant 632 : i32
    %mul3A_2 = arith.muli %arg1, %mul3A_1 : i32
    %mul3A_3 = arith.constant 632 : i32
    %mul3A_4 = arith.muli %arg1, %mul3A_3 : i32
    "tpu.region"() ({
      %run_scoped3A = tpu.sem_alloc : memref<!tpu.dma_semaphore, #tpu.memory_space<semaphore_mem>>
      %dma_start3A = arith.constant 0 : i32
      %dma_start3A_18 = tpu.memref_slice %arg8[%mul3A_4, %dma_start3A] : memref<10112x128xf32, #tpu.memory_space<vmem_shared>> -> memref<632x128xf32, #tpu.memory_space<vmem_shared>>
      %dma_start3A_19 = arith.constant 0 : i32
      %dma_start3A_20 = tpu.memref_slice %arg3[%mul3A_2, %dma_start3A_19] : memref<10112x128xf32, #tpu.memory_space<hbm>> -> memref<632x128xf32, #tpu.memory_space<hbm>>
      tpu.enqueue_dma source(%dma_start3A_20 : memref<632x128xf32, #tpu.memory_space<hbm>>) target(%dma_start3A_18 : memref<632x128xf32, #tpu.memory_space<vmem_shared>>) target_semaphore(%run_scoped3A : memref<!tpu.dma_semaphore, #tpu.memory_space<semaphore_mem>>)
      %dma_wait3A = arith.constant 0 : i32
      %dma_wait3A_21 = tpu.memref_slice %arg8[%mul3A_4, %dma_wait3A] : memref<10112x128xf32, #tpu.memory_space<vmem_shared>> -> memref<632x128xf32, #tpu.memory_space<vmem_shared>>
      %dma_wait3A_22 = arith.constant 0 : i32
      %dma_wait3A_23 = tpu.memref_slice %arg3[%mul3A_2, %dma_wait3A_22] : memref<10112x128xf32, #tpu.memory_space<hbm>> -> memref<632x128xf32, #tpu.memory_space<hbm>>
      tpu.wait_dma2 semaphore(%run_scoped3A : memref<!tpu.dma_semaphore, #tpu.memory_space<semaphore_mem>>) src(%dma_wait3A_23 : memref<632x128xf32, #tpu.memory_space<hbm>>) dst(%dma_wait3A_21 : memref<632x128xf32, #tpu.memory_space<vmem_shared>>)
      tpu.yield
    }) : () -> ()
    "tpu.region"() ({
      %run_scoped3A = tpu.sem_alloc : memref<!tpu.dma_semaphore, #tpu.memory_space<semaphore_mem>>
      tpu.enqueue_dma source(%arg4 : memref<128x128xf32, #tpu.memory_space<hbm>>) target(%arg7 : memref<128x128xf32, #tpu.memory_space<vmem>>) target_semaphore(%run_scoped3A : memref<!tpu.dma_semaphore, #tpu.memory_space<semaphore_mem>>)
      tpu.wait_dma2 semaphore(%run_scoped3A : memref<!tpu.dma_semaphore, #tpu.memory_space<semaphore_mem>>) src(%arg4 : memref<128x128xf32, #tpu.memory_space<hbm>>) dst(%arg7 : memref<128x128xf32, #tpu.memory_space<vmem>>)
      tpu.yield
    }) : () -> ()
    %barrier3A = arith.constant 0 : index
    tpu.barrier barrier_id(%barrier3A)
    %scan3A = arith.constant 0 : i32
    %scan3A_5 = arith.constant 0 : i32
    %scan3A_6 = arith.constant 40 : i32
    %scan3A_7 = arith.addi %scan3A_5, %scan3A_6 : i32
    %scan3A_8 = arith.constant 1 : i32
    scf.for %scan3A_18 = %scan3A_5 to %scan3A_7 step %scan3A_8  : i32 {
      %mul3A_19 = arith.constant 32 : i32
      %mul3A_20 = arith.muli %scan3A_18, %mul3A_19 : i32
      %add3A_21 = arith.addi %mul3A_20, %add3A : i32
      %mul3A_22 = arith.constant 128 : i32
      %mul3A_23 = arith.muli %add3A_21, %mul3A_22 : i32
      "tpu.region"() ({
        %run_scoped3A = tpu.sem_alloc : memref<!tpu.dma_semaphore, #tpu.memory_space<semaphore_mem>>
        %dma_start3A = tpu.memref_slice %arg2[%mul3A_23] : memref<163840xi32, #tpu.memory_space<hbm>> -> memref<128xi32, #tpu.memory_space<hbm>>
        %dma_start3A_24 = tpu.memref_slice %arg2[%mul3A_23] : memref<163840xi32, #tpu.memory_space<hbm>> -> memref<128xi32, #tpu.memory_space<hbm>>
        tpu.enqueue_dma source(%dma_start3A_24 : memref<128xi32, #tpu.memory_space<hbm>>) target(%arg6 : memref<128xi32, #tpu.memory_space<vmem>>) target_semaphore(%run_scoped3A : memref<!tpu.dma_semaphore, #tpu.memory_space<semaphore_mem>>)
        %dma_wait3A = tpu.memref_slice %arg2[%mul3A_23] : memref<163840xi32, #tpu.memory_space<hbm>> -> memref<128xi32, #tpu.memory_space<hbm>>
        %dma_wait3A_25 = tpu.memref_slice %arg2[%mul3A_23] : memref<163840xi32, #tpu.memory_space<hbm>> -> memref<128xi32, #tpu.memory_space<hbm>>
        tpu.wait_dma2 semaphore(%run_scoped3A : memref<!tpu.dma_semaphore, #tpu.memory_space<semaphore_mem>>) src(%dma_wait3A_25 : memref<128xi32, #tpu.memory_space<hbm>>) dst(%arg6 : memref<128xi32, #tpu.memory_space<vmem>>)
        tpu.yield
      }) : () -> ()
      "tpu.region"() ({
        %run_scoped3A = tpu.sem_alloc : memref<!tpu.dma_semaphore, #tpu.memory_space<semaphore_mem>>
        %dma_start3A = arith.constant 0 : i32
        %dma_start3A_24 = arith.constant 0 : i32
        %dma_start3A_25 = tpu.memref_slice %arg8[%dma_start3A, %dma_start3A_24] : memref<10112x128xf32, #tpu.memory_space<vmem_shared>> -> memref<10112x128xf32, #tpu.memory_space<vmem_shared>>
        tpu.enqueue_indirect_dma source(%arg7 : memref<128x128xf32, #tpu.memory_space<vmem>>) target(%dma_start3A_25 : memref<10112x128xf32, #tpu.memory_space<vmem_shared>>) offsets(%arg6 : memref<128xi32, #tpu.memory_space<vmem>>) semaphore(%run_scoped3A : memref<!tpu.dma_semaphore, #tpu.memory_space<semaphore_mem>>) {add = true}
        %dma_wait3A = arith.constant 0 : i32
        %dma_wait3A_26 = arith.constant 0 : i32
        %dma_wait3A_27 = tpu.memref_slice %arg8[%dma_wait3A, %dma_wait3A_26] : memref<10112x128xf32, #tpu.memory_space<vmem_shared>> -> memref<10112x128xf32, #tpu.memory_space<vmem_shared>>
        tpu.wait_indirect_dma semaphore(%run_scoped3A : memref<!tpu.dma_semaphore, #tpu.memory_space<semaphore_mem>>) src(%arg7 : memref<128x128xf32, #tpu.memory_space<vmem>>) dst(%dma_wait3A_27 : memref<10112x128xf32, #tpu.memory_space<vmem_shared>>)
        tpu.yield
      }) : () -> ()
    }
    %scan3A_9 = arith.constant 40 : i32
    %barrier3A_10 = arith.constant 0 : index
    tpu.barrier barrier_id(%barrier3A_10)
    %mul3A_11 = arith.constant 632 : i32
    %mul3A_12 = arith.muli %arg1, %mul3A_11 : i32
    %mul3A_13 = arith.constant 10112 : i32
    %mul3A_14 = arith.muli %arg0, %mul3A_13 : i32
    %mul3A_15 = arith.constant 632 : i32
    %mul3A_16 = arith.muli %arg1, %mul3A_15 : i32
    %add3A_17 = arith.addi %mul3A_14, %mul3A_16 : i32
    "tpu.region"() ({
      %run_scoped3A = tpu.sem_alloc : memref<!tpu.dma_semaphore, #tpu.memory_space<semaphore_mem>>
      %dma_start3A = arith.constant 0 : i32
      %dma_start3A_18 = tpu.memref_slice %arg5[%add3A_17, %dma_start3A] : memref<20224x128xf32, #tpu.memory_space<hbm>> -> memref<632x128xf32, #tpu.memory_space<hbm>>
      %dma_start3A_19 = arith.constant 0 : i32
      %dma_start3A_20 = tpu.memref_slice %arg8[%mul3A_12, %dma_start3A_19] : memref<10112x128xf32, #tpu.memory_space<vmem_shared>> -> memref<632x128xf32, #tpu.memory_space<vmem_shared>>
      tpu.enqueue_dma source(%dma_start3A_20 : memref<632x128xf32, #tpu.memory_space<vmem_shared>>) target(%dma_start3A_18 : memref<632x128xf32, #tpu.memory_space<hbm>>) target_semaphore(%run_scoped3A : memref<!tpu.dma_semaphore, #tpu.memory_space<semaphore_mem>>)
      %dma_wait3A = arith.constant 0 : i32
      %dma_wait3A_21 = tpu.memref_slice %arg5[%add3A_17, %dma_wait3A] : memref<20224x128xf32, #tpu.memory_space<hbm>> -> memref<632x128xf32, #tpu.memory_space<hbm>>
      %dma_wait3A_22 = arith.constant 0 : i32
      %dma_wait3A_23 = tpu.memref_slice %arg8[%mul3A_12, %dma_wait3A_22] : memref<10112x128xf32, #tpu.memory_space<vmem_shared>> -> memref<632x128xf32, #tpu.memory_space<vmem_shared>>
      tpu.wait_dma2 semaphore(%run_scoped3A : memref<!tpu.dma_semaphore, #tpu.memory_space<semaphore_mem>>) src(%dma_wait3A_23 : memref<632x128xf32, #tpu.memory_space<vmem_shared>>) dst(%dma_wait3A_21 : memref<632x128xf32, #tpu.memory_space<hbm>>)
      tpu.yield
    }) : () -> ()
    return
  }
}

#map = affine_map<(d0, d1) -> (0, 0)>
#map1 = affine_map<(d0, d1) -> (0)>
module attributes {stable_mosaic.version = 14 : i64} {
  func.func @scatter_k(%arg0: i32, %arg1: i32, %arg2: memref<163840x128xf32, #tpu.memory_space<hbm>>, %arg3: memref<163840xi32, #tpu.memory_space<hbm>>, %arg4: memref<10112x128xf32, #tpu.memory_space<hbm>>, %arg5: memref<20224x128xf32, #tpu.memory_space<hbm>>, %arg6: memref<128xi32, #tpu.memory_space<vmem>>, %arg7: memref<128x128xf32, #tpu.memory_space<vmem>>, %arg8: memref<10112x128xf32, #tpu.memory_space<vmem_shared>>, %arg9: memref<!tpu.dma_semaphore, #tpu.memory_space<semaphore_mem>>, %arg10: memref<!tpu.dma_semaphore, #tpu.memory_space<semaphore_mem>>) attributes {dimension_semantics = [#tpu.dimension_semantics<core_parallel>, #tpu.dimension_semantics<subcore_parallel>], iteration_bounds = array<i64: 2, 16>, scalar_prefetch = 0 : i64, scratch_operands = 5 : i64, tpu.core_type = #tpu.core_type<sc_vector_subcore>, window_params = [{transform_indices = #map}, {transform_indices = #map1}, {transform_indices = #map}, {transform_indices = #map}]} {
    %mul3A = arith.constant 2 : i32
    %mul3A_0 = arith.muli %arg1, %mul3A : i32
    %add3A = arith.addi %mul3A_0, %arg0 : i32
    %mul3A_1 = arith.constant 632 : i32
    %mul3A_2 = arith.muli %arg1, %mul3A_1 : i32
    %mul3A_3 = arith.constant 632 : i32
    %mul3A_4 = arith.muli %arg1, %mul3A_3 : i32
    "tpu.region"() ({
      %run_scoped3A = tpu.sem_alloc : memref<!tpu.dma_semaphore, #tpu.memory_space<semaphore_mem>>
      %dma_start3A = arith.constant 0 : i32
      %dma_start3A_18 = tpu.memref_slice %arg8[%mul3A_4, %dma_start3A] : memref<10112x128xf32, #tpu.memory_space<vmem_shared>> -> memref<632x128xf32, #tpu.memory_space<vmem_shared>>
      %dma_start3A_19 = arith.constant 0 : i32
      %dma_start3A_20 = tpu.memref_slice %arg4[%mul3A_2, %dma_start3A_19] : memref<10112x128xf32, #tpu.memory_space<hbm>> -> memref<632x128xf32, #tpu.memory_space<hbm>>
      tpu.enqueue_dma source(%dma_start3A_20 : memref<632x128xf32, #tpu.memory_space<hbm>>) target(%dma_start3A_18 : memref<632x128xf32, #tpu.memory_space<vmem_shared>>) target_semaphore(%run_scoped3A : memref<!tpu.dma_semaphore, #tpu.memory_space<semaphore_mem>>)
      %dma_wait3A = arith.constant 0 : i32
      %dma_wait3A_21 = tpu.memref_slice %arg8[%mul3A_4, %dma_wait3A] : memref<10112x128xf32, #tpu.memory_space<vmem_shared>> -> memref<632x128xf32, #tpu.memory_space<vmem_shared>>
      %dma_wait3A_22 = arith.constant 0 : i32
      %dma_wait3A_23 = tpu.memref_slice %arg4[%mul3A_2, %dma_wait3A_22] : memref<10112x128xf32, #tpu.memory_space<hbm>> -> memref<632x128xf32, #tpu.memory_space<hbm>>
      tpu.wait_dma2 semaphore(%run_scoped3A : memref<!tpu.dma_semaphore, #tpu.memory_space<semaphore_mem>>) src(%dma_wait3A_23 : memref<632x128xf32, #tpu.memory_space<hbm>>) dst(%dma_wait3A_21 : memref<632x128xf32, #tpu.memory_space<vmem_shared>>)
      tpu.yield
    }) : () -> ()
    %barrier3A = arith.constant 0 : index
    tpu.barrier barrier_id(%barrier3A)
    %scan3A = arith.constant 0 : i32
    %scan3A_5 = arith.constant 0 : i32
    %scan3A_6 = arith.constant 40 : i32
    %scan3A_7 = arith.addi %scan3A_5, %scan3A_6 : i32
    %scan3A_8 = arith.constant 1 : i32
    scf.for %scan3A_18 = %scan3A_5 to %scan3A_7 step %scan3A_8  : i32 {
      %mul3A_19 = arith.constant 32 : i32
      %mul3A_20 = arith.muli %scan3A_18, %mul3A_19 : i32
      %add3A_21 = arith.addi %mul3A_20, %add3A : i32
      %mul3A_22 = arith.constant 128 : i32
      %mul3A_23 = arith.muli %add3A_21, %mul3A_22 : i32
      %dma_start3A = tpu.memref_slice %arg3[%mul3A_23] : memref<163840xi32, #tpu.memory_space<hbm>> -> memref<128xi32, #tpu.memory_space<hbm>>
      %dma_start3A_24 = tpu.memref_slice %arg3[%mul3A_23] : memref<163840xi32, #tpu.memory_space<hbm>> -> memref<128xi32, #tpu.memory_space<hbm>>
      tpu.enqueue_dma source(%dma_start3A_24 : memref<128xi32, #tpu.memory_space<hbm>>) target(%arg6 : memref<128xi32, #tpu.memory_space<vmem>>) target_semaphore(%arg9 : memref<!tpu.dma_semaphore, #tpu.memory_space<semaphore_mem>>)
      %dma_start3A_25 = arith.constant 0 : i32
      %dma_start3A_26 = tpu.memref_slice %arg2[%mul3A_23, %dma_start3A_25] : memref<163840x128xf32, #tpu.memory_space<hbm>> -> memref<128x128xf32, #tpu.memory_space<hbm>>
      %dma_start3A_27 = arith.constant 0 : i32
      %dma_start3A_28 = tpu.memref_slice %arg2[%mul3A_23, %dma_start3A_27] : memref<163840x128xf32, #tpu.memory_space<hbm>> -> memref<128x128xf32, #tpu.memory_space<hbm>>
      tpu.enqueue_dma source(%dma_start3A_28 : memref<128x128xf32, #tpu.memory_space<hbm>>) target(%arg7 : memref<128x128xf32, #tpu.memory_space<vmem>>) target_semaphore(%arg10 : memref<!tpu.dma_semaphore, #tpu.memory_space<semaphore_mem>>)
      %dma_wait3A = tpu.memref_slice %arg3[%mul3A_23] : memref<163840xi32, #tpu.memory_space<hbm>> -> memref<128xi32, #tpu.memory_space<hbm>>
      %dma_wait3A_29 = tpu.memref_slice %arg3[%mul3A_23] : memref<163840xi32, #tpu.memory_space<hbm>> -> memref<128xi32, #tpu.memory_space<hbm>>
      tpu.wait_dma2 semaphore(%arg9 : memref<!tpu.dma_semaphore, #tpu.memory_space<semaphore_mem>>) src(%dma_wait3A_29 : memref<128xi32, #tpu.memory_space<hbm>>) dst(%arg6 : memref<128xi32, #tpu.memory_space<vmem>>)
      %dma_wait3A_30 = arith.constant 0 : i32
      %dma_wait3A_31 = tpu.memref_slice %arg2[%mul3A_23, %dma_wait3A_30] : memref<163840x128xf32, #tpu.memory_space<hbm>> -> memref<128x128xf32, #tpu.memory_space<hbm>>
      %dma_wait3A_32 = arith.constant 0 : i32
      %dma_wait3A_33 = tpu.memref_slice %arg2[%mul3A_23, %dma_wait3A_32] : memref<163840x128xf32, #tpu.memory_space<hbm>> -> memref<128x128xf32, #tpu.memory_space<hbm>>
      tpu.wait_dma2 semaphore(%arg10 : memref<!tpu.dma_semaphore, #tpu.memory_space<semaphore_mem>>) src(%dma_wait3A_33 : memref<128x128xf32, #tpu.memory_space<hbm>>) dst(%arg7 : memref<128x128xf32, #tpu.memory_space<vmem>>)
      "tpu.region"() ({
        %run_scoped3A = tpu.sem_alloc : memref<!tpu.dma_semaphore, #tpu.memory_space<semaphore_mem>>
        %dma_start3A_34 = arith.constant 0 : i32
        %dma_start3A_35 = arith.constant 0 : i32
        %dma_start3A_36 = tpu.memref_slice %arg8[%dma_start3A_34, %dma_start3A_35] : memref<10112x128xf32, #tpu.memory_space<vmem_shared>> -> memref<10112x128xf32, #tpu.memory_space<vmem_shared>>
        tpu.enqueue_indirect_dma source(%arg7 : memref<128x128xf32, #tpu.memory_space<vmem>>) target(%dma_start3A_36 : memref<10112x128xf32, #tpu.memory_space<vmem_shared>>) offsets(%arg6 : memref<128xi32, #tpu.memory_space<vmem>>) semaphore(%run_scoped3A : memref<!tpu.dma_semaphore, #tpu.memory_space<semaphore_mem>>) {add = true}
        %dma_wait3A_37 = arith.constant 0 : i32
        %dma_wait3A_38 = arith.constant 0 : i32
        %dma_wait3A_39 = tpu.memref_slice %arg8[%dma_wait3A_37, %dma_wait3A_38] : memref<10112x128xf32, #tpu.memory_space<vmem_shared>> -> memref<10112x128xf32, #tpu.memory_space<vmem_shared>>
        tpu.wait_indirect_dma semaphore(%run_scoped3A : memref<!tpu.dma_semaphore, #tpu.memory_space<semaphore_mem>>) src(%arg7 : memref<128x128xf32, #tpu.memory_space<vmem>>) dst(%dma_wait3A_39 : memref<10112x128xf32, #tpu.memory_space<vmem_shared>>)
        tpu.yield
      }) : () -> ()
    }
    %scan3A_9 = arith.constant 40 : i32
    %barrier3A_10 = arith.constant 0 : index
    tpu.barrier barrier_id(%barrier3A_10)
    %mul3A_11 = arith.constant 632 : i32
    %mul3A_12 = arith.muli %arg1, %mul3A_11 : i32
    %mul3A_13 = arith.constant 10112 : i32
    %mul3A_14 = arith.muli %arg0, %mul3A_13 : i32
    %mul3A_15 = arith.constant 632 : i32
    %mul3A_16 = arith.muli %arg1, %mul3A_15 : i32
    %add3A_17 = arith.addi %mul3A_14, %mul3A_16 : i32
    "tpu.region"() ({
      %run_scoped3A = tpu.sem_alloc : memref<!tpu.dma_semaphore, #tpu.memory_space<semaphore_mem>>
      %dma_start3A = arith.constant 0 : i32
      %dma_start3A_18 = tpu.memref_slice %arg5[%add3A_17, %dma_start3A] : memref<20224x128xf32, #tpu.memory_space<hbm>> -> memref<632x128xf32, #tpu.memory_space<hbm>>
      %dma_start3A_19 = arith.constant 0 : i32
      %dma_start3A_20 = tpu.memref_slice %arg8[%mul3A_12, %dma_start3A_19] : memref<10112x128xf32, #tpu.memory_space<vmem_shared>> -> memref<632x128xf32, #tpu.memory_space<vmem_shared>>
      tpu.enqueue_dma source(%dma_start3A_20 : memref<632x128xf32, #tpu.memory_space<vmem_shared>>) target(%dma_start3A_18 : memref<632x128xf32, #tpu.memory_space<hbm>>) target_semaphore(%run_scoped3A : memref<!tpu.dma_semaphore, #tpu.memory_space<semaphore_mem>>)
      %dma_wait3A = arith.constant 0 : i32
      %dma_wait3A_21 = tpu.memref_slice %arg5[%add3A_17, %dma_wait3A] : memref<20224x128xf32, #tpu.memory_space<hbm>> -> memref<632x128xf32, #tpu.memory_space<hbm>>
      %dma_wait3A_22 = arith.constant 0 : i32
      %dma_wait3A_23 = tpu.memref_slice %arg8[%mul3A_12, %dma_wait3A_22] : memref<10112x128xf32, #tpu.memory_space<vmem_shared>> -> memref<632x128xf32, #tpu.memory_space<vmem_shared>>
      tpu.wait_dma2 semaphore(%run_scoped3A : memref<!tpu.dma_semaphore, #tpu.memory_space<semaphore_mem>>) src(%dma_wait3A_23 : memref<632x128xf32, #tpu.memory_space<vmem_shared>>) dst(%dma_wait3A_21 : memref<632x128xf32, #tpu.memory_space<hbm>>)
      tpu.yield
    }) : () -> ()
    return
  }
}

#map = affine_map<(d0, d1) -> (0, 0)>
#map1 = affine_map<(d0, d1) -> (0)>
module attributes {stable_mosaic.version = 14 : i64} {
  func.func @scatter_k(%arg0: i32, %arg1: i32, %arg2: memref<163840x128xf32, #tpu.memory_space<hbm>>, %arg3: memref<163840xi32, #tpu.memory_space<hbm>>, %arg4: memref<10112x128xf32, #tpu.memory_space<hbm>>, %arg5: memref<20224x128xf32, #tpu.memory_space<hbm>>, %arg6: memref<128xi32, #tpu.memory_space<vmem>>, %arg7: memref<128x128xf32, #tpu.memory_space<vmem>>, %arg8: memref<10112x128xf32, #tpu.memory_space<vmem_shared>>, %arg9: memref<!tpu.dma_semaphore, #tpu.memory_space<semaphore_mem>>, %arg10: memref<!tpu.dma_semaphore, #tpu.memory_space<semaphore_mem>>) attributes {dimension_semantics = [#tpu.dimension_semantics<core_parallel>, #tpu.dimension_semantics<subcore_parallel>], iteration_bounds = array<i64: 2, 16>, scalar_prefetch = 0 : i64, scratch_operands = 5 : i64, tpu.core_type = #tpu.core_type<sc_vector_subcore>, window_params = [{transform_indices = #map}, {transform_indices = #map1}, {transform_indices = #map}, {transform_indices = #map}]} {
    %mul3A = arith.constant 2 : i32
    %mul3A_0 = arith.muli %arg1, %mul3A : i32
    %add3A = arith.addi %mul3A_0, %arg0 : i32
    %mul3A_1 = arith.constant 632 : i32
    %mul3A_2 = arith.muli %arg1, %mul3A_1 : i32
    %mul3A_3 = arith.constant 632 : i32
    %mul3A_4 = arith.muli %arg1, %mul3A_3 : i32
    "tpu.region"() ({
      %run_scoped3A = tpu.sem_alloc : memref<!tpu.dma_semaphore, #tpu.memory_space<semaphore_mem>>
      %dma_start3A = arith.constant 0 : i32
      %dma_start3A_18 = tpu.memref_slice %arg8[%mul3A_4, %dma_start3A] : memref<10112x128xf32, #tpu.memory_space<vmem_shared>> -> memref<632x128xf32, #tpu.memory_space<vmem_shared>>
      %dma_start3A_19 = arith.constant 0 : i32
      %dma_start3A_20 = tpu.memref_slice %arg4[%mul3A_2, %dma_start3A_19] : memref<10112x128xf32, #tpu.memory_space<hbm>> -> memref<632x128xf32, #tpu.memory_space<hbm>>
      tpu.enqueue_dma source(%dma_start3A_20 : memref<632x128xf32, #tpu.memory_space<hbm>>) target(%dma_start3A_18 : memref<632x128xf32, #tpu.memory_space<vmem_shared>>) target_semaphore(%run_scoped3A : memref<!tpu.dma_semaphore, #tpu.memory_space<semaphore_mem>>)
      %dma_wait3A = arith.constant 0 : i32
      %dma_wait3A_21 = tpu.memref_slice %arg8[%mul3A_4, %dma_wait3A] : memref<10112x128xf32, #tpu.memory_space<vmem_shared>> -> memref<632x128xf32, #tpu.memory_space<vmem_shared>>
      %dma_wait3A_22 = arith.constant 0 : i32
      %dma_wait3A_23 = tpu.memref_slice %arg4[%mul3A_2, %dma_wait3A_22] : memref<10112x128xf32, #tpu.memory_space<hbm>> -> memref<632x128xf32, #tpu.memory_space<hbm>>
      tpu.wait_dma2 semaphore(%run_scoped3A : memref<!tpu.dma_semaphore, #tpu.memory_space<semaphore_mem>>) src(%dma_wait3A_23 : memref<632x128xf32, #tpu.memory_space<hbm>>) dst(%dma_wait3A_21 : memref<632x128xf32, #tpu.memory_space<vmem_shared>>)
      tpu.yield
    }) : () -> ()
    %barrier3A = arith.constant 0 : index
    tpu.barrier barrier_id(%barrier3A)
    %scan3A = arith.constant 0 : i32
    %scan3A_5 = arith.constant 0 : i32
    %scan3A_6 = arith.constant 40 : i32
    %scan3A_7 = arith.addi %scan3A_5, %scan3A_6 : i32
    %scan3A_8 = arith.constant 1 : i32
    scf.for %scan3A_18 = %scan3A_5 to %scan3A_7 step %scan3A_8  : i32 {
      %mul3A_19 = arith.constant 32 : i32
      %mul3A_20 = arith.muli %scan3A_18, %mul3A_19 : i32
      %add3A_21 = arith.addi %mul3A_20, %add3A : i32
      %mul3A_22 = arith.constant 128 : i32
      %mul3A_23 = arith.muli %add3A_21, %mul3A_22 : i32
      %dma_start3A = tpu.memref_slice %arg3[%mul3A_23] : memref<163840xi32, #tpu.memory_space<hbm>> -> memref<128xi32, #tpu.memory_space<hbm>>
      %dma_start3A_24 = tpu.memref_slice %arg3[%mul3A_23] : memref<163840xi32, #tpu.memory_space<hbm>> -> memref<128xi32, #tpu.memory_space<hbm>>
      tpu.enqueue_dma source(%dma_start3A_24 : memref<128xi32, #tpu.memory_space<hbm>>) target(%arg6 : memref<128xi32, #tpu.memory_space<vmem>>) target_semaphore(%arg9 : memref<!tpu.dma_semaphore, #tpu.memory_space<semaphore_mem>>)
      %dma_start3A_25 = arith.constant 0 : i32
      %dma_start3A_26 = tpu.memref_slice %arg2[%mul3A_23, %dma_start3A_25] : memref<163840x128xf32, #tpu.memory_space<hbm>> -> memref<128x128xf32, #tpu.memory_space<hbm>>
      %dma_start3A_27 = arith.constant 0 : i32
      %dma_start3A_28 = tpu.memref_slice %arg2[%mul3A_23, %dma_start3A_27] : memref<163840x128xf32, #tpu.memory_space<hbm>> -> memref<128x128xf32, #tpu.memory_space<hbm>>
      tpu.enqueue_dma source(%dma_start3A_28 : memref<128x128xf32, #tpu.memory_space<hbm>>) target(%arg7 : memref<128x128xf32, #tpu.memory_space<vmem>>) target_semaphore(%arg10 : memref<!tpu.dma_semaphore, #tpu.memory_space<semaphore_mem>>)
      %dma_wait3A = tpu.memref_slice %arg3[%mul3A_23] : memref<163840xi32, #tpu.memory_space<hbm>> -> memref<128xi32, #tpu.memory_space<hbm>>
      %dma_wait3A_29 = tpu.memref_slice %arg3[%mul3A_23] : memref<163840xi32, #tpu.memory_space<hbm>> -> memref<128xi32, #tpu.memory_space<hbm>>
      tpu.wait_dma2 semaphore(%arg9 : memref<!tpu.dma_semaphore, #tpu.memory_space<semaphore_mem>>) src(%dma_wait3A_29 : memref<128xi32, #tpu.memory_space<hbm>>) dst(%arg6 : memref<128xi32, #tpu.memory_space<vmem>>)
      %dma_wait3A_30 = arith.constant 0 : i32
      %dma_wait3A_31 = tpu.memref_slice %arg2[%mul3A_23, %dma_wait3A_30] : memref<163840x128xf32, #tpu.memory_space<hbm>> -> memref<128x128xf32, #tpu.memory_space<hbm>>
      %dma_wait3A_32 = arith.constant 0 : i32
      %dma_wait3A_33 = tpu.memref_slice %arg2[%mul3A_23, %dma_wait3A_32] : memref<163840x128xf32, #tpu.memory_space<hbm>> -> memref<128x128xf32, #tpu.memory_space<hbm>>
      tpu.wait_dma2 semaphore(%arg10 : memref<!tpu.dma_semaphore, #tpu.memory_space<semaphore_mem>>) src(%dma_wait3A_33 : memref<128x128xf32, #tpu.memory_space<hbm>>) dst(%arg7 : memref<128x128xf32, #tpu.memory_space<vmem>>)
      "tpu.region"() ({
        %run_scoped3A = tpu.sem_alloc : memref<!tpu.dma_semaphore, #tpu.memory_space<semaphore_mem>>
        %dma_start3A_34 = arith.constant 0 : i32
        %dma_start3A_35 = arith.constant 0 : i32
        %dma_start3A_36 = tpu.memref_slice %arg8[%dma_start3A_34, %dma_start3A_35] : memref<10112x128xf32, #tpu.memory_space<vmem_shared>> -> memref<10112x128xf32, #tpu.memory_space<vmem_shared>>
        tpu.enqueue_indirect_dma source(%arg7 : memref<128x128xf32, #tpu.memory_space<vmem>>) target(%dma_start3A_36 : memref<10112x128xf32, #tpu.memory_space<vmem_shared>>) offsets(%arg6 : memref<128xi32, #tpu.memory_space<vmem>>) semaphore(%run_scoped3A : memref<!tpu.dma_semaphore, #tpu.memory_space<semaphore_mem>>) {add = true}
        %dma_wait3A_37 = arith.constant 0 : i32
        %dma_wait3A_38 = arith.constant 0 : i32
        %dma_wait3A_39 = tpu.memref_slice %arg8[%dma_wait3A_37, %dma_wait3A_38] : memref<10112x128xf32, #tpu.memory_space<vmem_shared>> -> memref<10112x128xf32, #tpu.memory_space<vmem_shared>>
        tpu.wait_indirect_dma semaphore(%run_scoped3A : memref<!tpu.dma_semaphore, #tpu.memory_space<semaphore_mem>>) src(%arg7 : memref<128x128xf32, #tpu.memory_space<vmem>>) dst(%dma_wait3A_39 : memref<10112x128xf32, #tpu.memory_space<vmem_shared>>)
        tpu.yield
      }) : () -> ()
    }
    %scan3A_9 = arith.constant 40 : i32
    %barrier3A_10 = arith.constant 0 : index
    tpu.barrier barrier_id(%barrier3A_10)
    %mul3A_11 = arith.constant 632 : i32
    %mul3A_12 = arith.muli %arg1, %mul3A_11 : i32
    %mul3A_13 = arith.constant 10112 : i32
    %mul3A_14 = arith.muli %arg0, %mul3A_13 : i32
    %mul3A_15 = arith.constant 632 : i32
    %mul3A_16 = arith.muli %arg1, %mul3A_15 : i32
    %add3A_17 = arith.addi %mul3A_14, %mul3A_16 : i32
    "tpu.region"() ({
      %run_scoped3A = tpu.sem_alloc : memref<!tpu.dma_semaphore, #tpu.memory_space<semaphore_mem>>
      %dma_start3A = arith.constant 0 : i32
      %dma_start3A_18 = tpu.memref_slice %arg5[%add3A_17, %dma_start3A] : memref<20224x128xf32, #tpu.memory_space<hbm>> -> memref<632x128xf32, #tpu.memory_space<hbm>>
      %dma_start3A_19 = arith.constant 0 : i32
      %dma_start3A_20 = tpu.memref_slice %arg8[%mul3A_12, %dma_start3A_19] : memref<10112x128xf32, #tpu.memory_space<vmem_shared>> -> memref<632x128xf32, #tpu.memory_space<vmem_shared>>
      tpu.enqueue_dma source(%dma_start3A_20 : memref<632x128xf32, #tpu.memory_space<vmem_shared>>) target(%dma_start3A_18 : memref<632x128xf32, #tpu.memory_space<hbm>>) target_semaphore(%run_scoped3A : memref<!tpu.dma_semaphore, #tpu.memory_space<semaphore_mem>>)
      %dma_wait3A = arith.constant 0 : i32
      %dma_wait3A_21 = tpu.memref_slice %arg5[%add3A_17, %dma_wait3A] : memref<20224x128xf32, #tpu.memory_space<hbm>> -> memref<632x128xf32, #tpu.memory_space<hbm>>
      %dma_wait3A_22 = arith.constant 0 : i32
      %dma_wait3A_23 = tpu.memref_slice %arg8[%mul3A_12, %dma_wait3A_22] : memref<10112x128xf32, #tpu.memory_space<vmem_shared>> -> memref<632x128xf32, #tpu.memory_space<vmem_shared>>
      tpu.wait_dma2 semaphore(%run_scoped3A : memref<!tpu.dma_semaphore, #tpu.memory_space<semaphore_mem>>) src(%dma_wait3A_23 : memref<632x128xf32, #tpu.memory_space<vmem_shared>>) dst(%dma_wait3A_21 : memref<632x128xf32, #tpu.memory_space<hbm>>)
      tpu.yield
    }) : () -> ()
    return
  }
}

#map = affine_map<(d0, d1) -> (0, 0)>
#map1 = affine_map<(d0, d1) -> (0)>
module attributes {stable_mosaic.version = 14 : i64} {
  func.func @gather_k(%arg0: i32, %arg1: i32, %arg2: memref<10000x128xf32, #tpu.memory_space<hbm>>, %arg3: memref<163840xi32, #tpu.memory_space<hbm>>, %arg4: memref<163840x128xf32, #tpu.memory_space<hbm>>, %arg5: memref<128xi32, #tpu.memory_space<vmem>>, %arg6: memref<128x128xf32, #tpu.memory_space<vmem>>, %arg7: memref<!tpu.dma_semaphore, #tpu.memory_space<semaphore_mem>>) attributes {dimension_semantics = [#tpu.dimension_semantics<core_parallel>, #tpu.dimension_semantics<subcore_parallel>], iteration_bounds = array<i64: 2, 16>, scalar_prefetch = 0 : i64, scratch_operands = 3 : i64, tpu.core_type = #tpu.core_type<sc_vector_subcore>, window_params = [{transform_indices = #map}, {transform_indices = #map1}, {transform_indices = #map}]} {
    %mul3A = arith.constant 2 : i32
    %mul3A_0 = arith.muli %arg1, %mul3A : i32
    %add3A = arith.addi %mul3A_0, %arg0 : i32
    %scan3A = arith.constant 0 : i32
    %scan3A_1 = arith.constant 0 : i32
    %scan3A_2 = arith.constant 40 : i32
    %scan3A_3 = arith.addi %scan3A_1, %scan3A_2 : i32
    %scan3A_4 = arith.constant 1 : i32
    scf.for %scan3A_6 = %scan3A_1 to %scan3A_3 step %scan3A_4  : i32 {
      %mul3A_7 = arith.constant 32 : i32
      %mul3A_8 = arith.muli %scan3A_6, %mul3A_7 : i32
      %add3A_9 = arith.addi %mul3A_8, %add3A : i32
      %mul3A_10 = arith.constant 128 : i32
      %mul3A_11 = arith.muli %add3A_9, %mul3A_10 : i32
      "tpu.region"() ({
        %run_scoped3A = tpu.sem_alloc : memref<!tpu.dma_semaphore, #tpu.memory_space<semaphore_mem>>
        %dma_start3A_16 = tpu.memref_slice %arg3[%mul3A_11] : memref<163840xi32, #tpu.memory_space<hbm>> -> memref<128xi32, #tpu.memory_space<hbm>>
        %dma_start3A_17 = tpu.memref_slice %arg3[%mul3A_11] : memref<163840xi32, #tpu.memory_space<hbm>> -> memref<128xi32, #tpu.memory_space<hbm>>
        tpu.enqueue_dma source(%dma_start3A_17 : memref<128xi32, #tpu.memory_space<hbm>>) target(%arg5 : memref<128xi32, #tpu.memory_space<vmem>>) target_semaphore(%run_scoped3A : memref<!tpu.dma_semaphore, #tpu.memory_space<semaphore_mem>>)
        %dma_wait3A_18 = tpu.memref_slice %arg3[%mul3A_11] : memref<163840xi32, #tpu.memory_space<hbm>> -> memref<128xi32, #tpu.memory_space<hbm>>
        %dma_wait3A_19 = tpu.memref_slice %arg3[%mul3A_11] : memref<163840xi32, #tpu.memory_space<hbm>> -> memref<128xi32, #tpu.memory_space<hbm>>
        tpu.wait_dma2 semaphore(%run_scoped3A : memref<!tpu.dma_semaphore, #tpu.memory_space<semaphore_mem>>) src(%dma_wait3A_19 : memref<128xi32, #tpu.memory_space<hbm>>) dst(%arg5 : memref<128xi32, #tpu.memory_space<vmem>>)
        tpu.yield
      }) : () -> ()
      %dma_start3A = arith.constant 0 : i32
      %dma_start3A_12 = arith.constant 0 : i32
      %dma_start3A_13 = tpu.memref_slice %arg2[%dma_start3A, %dma_start3A_12] : memref<10000x128xf32, #tpu.memory_space<hbm>> -> memref<10000x128xf32, #tpu.memory_space<hbm>>
      tpu.enqueue_indirect_dma source(%dma_start3A_13 : memref<10000x128xf32, #tpu.memory_space<hbm>>) target(%arg6 : memref<128x128xf32, #tpu.memory_space<vmem>>) offsets(%arg5 : memref<128xi32, #tpu.memory_space<vmem>>) semaphore(%arg7 : memref<!tpu.dma_semaphore, #tpu.memory_space<semaphore_mem>>)
      %dma_wait3A = arith.constant 0 : i32
      %dma_wait3A_14 = arith.constant 0 : i32
      %dma_wait3A_15 = tpu.memref_slice %arg2[%dma_wait3A, %dma_wait3A_14] : memref<10000x128xf32, #tpu.memory_space<hbm>> -> memref<10000x128xf32, #tpu.memory_space<hbm>>
      tpu.wait_indirect_dma semaphore(%arg7 : memref<!tpu.dma_semaphore, #tpu.memory_space<semaphore_mem>>) src(%dma_wait3A_15 : memref<10000x128xf32, #tpu.memory_space<hbm>>) dst(%arg6 : memref<128x128xf32, #tpu.memory_space<vmem>>)
      "tpu.region"() ({
        %run_scoped3A = tpu.sem_alloc : memref<!tpu.dma_semaphore, #tpu.memory_space<semaphore_mem>>
        %dma_start3A_16 = arith.constant 0 : i32
        %dma_start3A_17 = tpu.memref_slice %arg4[%mul3A_11, %dma_start3A_16] : memref<163840x128xf32, #tpu.memory_space<hbm>> -> memref<128x128xf32, #tpu.memory_space<hbm>>
        %dma_start3A_18 = arith.constant 0 : i32
        %dma_start3A_19 = tpu.memref_slice %arg4[%mul3A_11, %dma_start3A_18] : memref<163840x128xf32, #tpu.memory_space<hbm>> -> memref<128x128xf32, #tpu.memory_space<hbm>>
        tpu.enqueue_dma source(%arg6 : memref<128x128xf32, #tpu.memory_space<vmem>>) target(%dma_start3A_19 : memref<128x128xf32, #tpu.memory_space<hbm>>) target_semaphore(%run_scoped3A : memref<!tpu.dma_semaphore, #tpu.memory_space<semaphore_mem>>)
        %dma_wait3A_20 = arith.constant 0 : i32
        %dma_wait3A_21 = tpu.memref_slice %arg4[%mul3A_11, %dma_wait3A_20] : memref<163840x128xf32, #tpu.memory_space<hbm>> -> memref<128x128xf32, #tpu.memory_space<hbm>>
        %dma_wait3A_22 = arith.constant 0 : i32
        %dma_wait3A_23 = tpu.memref_slice %arg4[%mul3A_11, %dma_wait3A_22] : memref<163840x128xf32, #tpu.memory_space<hbm>> -> memref<128x128xf32, #tpu.memory_space<hbm>>
        tpu.wait_dma2 semaphore(%run_scoped3A : memref<!tpu.dma_semaphore, #tpu.memory_space<semaphore_mem>>) src(%arg6 : memref<128x128xf32, #tpu.memory_space<vmem>>) dst(%dma_wait3A_23 : memref<128x128xf32, #tpu.memory_space<hbm>>)
        tpu.yield
      }) : () -> ()
    }
    %scan3A_5 = arith.constant 40 : i32
    return
  }
}

#map = affine_map<(d0, d1) -> (0, 0)>
#map1 = affine_map<(d0, d1) -> (0)>
module attributes {stable_mosaic.version = 14 : i64} {
  func.func @scatter_k(%arg0: i32, %arg1: i32, %arg2: memref<163840x128xf32, #tpu.memory_space<hbm>>, %arg3: memref<163840xi32, #tpu.memory_space<hbm>>, %arg4: memref<10112x128xf32, #tpu.memory_space<hbm>>, %arg5: memref<20224x128xf32, #tpu.memory_space<hbm>>, %arg6: memref<128xi32, #tpu.memory_space<vmem>>, %arg7: memref<128x128xf32, #tpu.memory_space<vmem>>, %arg8: memref<10112x128xf32, #tpu.memory_space<vmem_shared>>, %arg9: memref<!tpu.dma_semaphore, #tpu.memory_space<semaphore_mem>>, %arg10: memref<!tpu.dma_semaphore, #tpu.memory_space<semaphore_mem>>) attributes {dimension_semantics = [#tpu.dimension_semantics<core_parallel>, #tpu.dimension_semantics<subcore_parallel>], iteration_bounds = array<i64: 2, 16>, scalar_prefetch = 0 : i64, scratch_operands = 5 : i64, tpu.core_type = #tpu.core_type<sc_vector_subcore>, window_params = [{transform_indices = #map}, {transform_indices = #map1}, {transform_indices = #map}, {transform_indices = #map}]} {
    %mul3A = arith.constant 2 : i32
    %mul3A_0 = arith.muli %arg1, %mul3A : i32
    %add3A = arith.addi %mul3A_0, %arg0 : i32
    %mul3A_1 = arith.constant 632 : i32
    %mul3A_2 = arith.muli %arg1, %mul3A_1 : i32
    %mul3A_3 = arith.constant 632 : i32
    %mul3A_4 = arith.muli %arg1, %mul3A_3 : i32
    "tpu.region"() ({
      %run_scoped3A = tpu.sem_alloc : memref<!tpu.dma_semaphore, #tpu.memory_space<semaphore_mem>>
      %dma_start3A = arith.constant 0 : i32
      %dma_start3A_18 = tpu.memref_slice %arg8[%mul3A_4, %dma_start3A] : memref<10112x128xf32, #tpu.memory_space<vmem_shared>> -> memref<632x128xf32, #tpu.memory_space<vmem_shared>>
      %dma_start3A_19 = arith.constant 0 : i32
      %dma_start3A_20 = tpu.memref_slice %arg4[%mul3A_2, %dma_start3A_19] : memref<10112x128xf32, #tpu.memory_space<hbm>> -> memref<632x128xf32, #tpu.memory_space<hbm>>
      tpu.enqueue_dma source(%dma_start3A_20 : memref<632x128xf32, #tpu.memory_space<hbm>>) target(%dma_start3A_18 : memref<632x128xf32, #tpu.memory_space<vmem_shared>>) target_semaphore(%run_scoped3A : memref<!tpu.dma_semaphore, #tpu.memory_space<semaphore_mem>>)
      %dma_wait3A = arith.constant 0 : i32
      %dma_wait3A_21 = tpu.memref_slice %arg8[%mul3A_4, %dma_wait3A] : memref<10112x128xf32, #tpu.memory_space<vmem_shared>> -> memref<632x128xf32, #tpu.memory_space<vmem_shared>>
      %dma_wait3A_22 = arith.constant 0 : i32
      %dma_wait3A_23 = tpu.memref_slice %arg4[%mul3A_2, %dma_wait3A_22] : memref<10112x128xf32, #tpu.memory_space<hbm>> -> memref<632x128xf32, #tpu.memory_space<hbm>>
      tpu.wait_dma2 semaphore(%run_scoped3A : memref<!tpu.dma_semaphore, #tpu.memory_space<semaphore_mem>>) src(%dma_wait3A_23 : memref<632x128xf32, #tpu.memory_space<hbm>>) dst(%dma_wait3A_21 : memref<632x128xf32, #tpu.memory_space<vmem_shared>>)
      tpu.yield
    }) : () -> ()
    %barrier3A = arith.constant 0 : index
    tpu.barrier barrier_id(%barrier3A)
    %scan3A = arith.constant 0 : i32
    %scan3A_5 = arith.constant 0 : i32
    %scan3A_6 = arith.constant 40 : i32
    %scan3A_7 = arith.addi %scan3A_5, %scan3A_6 : i32
    %scan3A_8 = arith.constant 1 : i32
    scf.for %scan3A_18 = %scan3A_5 to %scan3A_7 step %scan3A_8  : i32 {
      %mul3A_19 = arith.constant 32 : i32
      %mul3A_20 = arith.muli %scan3A_18, %mul3A_19 : i32
      %add3A_21 = arith.addi %mul3A_20, %add3A : i32
      %mul3A_22 = arith.constant 128 : i32
      %mul3A_23 = arith.muli %add3A_21, %mul3A_22 : i32
      %dma_start3A = tpu.memref_slice %arg3[%mul3A_23] : memref<163840xi32, #tpu.memory_space<hbm>> -> memref<128xi32, #tpu.memory_space<hbm>>
      %dma_start3A_24 = tpu.memref_slice %arg3[%mul3A_23] : memref<163840xi32, #tpu.memory_space<hbm>> -> memref<128xi32, #tpu.memory_space<hbm>>
      tpu.enqueue_dma source(%dma_start3A_24 : memref<128xi32, #tpu.memory_space<hbm>>) target(%arg6 : memref<128xi32, #tpu.memory_space<vmem>>) target_semaphore(%arg9 : memref<!tpu.dma_semaphore, #tpu.memory_space<semaphore_mem>>)
      %dma_start3A_25 = arith.constant 0 : i32
      %dma_start3A_26 = tpu.memref_slice %arg2[%mul3A_23, %dma_start3A_25] : memref<163840x128xf32, #tpu.memory_space<hbm>> -> memref<128x128xf32, #tpu.memory_space<hbm>>
      %dma_start3A_27 = arith.constant 0 : i32
      %dma_start3A_28 = tpu.memref_slice %arg2[%mul3A_23, %dma_start3A_27] : memref<163840x128xf32, #tpu.memory_space<hbm>> -> memref<128x128xf32, #tpu.memory_space<hbm>>
      tpu.enqueue_dma source(%dma_start3A_28 : memref<128x128xf32, #tpu.memory_space<hbm>>) target(%arg7 : memref<128x128xf32, #tpu.memory_space<vmem>>) target_semaphore(%arg10 : memref<!tpu.dma_semaphore, #tpu.memory_space<semaphore_mem>>)
      %dma_wait3A = tpu.memref_slice %arg3[%mul3A_23] : memref<163840xi32, #tpu.memory_space<hbm>> -> memref<128xi32, #tpu.memory_space<hbm>>
      %dma_wait3A_29 = tpu.memref_slice %arg3[%mul3A_23] : memref<163840xi32, #tpu.memory_space<hbm>> -> memref<128xi32, #tpu.memory_space<hbm>>
      tpu.wait_dma2 semaphore(%arg9 : memref<!tpu.dma_semaphore, #tpu.memory_space<semaphore_mem>>) src(%dma_wait3A_29 : memref<128xi32, #tpu.memory_space<hbm>>) dst(%arg6 : memref<128xi32, #tpu.memory_space<vmem>>)
      %dma_wait3A_30 = arith.constant 0 : i32
      %dma_wait3A_31 = tpu.memref_slice %arg2[%mul3A_23, %dma_wait3A_30] : memref<163840x128xf32, #tpu.memory_space<hbm>> -> memref<128x128xf32, #tpu.memory_space<hbm>>
      %dma_wait3A_32 = arith.constant 0 : i32
      %dma_wait3A_33 = tpu.memref_slice %arg2[%mul3A_23, %dma_wait3A_32] : memref<163840x128xf32, #tpu.memory_space<hbm>> -> memref<128x128xf32, #tpu.memory_space<hbm>>
      tpu.wait_dma2 semaphore(%arg10 : memref<!tpu.dma_semaphore, #tpu.memory_space<semaphore_mem>>) src(%dma_wait3A_33 : memref<128x128xf32, #tpu.memory_space<hbm>>) dst(%arg7 : memref<128x128xf32, #tpu.memory_space<vmem>>)
      "tpu.region"() ({
        %run_scoped3A = tpu.sem_alloc : memref<!tpu.dma_semaphore, #tpu.memory_space<semaphore_mem>>
        %dma_start3A_34 = arith.constant 0 : i32
        %dma_start3A_35 = arith.constant 0 : i32
        %dma_start3A_36 = tpu.memref_slice %arg8[%dma_start3A_34, %dma_start3A_35] : memref<10112x128xf32, #tpu.memory_space<vmem_shared>> -> memref<10112x128xf32, #tpu.memory_space<vmem_shared>>
        tpu.enqueue_indirect_dma source(%arg7 : memref<128x128xf32, #tpu.memory_space<vmem>>) target(%dma_start3A_36 : memref<10112x128xf32, #tpu.memory_space<vmem_shared>>) offsets(%arg6 : memref<128xi32, #tpu.memory_space<vmem>>) semaphore(%run_scoped3A : memref<!tpu.dma_semaphore, #tpu.memory_space<semaphore_mem>>) {add = true}
        %dma_wait3A_37 = arith.constant 0 : i32
        %dma_wait3A_38 = arith.constant 0 : i32
        %dma_wait3A_39 = tpu.memref_slice %arg8[%dma_wait3A_37, %dma_wait3A_38] : memref<10112x128xf32, #tpu.memory_space<vmem_shared>> -> memref<10112x128xf32, #tpu.memory_space<vmem_shared>>
        tpu.wait_indirect_dma semaphore(%run_scoped3A : memref<!tpu.dma_semaphore, #tpu.memory_space<semaphore_mem>>) src(%arg7 : memref<128x128xf32, #tpu.memory_space<vmem>>) dst(%dma_wait3A_39 : memref<10112x128xf32, #tpu.memory_space<vmem_shared>>)
        tpu.yield
      }) : () -> ()
    }
    %scan3A_9 = arith.constant 40 : i32
    %barrier3A_10 = arith.constant 0 : index
    tpu.barrier barrier_id(%barrier3A_10)
    %mul3A_11 = arith.constant 632 : i32
    %mul3A_12 = arith.muli %arg1, %mul3A_11 : i32
    %mul3A_13 = arith.constant 10112 : i32
    %mul3A_14 = arith.muli %arg0, %mul3A_13 : i32
    %mul3A_15 = arith.constant 632 : i32
    %mul3A_16 = arith.muli %arg1, %mul3A_15 : i32
    %add3A_17 = arith.addi %mul3A_14, %mul3A_16 : i32
    "tpu.region"() ({
      %run_scoped3A = tpu.sem_alloc : memref<!tpu.dma_semaphore, #tpu.memory_space<semaphore_mem>>
      %dma_start3A = arith.constant 0 : i32
      %dma_start3A_18 = tpu.memref_slice %arg5[%add3A_17, %dma_start3A] : memref<20224x128xf32, #tpu.memory_space<hbm>> -> memref<632x128xf32, #tpu.memory_space<hbm>>
      %dma_start3A_19 = arith.constant 0 : i32
      %dma_start3A_20 = tpu.memref_slice %arg8[%mul3A_12, %dma_start3A_19] : memref<10112x128xf32, #tpu.memory_space<vmem_shared>> -> memref<632x128xf32, #tpu.memory_space<vmem_shared>>
      tpu.enqueue_dma source(%dma_start3A_20 : memref<632x128xf32, #tpu.memory_space<vmem_shared>>) target(%dma_start3A_18 : memref<632x128xf32, #tpu.memory_space<hbm>>) target_semaphore(%run_scoped3A : memref<!tpu.dma_semaphore, #tpu.memory_space<semaphore_mem>>)
      %dma_wait3A = arith.constant 0 : i32
      %dma_wait3A_21 = tpu.memref_slice %arg5[%add3A_17, %dma_wait3A] : memref<20224x128xf32, #tpu.memory_space<hbm>> -> memref<632x128xf32, #tpu.memory_space<hbm>>
      %dma_wait3A_22 = arith.constant 0 : i32
      %dma_wait3A_23 = tpu.memref_slice %arg8[%mul3A_12, %dma_wait3A_22] : memref<10112x128xf32, #tpu.memory_space<vmem_shared>> -> memref<632x128xf32, #tpu.memory_space<vmem_shared>>
      tpu.wait_dma2 semaphore(%run_scoped3A : memref<!tpu.dma_semaphore, #tpu.memory_space<semaphore_mem>>) src(%dma_wait3A_23 : memref<632x128xf32, #tpu.memory_space<vmem_shared>>) dst(%dma_wait3A_21 : memref<632x128xf32, #tpu.memory_space<hbm>>)
      tpu.yield
    }) : () -> ()
    return
  }
}

module attributes {stable_mosaic.version = 14 : i64} {
  func.func @_lin0_body(%arg0: i32, %arg1: memref<1000x128xf32, #tpu.memory_space<vmem>>, %arg2: memref<128x128xf32, #tpu.memory_space<vmem>>, %arg3: memref<1x128xf32, #tpu.memory_space<vmem>>, %arg4: memref<1000x128xf32, #tpu.memory_space<vmem>>) attributes {dimension_semantics = [#tpu.dimension_semantics<arbitrary>], iteration_bounds = array<i64: 10>, scalar_prefetch = 0 : i64, scratch_operands = 0 : i64, tpu.core_type = #tpu.core_type<tc>, window_params = [{transform_indices = @transform_0, window_bounds = array<i64: 1000, 128>}, {pipeline_mode = #tpu.pipeline_mode<synchronous>, transform_indices = @transform_1, window_bounds = array<i64: 128, 128>}, {pipeline_mode = #tpu.pipeline_mode<synchronous>, transform_indices = @transform_2, window_bounds = array<i64: 1, 128>}, {transform_indices = @transform_3, window_bounds = array<i64: 1000, 128>}]} {
    %get3A = arith.constant 0 : index
    %get3A_0 = arith.constant 0 : index
    %get3A_1 = vector.load %arg1[%get3A, %get3A_0] : memref<1000x128xf32, #tpu.memory_space<vmem>>, vector<1000x128xf32>
    %get3A_2 = arith.constant 0 : index
    %get3A_3 = arith.constant 0 : index
    %get3A_4 = vector.load %arg2[%get3A_2, %get3A_3] : memref<128x128xf32, #tpu.memory_space<vmem>>, vector<128x128xf32>
    %dot_general3A = arith.constant dense<0.000000e+00> : vector<1000x128xf32>
    %dot_general3A_5 = tpu.matmul %get3A_1, %get3A_4, %dot_general3A {dimension_numbers = #tpu.dot_dimension_numbers<[1], [0], [0], [1], [0, 0, 1, 1], [], []>, transpose_lhs_hint = false} : vector<1000x128xf32>, vector<128x128xf32>, vector<1000x128xf32> -> vector<1000x128xf32>
    %get3A_6 = arith.constant 0 : index
    %get3A_7 = arith.constant 0 : index
    %get3A_8 = vector.load %arg3[%get3A_6, %get3A_7] : memref<1x128xf32, #tpu.memory_space<vmem>>, vector<1x128xf32>
    %add3A = vector.broadcast %get3A_8 : vector<1x128xf32> to vector<1000x128xf32>
    %add3A_9 = arith.addf %dot_general3A_5, %add3A : vector<1000x128xf32>
    %max3A = arith.constant 0.000000e+00 : f32
    %max3A_10 = vector.broadcast %max3A : f32 to vector<1000x128xf32>
    %max3A_11 = arith.maximumf %add3A_9, %max3A_10 : vector<1000x128xf32>
    %swap3A = arith.constant 0 : index
    %swap3A_12 = arith.constant 0 : index
    %swap3A_13 = vector.load %arg4[%swap3A, %swap3A_12] : memref<1000x128xf32, #tpu.memory_space<vmem>>, vector<1000x128xf32>
    tpu.vector_store %arg4[%swap3A, %swap3A_12], %max3A_11 {strides = array<i32>} : memref<1000x128xf32, #tpu.memory_space<vmem>>, vector<1000x128xf32>,
    return
  }
  func.func @transform_0(%arg0: i32) -> (i32, i32) {
    %c0_i32 = arith.constant 0 : i32
    %c0_i32_0 = arith.constant 0 : i32
    return %arg0, %c0_i32 : i32, i32
  }
  func.func @transform_1(%arg0: i32) -> (i32, i32) {
    %c0_i32 = arith.constant 0 : i32
    %c0_i32_0 = arith.constant 0 : i32
    %c0_i32_1 = arith.constant 0 : i32
    return %c0_i32, %c0_i32_0 : i32, i32
  }
  func.func @transform_2(%arg0: i32) -> (i32, i32) {
    %c0_i32 = arith.constant 0 : i32
    %c0_i32_0 = arith.constant 0 : i32
    %c0_i32_1 = arith.constant 0 : i32
    return %c0_i32, %c0_i32_0 : i32, i32
  }
  func.func @transform_3(%arg0: i32) -> (i32, i32) {
    %c0_i32 = arith.constant 0 : i32
    %c0_i32_0 = arith.constant 0 : i32
    return %arg0, %c0_i32 : i32, i32
  }
}

module attributes {stable_mosaic.version = 14 : i64} {
  func.func @_ew_body(%arg0: i32, %arg1: memref<1024x16xf32, #tpu.memory_space<vmem>>, %arg2: memref<16x128xf32, #tpu.memory_space<vmem>>, %arg3: memref<1x128xf32, #tpu.memory_space<vmem>>, %arg4: memref<128x1024xf32, #tpu.memory_space<vmem>>, %arg5: memref<1x1024xf32, #tpu.memory_space<vmem>>, %arg6: memref<1024x1024xbf16, #tpu.memory_space<vmem>>) attributes {dimension_semantics = [#tpu.dimension_semantics<arbitrary>], iteration_bounds = array<i64: 160>, scalar_prefetch = 0 : i64, scratch_operands = 0 : i64, tpu.core_type = #tpu.core_type<tc>, window_params = [{transform_indices = @transform_0, window_bounds = array<i64: 1024, 16>}, {pipeline_mode = #tpu.pipeline_mode<synchronous>, transform_indices = @transform_1, window_bounds = array<i64: 16, 128>}, {pipeline_mode = #tpu.pipeline_mode<synchronous>, transform_indices = @transform_2, window_bounds = array<i64: 1, 128>}, {pipeline_mode = #tpu.pipeline_mode<synchronous>, transform_indices = @transform_3, window_bounds = array<i64: 128, 1024>}, {pipeline_mode = #tpu.pipeline_mode<synchronous>, transform_indices = @transform_4, window_bounds = array<i64: 1, 1024>}, {transform_indices = @transform_5, window_bounds = array<i64: 1024, 1024>}]} {
    %get3A = arith.constant 0 : index
    %get3A_0 = arith.constant 0 : index
    %get3A_1 = vector.load %arg1[%get3A, %get3A_0] : memref<1024x16xf32, #tpu.memory_space<vmem>>, vector<1024x16xf32>
    %get3A_2 = arith.constant 0 : index
    %get3A_3 = arith.constant 0 : index
    %get3A_4 = vector.load %arg2[%get3A_2, %get3A_3] : memref<16x128xf32, #tpu.memory_space<vmem>>, vector<16x128xf32>
    %dot_general3A = arith.constant dense<0.000000e+00> : vector<1024x128xf32>
    %dot_general3A_5 = tpu.matmul %get3A_1, %get3A_4, %dot_general3A {dimension_numbers = #tpu.dot_dimension_numbers<[1], [0], [0], [1], [0, 0, 1, 1], [], []>, transpose_lhs_hint = false} : vector<1024x16xf32>, vector<16x128xf32>, vector<1024x128xf32> -> vector<1024x128xf32>
    %get3A_6 = arith.constant 0 : index
    %get3A_7 = arith.constant 0 : index
    %get3A_8 = vector.load %arg3[%get3A_6, %get3A_7] : memref<1x128xf32, #tpu.memory_space<vmem>>, vector<1x128xf32>
    %add3A = vector.broadcast %get3A_8 : vector<1x128xf32> to vector<1024x128xf32>
    %add3A_9 = arith.addf %dot_general3A_5, %add3A : vector<1024x128xf32>
    %max3A = arith.constant 0.000000e+00 : f32
    %max3A_10 = vector.broadcast %max3A : f32 to vector<1024x128xf32>
    %max3A_11 = arith.maximumf %add3A_9, %max3A_10 : vector<1024x128xf32>
    %get3A_12 = arith.constant 0 : index
    %get3A_13 = arith.constant 0 : index
    %get3A_14 = vector.load %arg4[%get3A_12, %get3A_13] : memref<128x1024xf32, #tpu.memory_space<vmem>>, vector<128x1024xf32>
    %dot_general3A_15 = arith.constant dense<0.000000e+00> : vector<1024x1024xf32>
    %dot_general3A_16 = tpu.matmul %max3A_11, %get3A_14, %dot_general3A_15 {dimension_numbers = #tpu.dot_dimension_numbers<[1], [0], [0], [1], [0, 0, 1, 1], [], []>, transpose_lhs_hint = false} : vector<1024x128xf32>, vector<128x1024xf32>, vector<1024x1024xf32> -> vector<1024x1024xf32>
    %get3A_17 = arith.constant 0 : index
    %get3A_18 = arith.constant 0 : index
    %get3A_19 = vector.load %arg5[%get3A_17, %get3A_18] : memref<1x1024xf32, #tpu.memory_space<vmem>>, vector<1x1024xf32>
    %add3A_20 = vector.broadcast %get3A_19 : vector<1x1024xf32> to vector<1024x1024xf32>
    %add3A_21 = arith.addf %dot_general3A_16, %add3A_20 : vector<1024x1024xf32>
    %convert_element_type3A = arith.truncf %add3A_21 : vector<1024x1024xf32> to vector<1024x1024xbf16>
    %swap3A = arith.constant 0 : index
    %swap3A_22 = arith.constant 0 : index
    %swap3A_23 = vector.load %arg6[%swap3A, %swap3A_22] : memref<1024x1024xbf16, #tpu.memory_space<vmem>>, vector<1024x1024xbf16>
    tpu.vector_store %arg6[%swap3A, %swap3A_22], %convert_element_type3A {strides = array<i32>} : memref<1024x1024xbf16, #tpu.memory_space<vmem>>, vector<1024x1024xbf16>,
    return
  }
  func.func @transform_0(%arg0: i32) -> (i32, i32) {
    %c0_i32 = arith.constant 0 : i32
    %c0_i32_0 = arith.constant 0 : i32
    return %arg0, %c0_i32 : i32, i32
  }
  func.func @transform_1(%arg0: i32) -> (i32, i32) {
    %c0_i32 = arith.constant 0 : i32
    %c0_i32_0 = arith.constant 0 : i32
    %c0_i32_1 = arith.constant 0 : i32
    return %c0_i32, %c0_i32_0 : i32, i32
  }
  func.func @transform_2(%arg0: i32) -> (i32, i32) {
    %c0_i32 = arith.constant 0 : i32
    %c0_i32_0 = arith.constant 0 : i32
    %c0_i32_1 = arith.constant 0 : i32
    return %c0_i32, %c0_i32_0 : i32, i32
  }
  func.func @transform_3(%arg0: i32) -> (i32, i32) {
    %c0_i32 = arith.constant 0 : i32
    %c0_i32_0 = arith.constant 0 : i32
    %c0_i32_1 = arith.constant 0 : i32
    return %c0_i32, %c0_i32_0 : i32, i32
  }
  func.func @transform_4(%arg0: i32) -> (i32, i32) {
    %c0_i32 = arith.constant 0 : i32
    %c0_i32_0 = arith.constant 0 : i32
    %c0_i32_1 = arith.constant 0 : i32
    return %c0_i32, %c0_i32_0 : i32, i32
  }
  func.func @transform_5(%arg0: i32) -> (i32, i32) {
    %c0_i32 = arith.constant 0 : i32
    %c0_i32_0 = arith.constant 0 : i32
    return %arg0, %c0_i32 : i32, i32
  }
}

module attributes {stable_mosaic.version = 14 : i64} {
  func.func @_msg_body(%arg0: i32, %arg1: memref<1024x128xf32, #tpu.memory_space<vmem>>, %arg2: memref<1024x1024xbf16, #tpu.memory_space<vmem>>, %arg3: memref<1024x32xf32, #tpu.memory_space<vmem>>, %arg4: memref<1024x128xf32, #tpu.memory_space<vmem>>) attributes {dimension_semantics = [#tpu.dimension_semantics<arbitrary>], iteration_bounds = array<i64: 160>, scalar_prefetch = 0 : i64, scratch_operands = 0 : i64, tpu.core_type = #tpu.core_type<tc>, window_params = [{transform_indices = @transform_0, window_bounds = array<i64: 1024, 128>}, {transform_indices = @transform_1, window_bounds = array<i64: 1024, 1024>}, {pipeline_mode = #tpu.pipeline_mode<synchronous>, transform_indices = @transform_2, window_bounds = array<i64: 1024, 32>}, {transform_indices = @transform_3, window_bounds = array<i64: 1024, 128>}]} {
    %get3A = arith.constant 0 : index
    %get3A_0 = arith.constant 0 : index
    %get3A_1 = vector.load %arg1[%get3A, %get3A_0] : memref<1024x128xf32, #tpu.memory_space<vmem>>, vector<1024x32xf32>
    %concatenate3A = tpu.concatenate %get3A_1, %get3A_1, %get3A_1, %get3A_1, %get3A_1, %get3A_1, %get3A_1, %get3A_1, %get3A_1, %get3A_1, %get3A_1, %get3A_1, %get3A_1, %get3A_1, %get3A_1, %get3A_1, %get3A_1, %get3A_1, %get3A_1, %get3A_1, %get3A_1, %get3A_1, %get3A_1, %get3A_1, %get3A_1, %get3A_1, %get3A_1, %get3A_1, %get3A_1, %get3A_1, %get3A_1, %get3A_1 in 1 : vector<1024x32xf32>, vector<1024x32xf32>, vector<1024x32xf32>, vector<1024x32xf32>, vector<1024x32xf32>, vector<1024x32xf32>, vector<1024x32xf32>, vector<1024x32xf32>, vector<1024x32xf32>, vector<1024x32xf32>, vector<1024x32xf32>, vector<1024x32xf32>, vector<1024x32xf32>, vector<1024x32xf32>, vector<1024x32xf32>, vector<1024x32xf32>, vector<1024x32xf32>, vector<1024x32xf32>, vector<1024x32xf32>, vector<1024x32xf32>, vector<1024x32xf32>, vector<1024x32xf32>, vector<1024x32xf32>, vector<1024x32xf32>, vector<1024x32xf32>, vector<1024x32xf32>, vector<1024x32xf32>, vector<1024x32xf32>, vector<1024x32xf32>, vector<1024x32xf32>, vector<1024x32xf32>, vector<1024x32xf32> -> vector<1024x1024xf32>
    %get3A_2 = arith.constant 0 : index
    %get3A_3 = arith.constant 0 : index
    %get3A_4 = vector.load %arg2[%get3A_2, %get3A_3] : memref<1024x1024xbf16, #tpu.memory_space<vmem>>, vector<1024x1024xbf16>
    %convert_element_type3A = arith.extf %get3A_4 : vector<1024x1024xbf16> to vector<1024x1024xf32>
    %mul3A = arith.mulf %convert_element_type3A, %concatenate3A : vector<1024x1024xf32>
    %get3A_5 = arith.constant 0 : index
    %get3A_6 = arith.constant 0 : index
    %get3A_7 = vector.load %arg3[%get3A_5, %get3A_6] : memref<1024x32xf32, #tpu.memory_space<vmem>>, vector<1024x32xf32>
    %dot_general3A = arith.constant dense<0.000000e+00> : vector<1024x32xf32>
    %dot_general3A_8 = tpu.matmul %mul3A, %get3A_7, %dot_general3A {dimension_numbers = #tpu.dot_dimension_numbers<[1], [0], [0], [1], [0, 0, 1, 1], [], []>, transpose_lhs_hint = false} : vector<1024x1024xf32>, vector<1024x32xf32>, vector<1024x32xf32> -> vector<1024x32xf32>
    %broadcast_in_dim3A = arith.constant 0.000000e+00 : f32
    %broadcast_in_dim3A_9 = vector.broadcast %broadcast_in_dim3A : f32 to vector<1024x96xf32>
    %concatenate3A_10 = tpu.concatenate %dot_general3A_8, %broadcast_in_dim3A_9 in 1 : vector<1024x32xf32>, vector<1024x96xf32> -> vector<1024x128xf32>
    %swap3A = arith.constant 0 : index
    %swap3A_11 = arith.constant 0 : index
    %swap3A_12 = vector.load %arg4[%swap3A, %swap3A_11] : memref<1024x128xf32, #tpu.memory_space<vmem>>, vector<1024x128xf32>
    tpu.vector_store %arg4[%swap3A, %swap3A_11], %concatenate3A_10 {strides = array<i32>} : memref<1024x128xf32, #tpu.memory_space<vmem>>, vector<1024x128xf32>,
    return
  }
  func.func @transform_0(%arg0: i32) -> (i32, i32) {
    %c0_i32 = arith.constant 0 : i32
    %c0_i32_0 = arith.constant 0 : i32
    return %arg0, %c0_i32 : i32, i32
  }
  func.func @transform_1(%arg0: i32) -> (i32, i32) {
    %c0_i32 = arith.constant 0 : i32
    %c0_i32_0 = arith.constant 0 : i32
    return %arg0, %c0_i32 : i32, i32
  }
  func.func @transform_2(%arg0: i32) -> (i32, i32) {
    %c0_i32 = arith.constant 0 : i32
    %c0_i32_0 = arith.constant 0 : i32
    %c0_i32_1 = arith.constant 0 : i32
    return %c0_i32, %c0_i32_0 : i32, i32
  }
  func.func @transform_3(%arg0: i32) -> (i32, i32) {
    %c0_i32 = arith.constant 0 : i32
    %c0_i32_0 = arith.constant 0 : i32
    return %arg0, %c0_i32 : i32, i32
  }
}

module attributes {stable_mosaic.version = 14 : i64} {
  func.func @_gru_body(%arg0: i32, %arg1: memref<1000x128xf32, #tpu.memory_space<vmem>>, %arg2: memref<2x1000x128xf32, #tpu.memory_space<vmem>>, %arg3: memref<2x1000x128xf32, #tpu.memory_space<vmem>>, %arg4: memref<32x32xf32, #tpu.memory_space<vmem>>, %arg5: memref<1x32xf32, #tpu.memory_space<vmem>>, %arg6: memref<32x96xf32, #tpu.memory_space<vmem>>, %arg7: memref<32x96xf32, #tpu.memory_space<vmem>>, %arg8: memref<1x96xf32, #tpu.memory_space<vmem>>, %arg9: memref<1x96xf32, #tpu.memory_space<vmem>>, %arg10: memref<1000x128xf32, #tpu.memory_space<vmem>>) attributes {dimension_semantics = [#tpu.dimension_semantics<arbitrary>], iteration_bounds = array<i64: 10>, scalar_prefetch = 0 : i64, scratch_operands = 0 : i64, tpu.core_type = #tpu.core_type<tc>, window_params = [{transform_indices = @transform_0, window_bounds = array<i64: 1000, 128>}, {transform_indices = @transform_1, window_bounds = array<i64: 2, 1000, 128>}, {transform_indices = @transform_2, window_bounds = array<i64: 2, 1000, 128>}, {pipeline_mode = #tpu.pipeline_mode<synchronous>, transform_indices = @transform_3, window_bounds = array<i64: 32, 32>}, {pipeline_mode = #tpu.pipeline_mode<synchronous>, transform_indices = @transform_4, window_bounds = array<i64: 1, 32>}, {pipeline_mode = #tpu.pipeline_mode<synchronous>, transform_indices = @transform_5, window_bounds = array<i64: 32, 96>}, {pipeline_mode = #tpu.pipeline_mode<synchronous>, transform_indices = @transform_6, window_bounds = array<i64: 32, 96>}, {pipeline_mode = #tpu.pipeline_mode<synchronous>, transform_indices = @transform_7, window_bounds = array<i64: 1, 96>}, {pipeline_mode = #tpu.pipeline_mode<synchronous>, transform_indices = @transform_8, window_bounds = array<i64: 1, 96>}, {transform_indices = @transform_9, window_bounds = array<i64: 1000, 128>}]} {
    %get3A = arith.constant 0 : index
    %get3A_0 = arith.constant 0 : index
    %get3A_1 = vector.load %arg1[%get3A, %get3A_0] : memref<1000x128xf32, #tpu.memory_space<vmem>>, vector<1000x32xf32>
    %get3A_2 = arith.constant 0 : index
    %get3A_3 = arith.constant 0 : index
    %get3A_4 = arith.constant 0 : index
    %get3A_5 = vector.load %arg2[%get3A_2, %get3A_3, %get3A_4] : memref<2x1000x128xf32, #tpu.memory_space<vmem>>, vector<1x1000x32xf32>
    %get3A_6 = vector.shape_cast %get3A_5 : vector<1x1000x32xf32> to vector<1000x32xf32>
    %get3A_7 = arith.constant 1 : index
    %get3A_8 = arith.constant 0 : index
    %get3A_9 = arith.constant 0 : index
    %get3A_10 = vector.load %arg2[%get3A_7, %get3A_8, %get3A_9] : memref<2x1000x128xf32, #tpu.memory_space<vmem>>, vector<1x1000x32xf32>
    %get3A_11 = vector.shape_cast %get3A_10 : vector<1x1000x32xf32> to vector<1000x32xf32>
    %add3A = arith.addf %get3A_6, %get3A_11 : vector<1000x32xf32>
    %get3A_12 = arith.constant 0 : index
    %get3A_13 = arith.constant 0 : index
    %get3A_14 = arith.constant 0 : index
    %get3A_15 = vector.load %arg3[%get3A_12, %get3A_13, %get3A_14] : memref<2x1000x128xf32, #tpu.memory_space<vmem>>, vector<1x1000x32xf32>
    %get3A_16 = vector.shape_cast %get3A_15 : vector<1x1000x32xf32> to vector<1000x32xf32>
    %get3A_17 = arith.constant 1 : index
    %get3A_18 = arith.constant 0 : index
    %get3A_19 = arith.constant 0 : index
    %get3A_20 = vector.load %arg3[%get3A_17, %get3A_18, %get3A_19] : memref<2x1000x128xf32, #tpu.memory_space<vmem>>, vector<1x1000x32xf32>
    %get3A_21 = vector.shape_cast %get3A_20 : vector<1x1000x32xf32> to vector<1000x32xf32>
    %add3A_22 = arith.addf %get3A_16, %get3A_21 : vector<1000x32xf32>
    %max3A = arith.constant 1.000000e+00 : f32
    %max3A_23 = vector.broadcast %max3A : f32 to vector<1000x32xf32>
    %max3A_24 = arith.maximumf %add3A_22, %max3A_23 : vector<1000x32xf32>
    %get3A_25 = arith.constant 0 : index
    %get3A_26 = arith.constant 0 : index
    %get3A_27 = vector.load %arg4[%get3A_25, %get3A_26] : memref<32x32xf32, #tpu.memory_space<vmem>>, vector<32x32xf32>
    %dot_general3A = arith.constant dense<0.000000e+00> : vector<1000x32xf32>
    %dot_general3A_28 = tpu.matmul %get3A_1, %get3A_27, %dot_general3A {dimension_numbers = #tpu.dot_dimension_numbers<[1], [0], [0], [1], [0, 0, 1, 1], [], []>, transpose_lhs_hint = false} : vector<1000x32xf32>, vector<32x32xf32>, vector<1000x32xf32> -> vector<1000x32xf32>
    %div3A = arith.divf %add3A, %max3A_24 : vector<1000x32xf32>
    %add3A_29 = arith.addf %dot_general3A_28, %div3A : vector<1000x32xf32>
    %get3A_30 = arith.constant 0 : index
    %get3A_31 = arith.constant 0 : index
    %get3A_32 = vector.load %arg5[%get3A_30, %get3A_31] : memref<1x32xf32, #tpu.memory_space<vmem>>, vector<1x32xf32>
    %add3A_33 = vector.broadcast %get3A_32 : vector<1x32xf32> to vector<1000x32xf32>
    %add3A_34 = arith.addf %add3A_29, %add3A_33 : vector<1000x32xf32>
    %max3A_35 = arith.constant 0.000000e+00 : f32
    %max3A_36 = vector.broadcast %max3A_35 : f32 to vector<1000x32xf32>
    %max3A_37 = arith.maximumf %add3A_34, %max3A_36 : vector<1000x32xf32>
    %get3A_38 = arith.constant 0 : index
    %get3A_39 = arith.constant 0 : index
    %get3A_40 = vector.load %arg6[%get3A_38, %get3A_39] : memref<32x96xf32, #tpu.memory_space<vmem>>, vector<32x96xf32>
    %dot_general3A_41 = arith.constant dense<0.000000e+00> : vector<1000x96xf32>
    %dot_general3A_42 = tpu.matmul %max3A_37, %get3A_40, %dot_general3A_41 {dimension_numbers = #tpu.dot_dimension_numbers<[1], [0], [0], [1], [0, 0, 1, 1], [], []>, transpose_lhs_hint = false} : vector<1000x32xf32>, vector<32x96xf32>, vector<1000x96xf32> -> vector<1000x96xf32>
    %get3A_43 = arith.constant 0 : index
    %get3A_44 = arith.constant 0 : index
    %get3A_45 = vector.load %arg8[%get3A_43, %get3A_44] : memref<1x96xf32, #tpu.memory_space<vmem>>, vector<1x96xf32>
    %add3A_46 = vector.broadcast %get3A_45 : vector<1x96xf32> to vector<1000x96xf32>
    %add3A_47 = arith.addf %dot_general3A_42, %add3A_46 : vector<1000x96xf32>
    %get3A_48 = arith.constant 0 : index
    %get3A_49 = arith.constant 0 : index
    %get3A_50 = vector.load %arg7[%get3A_48, %get3A_49] : memref<32x96xf32, #tpu.memory_space<vmem>>, vector<32x96xf32>
    %dot_general3A_51 = arith.constant dense<0.000000e+00> : vector<1000x96xf32>
    %dot_general3A_52 = tpu.matmul %get3A_1, %get3A_50, %dot_general3A_51 {dimension_numbers = #tpu.dot_dimension_numbers<[1], [0], [0], [1], [0, 0, 1, 1], [], []>, transpose_lhs_hint = false} : vector<1000x32xf32>, vector<32x96xf32>, vector<1000x96xf32> -> vector<1000x96xf32>
    %get3A_53 = arith.constant 0 : index
    %get3A_54 = arith.constant 0 : index
    %get3A_55 = vector.load %arg9[%get3A_53, %get3A_54] : memref<1x96xf32, #tpu.memory_space<vmem>>, vector<1x96xf32>
    %add3A_56 = vector.broadcast %get3A_55 : vector<1x96xf32> to vector<1000x96xf32>
    %add3A_57 = arith.addf %dot_general3A_52, %add3A_56 : vector<1000x96xf32>
    %slice3A = vector.extract_strided_slice %add3A_47 {offsets = [0, 0], sizes = [1000, 32], strides = [1, 1]} : vector<1000x96xf32> to vector<1000x32xf32>
    %slice3A_58 = vector.extract_strided_slice %add3A_57 {offsets = [0, 0], sizes = [1000, 32], strides = [1, 1]} : vector<1000x96xf32> to vector<1000x32xf32>
    %add3A_59 = arith.addf %slice3A, %slice3A_58 : vector<1000x32xf32>
    %logistic3A = arith.negf %add3A_59 : vector<1000x32xf32>
    %logistic3A_60 = math.exp %logistic3A : vector<1000x32xf32>
    %logistic3A_61 = arith.constant 1.000000e+00 : f32
    %logistic3A_62 = vector.broadcast %logistic3A_61 : f32 to vector<1000x32xf32>
    %logistic3A_63 = arith.addf %logistic3A_62, %logistic3A_60 : vector<1000x32xf32>
    %logistic3A_64 = arith.divf %logistic3A_62, %logistic3A_63 : vector<1000x32xf32>
    %slice3A_65 = vector.extract_strided_slice %add3A_47 {offsets = [0, 32], sizes = [1000, 32], strides = [1, 1]} : vector<1000x96xf32> to vector<1000x32xf32>
    %slice3A_66 = vector.extract_strided_slice %add3A_57 {offsets = [0, 32], sizes = [1000, 32], strides = [1, 1]} : vector<1000x96xf32> to vector<1000x32xf32>
    %add3A_67 = arith.addf %slice3A_65, %slice3A_66 : vector<1000x32xf32>
    %logistic3A_68 = arith.negf %add3A_67 : vector<1000x32xf32>
    %logistic3A_69 = math.exp %logistic3A_68 : vector<1000x32xf32>
    %logistic3A_70 = arith.constant 1.000000e+00 : f32
    %logistic3A_71 = vector.broadcast %logistic3A_70 : f32 to vector<1000x32xf32>
    %logistic3A_72 = arith.addf %logistic3A_71, %logistic3A_69 : vector<1000x32xf32>
    %logistic3A_73 = arith.divf %logistic3A_71, %logistic3A_72 : vector<1000x32xf32>
    %slice3A_74 = vector.extract_strided_slice %add3A_47 {offsets = [0, 64], sizes = [1000, 32], strides = [1, 1]} : vector<1000x96xf32> to vector<1000x32xf32>
    %slice3A_75 = vector.extract_strided_slice %add3A_57 {offsets = [0, 64], sizes = [1000, 32], strides = [1, 1]} : vector<1000x96xf32> to vector<1000x32xf32>
    %mul3A = arith.mulf %logistic3A_64, %slice3A_75 : vector<1000x32xf32>
    %add3A_76 = arith.addf %slice3A_74, %mul3A : vector<1000x32xf32>
    %tanh3A = math.tanh %add3A_76 : vector<1000x32xf32>
    %sub3A = arith.constant 1.000000e+00 : f32
    %sub3A_77 = vector.broadcast %sub3A : f32 to vector<1000x32xf32>
    %sub3A_78 = arith.subf %sub3A_77, %logistic3A_73 : vector<1000x32xf32>
    %mul3A_79 = arith.mulf %sub3A_78, %tanh3A : vector<1000x32xf32>
    %mul3A_80 = arith.mulf %logistic3A_73, %get3A_1 : vector<1000x32xf32>
    %add3A_81 = arith.addf %mul3A_79, %mul3A_80 : vector<1000x32xf32>
    %broadcast_in_dim3A = arith.constant 0.000000e+00 : f32
    %broadcast_in_dim3A_82 = vector.broadcast %broadcast_in_dim3A : f32 to vector<1000x96xf32>
    %concatenate3A = tpu.concatenate %add3A_81, %broadcast_in_dim3A_82 in 1 : vector<1000x32xf32>, vector<1000x96xf32> -> vector<1000x128xf32>
    %swap3A = arith.constant 0 : index
    %swap3A_83 = arith.constant 0 : index
    %swap3A_84 = vector.load %arg10[%swap3A, %swap3A_83] : memref<1000x128xf32, #tpu.memory_space<vmem>>, vector<1000x128xf32>
    tpu.vector_store %arg10[%swap3A, %swap3A_83], %concatenate3A {strides = array<i32>} : memref<1000x128xf32, #tpu.memory_space<vmem>>, vector<1000x128xf32>,
    return
  }
  func.func @transform_0(%arg0: i32) -> (i32, i32) {
    %c0_i32 = arith.constant 0 : i32
    %c0_i32_0 = arith.constant 0 : i32
    return %arg0, %c0_i32 : i32, i32
  }
  func.func @transform_1(%arg0: i32) -> (i32, i32, i32) {
    %c0_i32 = arith.constant 0 : i32
    %c0_i32_0 = arith.constant 0 : i32
    %c0_i32_1 = arith.constant 0 : i32
    return %c0_i32, %arg0, %c0_i32_0 : i32, i32, i32
  }
  func.func @transform_2(%arg0: i32) -> (i32, i32, i32) {
    %c0_i32 = arith.constant 0 : i32
    %c0_i32_0 = arith.constant 0 : i32
    %c0_i32_1 = arith.constant 0 : i32
    return %c0_i32, %arg0, %c0_i32_0 : i32, i32, i32
  }
  func.func @transform_3(%arg0: i32) -> (i32, i32) {
    %c0_i32 = arith.constant 0 : i32
    %c0_i32_0 = arith.constant 0 : i32
    %c0_i32_1 = arith.constant 0 : i32
    return %c0_i32, %c0_i32_0 : i32, i32
  }
  func.func @transform_4(%arg0: i32) -> (i32, i32) {
    %c0_i32 = arith.constant 0 : i32
    %c0_i32_0 = arith.constant 0 : i32
    %c0_i32_1 = arith.constant 0 : i32
    return %c0_i32, %c0_i32_0 : i32, i32
  }
  func.func @transform_5(%arg0: i32) -> (i32, i32) {
    %c0_i32 = arith.constant 0 : i32
    %c0_i32_0 = arith.constant 0 : i32
    %c0_i32_1 = arith.constant 0 : i32
    return %c0_i32, %c0_i32_0 : i32, i32
  }
  func.func @transform_6(%arg0: i32) -> (i32, i32) {
    %c0_i32 = arith.constant 0 : i32
    %c0_i32_0 = arith.constant 0 : i32
    %c0_i32_1 = arith.constant 0 : i32
    return %c0_i32, %c0_i32_0 : i32, i32
  }
  func.func @transform_7(%arg0: i32) -> (i32, i32) {
    %c0_i32 = arith.constant 0 : i32
    %c0_i32_0 = arith.constant 0 : i32
    %c0_i32_1 = arith.constant 0 : i32
    return %c0_i32, %c0_i32_0 : i32, i32
  }
  func.func @transform_8(%arg0: i32) -> (i32, i32) {
    %c0_i32 = arith.constant 0 : i32
    %c0_i32_0 = arith.constant 0 : i32
    %c0_i32_1 = arith.constant 0 : i32
    return %c0_i32, %c0_i32_0 : i32, i32
  }
  func.func @transform_9(%arg0: i32) -> (i32, i32) {
    %c0_i32 = arith.constant 0 : i32
    %c0_i32_0 = arith.constant 0 : i32
    return %arg0, %c0_i32 : i32, i32
  }
}

module attributes {stable_mosaic.version = 14 : i64} {
  func.func @_s2s_body(%arg0: memref<10000x128xf32, #tpu.memory_space<vmem>>, %arg1: memref<10000x1xi32, #tpu.memory_space<vmem>>, %arg2: memref<64x16xf32, #tpu.memory_space<vmem>>, %arg3: memref<64x128xf32, #tpu.memory_space<vmem>>, %arg4: memref<32x128xf32, #tpu.memory_space<vmem>>, %arg5: memref<1x128xf32, #tpu.memory_space<vmem>>, %arg6: memref<1x128xf32, #tpu.memory_space<vmem>>, %arg7: memref<80x32xf32, #tpu.memory_space<vmem>>, %arg8: memref<1x32xf32, #tpu.memory_space<vmem>>, %arg9: memref<32x1xf32, #tpu.memory_space<vmem>>, %arg10: memref<1x1xf32, #tpu.memory_space<vmem>>, %arg11: memref<64x1xf32, #tpu.memory_space<vmem>>) attributes {dimension_semantics = [], scalar_prefetch = 0 : i64, scratch_operands = 0 : i64, tpu.core_type = #tpu.core_type<tc>} {
    %get3A = arith.constant 0 : index
    %get3A_0 = arith.constant 0 : index
    %get3A_1 = vector.load %arg0[%get3A, %get3A_0] : memref<10000x128xf32, #tpu.memory_space<vmem>>, vector<10000x32xf32>
    %get3A_2 = arith.constant 0 : index
    %get3A_3 = arith.constant 0 : index
    %get3A_4 = vector.load %arg1[%get3A_2, %get3A_3] : memref<10000x1xi32, #tpu.memory_space<vmem>>, vector<10000x1xi32>
    %iota3A = tpu.iota {dimensions = array<i32: 1>} : vector<10000x64xi32>
    %eq3A = vector.broadcast %get3A_4 : vector<10000x1xi32> to vector<10000x64xi32>
    %eq3A_5 = arith.cmpi eq, %eq3A, %iota3A : vector<10000x64xi32>
    %convert_element_type3A = arith.extui %eq3A_5 : vector<10000x64xi1> to vector<10000x64xi32>
    %convert_element_type3A_6 = arith.sitofp %convert_element_type3A : vector<10000x64xi32> to vector<10000x64xf32>
    %broadcast_in_dim3A = arith.constant 0.000000e+00 : f32
    %broadcast_in_dim3A_7 = vector.broadcast %broadcast_in_dim3A : f32 to vector<64x32xf32>
    %broadcast_in_dim3A_8 = arith.constant 0.000000e+00 : f32
    %broadcast_in_dim3A_9 = vector.broadcast %broadcast_in_dim3A_8 : f32 to vector<64x32xf32>
    %broadcast_in_dim3A_10 = arith.constant 0.000000e+00 : f32
    %broadcast_in_dim3A_11 = vector.broadcast %broadcast_in_dim3A_10 : f32 to vector<64x64xf32>
    %get3A_12 = arith.constant 0 : index
    %get3A_13 = arith.constant 0 : index
    %get3A_14 = vector.load %arg3[%get3A_12, %get3A_13] : memref<64x128xf32, #tpu.memory_space<vmem>>, vector<64x128xf32>
    %dot_general3A = arith.constant dense<0.000000e+00> : vector<64x128xf32>
    %dot_general3A_15 = tpu.matmul %broadcast_in_dim3A_11, %get3A_14, %dot_general3A {dimension_numbers = #tpu.dot_dimension_numbers<[1], [0], [0], [1], [0, 0, 1, 1], [], []>, transpose_lhs_hint = false} : vector<64x64xf32>, vector<64x128xf32>, vector<64x128xf32> -> vector<64x128xf32>
    %get3A_16 = arith.constant 0 : index
    %get3A_17 = arith.constant 0 : index
    %get3A_18 = vector.load %arg5[%get3A_16, %get3A_17] : memref<1x128xf32, #tpu.memory_space<vmem>>, vector<1x128xf32>
    %add3A = vector.broadcast %get3A_18 : vector<1x128xf32> to vector<64x128xf32>
    %add3A_19 = arith.addf %dot_general3A_15, %add3A : vector<64x128xf32>
    %get3A_20 = arith.constant 0 : index
    %get3A_21 = arith.constant 0 : index
    %get3A_22 = vector.load %arg4[%get3A_20, %get3A_21] : memref<32x128xf32, #tpu.memory_space<vmem>>, vector<32x128xf32>
    %dot_general3A_23 = arith.constant dense<0.000000e+00> : vector<64x128xf32>
    %dot_general3A_24 = tpu.matmul %broadcast_in_dim3A_7, %get3A_22, %dot_general3A_23 {dimension_numbers = #tpu.dot_dimension_numbers<[1], [0], [0], [1], [0, 0, 1, 1], [], []>, transpose_lhs_hint = false} : vector<64x32xf32>, vector<32x128xf32>, vector<64x128xf32> -> vector<64x128xf32>
    %add3A_25 = arith.addf %add3A_19, %dot_general3A_24 : vector<64x128xf32>
    %get3A_26 = arith.constant 0 : index
    %get3A_27 = arith.constant 0 : index
    %get3A_28 = vector.load %arg6[%get3A_26, %get3A_27] : memref<1x128xf32, #tpu.memory_space<vmem>>, vector<1x128xf32>
    %add3A_29 = vector.broadcast %get3A_28 : vector<1x128xf32> to vector<64x128xf32>
    %add3A_30 = arith.addf %add3A_25, %add3A_29 : vector<64x128xf32>
    %slice3A = vector.extract_strided_slice %add3A_30 {offsets = [0, 0], sizes = [64, 32], strides = [1, 1]} : vector<64x128xf32> to vector<64x32xf32>
    %logistic3A = arith.negf %slice3A : vector<64x32xf32>
    %logistic3A_31 = math.exp %logistic3A : vector<64x32xf32>
    %logistic3A_32 = arith.constant 1.000000e+00 : f32
    %logistic3A_33 = vector.broadcast %logistic3A_32 : f32 to vector<64x32xf32>
    %logistic3A_34 = arith.addf %logistic3A_33, %logistic3A_31 : vector<64x32xf32>
    %logistic3A_35 = arith.divf %logistic3A_33, %logistic3A_34 : vector<64x32xf32>
    %slice3A_36 = vector.extract_strided_slice %add3A_30 {offsets = [0, 32], sizes = [64, 32], strides = [1, 1]} : vector<64x128xf32> to vector<64x32xf32>
    %logistic3A_37 = arith.negf %slice3A_36 : vector<64x32xf32>
    %logistic3A_38 = math.exp %logistic3A_37 : vector<64x32xf32>
    %logistic3A_39 = arith.constant 1.000000e+00 : f32
    %logistic3A_40 = vector.broadcast %logistic3A_39 : f32 to vector<64x32xf32>
    %logistic3A_41 = arith.addf %logistic3A_40, %logistic3A_38 : vector<64x32xf32>
    %logistic3A_42 = arith.divf %logistic3A_40, %logistic3A_41 : vector<64x32xf32>
    %slice3A_43 = vector.extract_strided_slice %add3A_30 {offsets = [0, 64], sizes = [64, 32], strides = [1, 1]} : vector<64x128xf32> to vector<64x32xf32>
    %tanh3A = math.tanh %slice3A_43 : vector<64x32xf32>
    %slice3A_44 = vector.extract_strided_slice %add3A_30 {offsets = [0, 96], sizes = [64, 32], strides = [1, 1]} : vector<64x128xf32> to vector<64x32xf32>
    %logistic3A_45 = arith.negf %slice3A_44 : vector<64x32xf32>
    %logistic3A_46 = math.exp %logistic3A_45 : vector<64x32xf32>
    %logistic3A_47 = arith.constant 1.000000e+00 : f32
    %logistic3A_48 = vector.broadcast %logistic3A_47 : f32 to vector<64x32xf32>
    %logistic3A_49 = arith.addf %logistic3A_48, %logistic3A_46 : vector<64x32xf32>
    %logistic3A_50 = arith.divf %logistic3A_48, %logistic3A_49 : vector<64x32xf32>
    %mul3A = arith.mulf %logistic3A_42, %broadcast_in_dim3A_9 : vector<64x32xf32>
    %mul3A_51 = arith.mulf %logistic3A_35, %tanh3A : vector<64x32xf32>
    %add3A_52 = arith.addf %mul3A, %mul3A_51 : vector<64x32xf32>
    %tanh3A_53 = math.tanh %add3A_52 : vector<64x32xf32>
    %mul3A_54 = arith.mulf %logistic3A_50, %tanh3A_53 : vector<64x32xf32>
    %dot_general3A_55 = arith.constant dense<0.000000e+00> : vector<10000x64xf32>
    %dot_general3A_56 = tpu.matmul %get3A_1, %mul3A_54, %dot_general3A_55 {dimension_numbers = #tpu.dot_dimension_numbers<[1], [1], [0], [0], [0, 0, 1, 0], [], []>, transpose_lhs_hint = false} : vector<10000x32xf32>, vector<64x32xf32>, vector<10000x64xf32> -> vector<10000x64xf32>
    %jit3A = arith.constant 0.000000e+00 : f32
    %broadcast_in_dim3A_57 = vector.broadcast %jit3A : f32 to vector<10000x64xf32>
    %select_n3A = arith.select %eq3A_5, %dot_general3A_56, %broadcast_in_dim3A_57 : vector<10000x64xi1>, vector<10000x64xf32>
    %reduce_sum3A = arith.constant dense<0.000000e+00> : vector<10000xf32>
    %reduce_sum3A_58 = vector.multi_reduction <add>, %select_n3A, %reduce_sum3A [1] : vector<10000x64xf32> to vector<10000xf32>
    %broadcast_in_dim3A_59 = vector.shape_cast %reduce_sum3A_58 : vector<10000xf32> to vector<10000x1xf32>
    %jit3A_60 = arith.constant -1.000000e+30 : f32
    %broadcast_in_dim3A_61 = vector.shape_cast %broadcast_in_dim3A_59 : vector<10000x1xf32> to vector<10000x1xf32>
    %broadcast_in_dim3A_62 = vector.broadcast %broadcast_in_dim3A_61 : vector<10000x1xf32> to vector<10000x64xf32>
    %broadcast_in_dim3A_63 = vector.broadcast %jit3A_60 : f32 to vector<10000x64xf32>
    %select_n3A_64 = arith.select %eq3A_5, %broadcast_in_dim3A_62, %broadcast_in_dim3A_63 : vector<10000x64xi1>, vector<10000x64xf32>
    %reduce_max3A = arith.constant dense<0xFF800000> : vector<64xf32>
    %reduce_max3A_65 = vector.multi_reduction <maximumf>, %select_n3A_64, %reduce_max3A [0] : vector<10000x64xf32> to vector<64xf32>
    %broadcast_in_dim3A_66 = vector.shape_cast %reduce_max3A_65 : vector<64xf32> to vector<1x64xf32>
    %mul3A_67 = vector.broadcast %broadcast_in_dim3A_66 : vector<1x64xf32> to vector<10000x64xf32>
    %mul3A_68 = arith.mulf %convert_element_type3A_6, %mul3A_67 : vector<10000x64xf32>
    %reduce_sum3A_69 = arith.constant dense<0.000000e+00> : vector<10000xf32>
    %reduce_sum3A_70 = vector.multi_reduction <add>, %mul3A_68, %reduce_sum3A_69 [1] : vector<10000x64xf32> to vector<10000xf32>
    %broadcast_in_dim3A_71 = vector.shape_cast %reduce_sum3A_70 : vector<10000xf32> to vector<10000x1xf32>
    %sub3A = arith.subf %broadcast_in_dim3A_59, %broadcast_in_dim3A_71 : vector<10000x1xf32>
    %exp3A = math.exp %sub3A : vector<10000x1xf32>
    %mul3A_72 = vector.broadcast %exp3A : vector<10000x1xf32> to vector<10000x64xf32>
    %mul3A_73 = arith.mulf %convert_element_type3A_6, %mul3A_72 : vector<10000x64xf32>
    %reduce_sum3A_74 = arith.constant dense<0.000000e+00> : vector<64xf32>
    %reduce_sum3A_75 = vector.multi_reduction <add>, %mul3A_73, %reduce_sum3A_74 [0] : vector<10000x64xf32> to vector<64xf32>
    %broadcast_in_dim3A_76 = vector.shape_cast %reduce_sum3A_75 : vector<64xf32> to vector<1x64xf32>
    %mul3A_77 = vector.broadcast %broadcast_in_dim3A_76 : vector<1x64xf32> to vector<10000x64xf32>
    %mul3A_78 = arith.mulf %convert_element_type3A_6, %mul3A_77 : vector<10000x64xf32>
    %reduce_sum3A_79 = arith.constant dense<0.000000e+00> : vector<10000xf32>
    %reduce_sum3A_80 = vector.multi_reduction <add>, %mul3A_78, %reduce_sum3A_79 [1] : vector<10000x64xf32> to vector<10000xf32>
    %broadcast_in_dim3A_81 = vector.shape_cast %reduce_sum3A_80 : vector<10000xf32> to vector<10000x1xf32>
    %add3A_82 = arith.constant 1.000000e-16 : f32
    %add3A_83 = vector.broadcast %add3A_82 : f32 to vector<10000x1xf32>
    %add3A_84 = arith.addf %broadcast_in_dim3A_81, %add3A_83 : vector<10000x1xf32>
    %div3A = arith.divf %exp3A, %add3A_84 : vector<10000x1xf32>
    %mul3A_85 = vector.broadcast %div3A : vector<10000x1xf32> to vector<10000x64xf32>
    %mul3A_86 = arith.mulf %convert_element_type3A_6, %mul3A_85 : vector<10000x64xf32>
    %dot_general3A_87 = arith.constant dense<0.000000e+00> : vector<64x32xf32>
    %dot_general3A_88 = tpu.matmul %mul3A_86, %get3A_1, %dot_general3A_87 {dimension_numbers = #tpu.dot_dimension_numbers<[0], [0], [1], [1], [0, 1, 1, 1], [], []>, transpose_lhs_hint = false} : vector<10000x64xf32>, vector<10000x32xf32>, vector<64x32xf32> -> vector<64x32xf32>
    %concatenate3A = tpu.concatenate %mul3A_54, %dot_general3A_88 in 1 : vector<64x32xf32>, vector<64x32xf32> -> vector<64x64xf32>
    %get3A_89 = arith.constant 0 : index
    %get3A_90 = arith.constant 0 : index
    %get3A_91 = vector.load %arg3[%get3A_89, %get3A_90] : memref<64x128xf32, #tpu.memory_space<vmem>>, vector<64x128xf32>
    %dot_general3A_92 = arith.constant dense<0.000000e+00> : vector<64x128xf32>
    %dot_general3A_93 = tpu.matmul %concatenate3A, %get3A_91, %dot_general3A_92 {dimension_numbers = #tpu.dot_dimension_numbers<[1], [0], [0], [1], [0, 0, 1, 1], [], []>, transpose_lhs_hint = false} : vector<64x64xf32>, vector<64x128xf32>, vector<64x128xf32> -> vector<64x128xf32>
    %get3A_94 = arith.constant 0 : index
    %get3A_95 = arith.constant 0 : index
    %get3A_96 = vector.load %arg5[%get3A_94, %get3A_95] : memref<1x128xf32, #tpu.memory_space<vmem>>, vector<1x128xf32>
    %add3A_97 = vector.broadcast %get3A_96 : vector<1x128xf32> to vector<64x128xf32>
    %add3A_98 = arith.addf %dot_general3A_93, %add3A_97 : vector<64x128xf32>
    %get3A_99 = arith.constant 0 : index
    %get3A_100 = arith.constant 0 : index
    %get3A_101 = vector.load %arg4[%get3A_99, %get3A_100] : memref<32x128xf32, #tpu.memory_space<vmem>>, vector<32x128xf32>
    %dot_general3A_102 = arith.constant dense<0.000000e+00> : vector<64x128xf32>
    %dot_general3A_103 = tpu.matmul %mul3A_54, %get3A_101, %dot_general3A_102 {dimension_numbers = #tpu.dot_dimension_numbers<[1], [0], [0], [1], [0, 0, 1, 1], [], []>, transpose_lhs_hint = false} : vector<64x32xf32>, vector<32x128xf32>, vector<64x128xf32> -> vector<64x128xf32>
    %add3A_104 = arith.addf %add3A_98, %dot_general3A_103 : vector<64x128xf32>
    %get3A_105 = arith.constant 0 : index
    %get3A_106 = arith.constant 0 : index
    %get3A_107 = vector.load %arg6[%get3A_105, %get3A_106] : memref<1x128xf32, #tpu.memory_space<vmem>>, vector<1x128xf32>
    %add3A_108 = vector.broadcast %get3A_107 : vector<1x128xf32> to vector<64x128xf32>
    %add3A_109 = arith.addf %add3A_104, %add3A_108 : vector<64x128xf32>
    %slice3A_110 = vector.extract_strided_slice %add3A_109 {offsets = [0, 0], sizes = [64, 32], strides = [1, 1]} : vector<64x128xf32> to vector<64x32xf32>
    %logistic3A_111 = arith.negf %slice3A_110 : vector<64x32xf32>
    %logistic3A_112 = math.exp %logistic3A_111 : vector<64x32xf32>
    %logistic3A_113 = arith.constant 1.000000e+00 : f32
    %logistic3A_114 = vector.broadcast %logistic3A_113 : f32 to vector<64x32xf32>
    %logistic3A_115 = arith.addf %logistic3A_114, %logistic3A_112 : vector<64x32xf32>
    %logistic3A_116 = arith.divf %logistic3A_114, %logistic3A_115 : vector<64x32xf32>
    %slice3A_117 = vector.extract_strided_slice %add3A_109 {offsets = [0, 32], sizes = [64, 32], strides = [1, 1]} : vector<64x128xf32> to vector<64x32xf32>
    %logistic3A_118 = arith.negf %slice3A_117 : vector<64x32xf32>
    %logistic3A_119 = math.exp %logistic3A_118 : vector<64x32xf32>
    %logistic3A_120 = arith.constant 1.000000e+00 : f32
    %logistic3A_121 = vector.broadcast %logistic3A_120 : f32 to vector<64x32xf32>
    %logistic3A_122 = arith.addf %logistic3A_121, %logistic3A_119 : vector<64x32xf32>
    %logistic3A_123 = arith.divf %logistic3A_121, %logistic3A_122 : vector<64x32xf32>
    %slice3A_124 = vector.extract_strided_slice %add3A_109 {offsets = [0, 64], sizes = [64, 32], strides = [1, 1]} : vector<64x128xf32> to vector<64x32xf32>
    %tanh3A_125 = math.tanh %slice3A_124 : vector<64x32xf32>
    %slice3A_126 = vector.extract_strided_slice %add3A_109 {offsets = [0, 96], sizes = [64, 32], strides = [1, 1]} : vector<64x128xf32> to vector<64x32xf32>
    %logistic3A_127 = arith.negf %slice3A_126 : vector<64x32xf32>
    %logistic3A_128 = math.exp %logistic3A_127 : vector<64x32xf32>
    %logistic3A_129 = arith.constant 1.000000e+00 : f32
    %logistic3A_130 = vector.broadcast %logistic3A_129 : f32 to vector<64x32xf32>
    %logistic3A_131 = arith.addf %logistic3A_130, %logistic3A_128 : vector<64x32xf32>
    %logistic3A_132 = arith.divf %logistic3A_130, %logistic3A_131 : vector<64x32xf32>
    %mul3A_133 = arith.mulf %logistic3A_123, %add3A_52 : vector<64x32xf32>
    %mul3A_134 = arith.mulf %logistic3A_116, %tanh3A_125 : vector<64x32xf32>
    %add3A_135 = arith.addf %mul3A_133, %mul3A_134 : vector<64x32xf32>
    %tanh3A_136 = math.tanh %add3A_135 : vector<64x32xf32>
    %mul3A_137 = arith.mulf %logistic3A_132, %tanh3A_136 : vector<64x32xf32>
    %dot_general3A_138 = arith.constant dense<0.000000e+00> : vector<10000x64xf32>
    %dot_general3A_139 = tpu.matmul %get3A_1, %mul3A_137, %dot_general3A_138 {dimension_numbers = #tpu.dot_dimension_numbers<[1], [1], [0], [0], [0, 0, 1, 0], [], []>, transpose_lhs_hint = false} : vector<10000x32xf32>, vector<64x32xf32>, vector<10000x64xf32> -> vector<10000x64xf32>
    %jit3A_140 = arith.constant 0.000000e+00 : f32
    %broadcast_in_dim3A_141 = vector.broadcast %jit3A_140 : f32 to vector<10000x64xf32>
    %select_n3A_142 = arith.select %eq3A_5, %dot_general3A_139, %broadcast_in_dim3A_141 : vector<10000x64xi1>, vector<10000x64xf32>
    %reduce_sum3A_143 = arith.constant dense<0.000000e+00> : vector<10000xf32>
    %reduce_sum3A_144 = vector.multi_reduction <add>, %select_n3A_142, %reduce_sum3A_143 [1] : vector<10000x64xf32> to vector<10000xf32>
    %broadcast_in_dim3A_145 = vector.shape_cast %reduce_sum3A_144 : vector<10000xf32> to vector<10000x1xf32>
    %jit3A_146 = arith.constant -1.000000e+30 : f32
    %broadcast_in_dim3A_147 = vector.shape_cast %broadcast_in_dim3A_145 : vector<10000x1xf32> to vector<10000x1xf32>
    %broadcast_in_dim3A_148 = vector.broadcast %broadcast_in_dim3A_147 : vector<10000x1xf32> to vector<10000x64xf32>
    %broadcast_in_dim3A_149 = vector.broadcast %jit3A_146 : f32 to vector<10000x64xf32>
    %select_n3A_150 = arith.select %eq3A_5, %broadcast_in_dim3A_148, %broadcast_in_dim3A_149 : vector<10000x64xi1>, vector<10000x64xf32>
    %reduce_max3A_151 = arith.constant dense<0xFF800000> : vector<64xf32>
    %reduce_max3A_152 = vector.multi_reduction <maximumf>, %select_n3A_150, %reduce_max3A_151 [0] : vector<10000x64xf32> to vector<64xf32>
    %broadcast_in_dim3A_153 = vector.shape_cast %reduce_max3A_152 : vector<64xf32> to vector<1x64xf32>
    %mul3A_154 = vector.broadcast %broadcast_in_dim3A_153 : vector<1x64xf32> to vector<10000x64xf32>
    %mul3A_155 = arith.mulf %convert_element_type3A_6, %mul3A_154 : vector<10000x64xf32>
    %reduce_sum3A_156 = arith.constant dense<0.000000e+00> : vector<10000xf32>
    %reduce_sum3A_157 = vector.multi_reduction <add>, %mul3A_155, %reduce_sum3A_156 [1] : vector<10000x64xf32> to vector<10000xf32>
    %broadcast_in_dim3A_158 = vector.shape_cast %reduce_sum3A_157 : vector<10000xf32> to vector<10000x1xf32>
    %sub3A_159 = arith.subf %broadcast_in_dim3A_145, %broadcast_in_dim3A_158 : vector<10000x1xf32>
    %exp3A_160 = math.exp %sub3A_159 : vector<10000x1xf32>
    %mul3A_161 = vector.broadcast %exp3A_160 : vector<10000x1xf32> to vector<10000x64xf32>
    %mul3A_162 = arith.mulf %convert_element_type3A_6, %mul3A_161 : vector<10000x64xf32>
    %reduce_sum3A_163 = arith.constant dense<0.000000e+00> : vector<64xf32>
    %reduce_sum3A_164 = vector.multi_reduction <add>, %mul3A_162, %reduce_sum3A_163 [0] : vector<10000x64xf32> to vector<64xf32>
    %broadcast_in_dim3A_165 = vector.shape_cast %reduce_sum3A_164 : vector<64xf32> to vector<1x64xf32>
    %mul3A_166 = vector.broadcast %broadcast_in_dim3A_165 : vector<1x64xf32> to vector<10000x64xf32>
    %mul3A_167 = arith.mulf %convert_element_type3A_6, %mul3A_166 : vector<10000x64xf32>
    %reduce_sum3A_168 = arith.constant dense<0.000000e+00> : vector<10000xf32>
    %reduce_sum3A_169 = vector.multi_reduction <add>, %mul3A_167, %reduce_sum3A_168 [1] : vector<10000x64xf32> to vector<10000xf32>
    %broadcast_in_dim3A_170 = vector.shape_cast %reduce_sum3A_169 : vector<10000xf32> to vector<10000x1xf32>
    %add3A_171 = arith.constant 1.000000e-16 : f32
    %add3A_172 = vector.broadcast %add3A_171 : f32 to vector<10000x1xf32>
    %add3A_173 = arith.addf %broadcast_in_dim3A_170, %add3A_172 : vector<10000x1xf32>
    %div3A_174 = arith.divf %exp3A_160, %add3A_173 : vector<10000x1xf32>
    %mul3A_175 = vector.broadcast %div3A_174 : vector<10000x1xf32> to vector<10000x64xf32>
    %mul3A_176 = arith.mulf %convert_element_type3A_6, %mul3A_175 : vector<10000x64xf32>
    %dot_general3A_177 = arith.constant dense<0.000000e+00> : vector<64x32xf32>
    %dot_general3A_178 = tpu.matmul %mul3A_176, %get3A_1, %dot_general3A_177 {dimension_numbers = #tpu.dot_dimension_numbers<[0], [0], [1], [1], [0, 1, 1, 1], [], []>, transpose_lhs_hint = false} : vector<10000x64xf32>, vector<10000x32xf32>, vector<64x32xf32> -> vector<64x32xf32>
    %concatenate3A_179 = tpu.concatenate %mul3A_137, %dot_general3A_178 in 1 : vector<64x32xf32>, vector<64x32xf32> -> vector<64x64xf32>
    %get3A_180 = arith.constant 0 : index
    %get3A_181 = arith.constant 0 : index
    %get3A_182 = vector.load %arg3[%get3A_180, %get3A_181] : memref<64x128xf32, #tpu.memory_space<vmem>>, vector<64x128xf32>
    %dot_general3A_183 = arith.constant dense<0.000000e+00> : vector<64x128xf32>
    %dot_general3A_184 = tpu.matmul %concatenate3A_179, %get3A_182, %dot_general3A_183 {dimension_numbers = #tpu.dot_dimension_numbers<[1], [0], [0], [1], [0, 0, 1, 1], [], []>, transpose_lhs_hint = false} : vector<64x64xf32>, vector<64x128xf32>, vector<64x128xf32> -> vector<64x128xf32>
    %get3A_185 = arith.constant 0 : index
    %get3A_186 = arith.constant 0 : index
    %get3A_187 = vector.load %arg5[%get3A_185, %get3A_186] : memref<1x128xf32, #tpu.memory_space<vmem>>, vector<1x128xf32>
    %add3A_188 = vector.broadcast %get3A_187 : vector<1x128xf32> to vector<64x128xf32>
    %add3A_189 = arith.addf %dot_general3A_184, %add3A_188 : vector<64x128xf32>
    %get3A_190 = arith.constant 0 : index
    %get3A_191 = arith.constant 0 : index
    %get3A_192 = vector.load %arg4[%get3A_190, %get3A_191] : memref<32x128xf32, #tpu.memory_space<vmem>>, vector<32x128xf32>
    %dot_general3A_193 = arith.constant dense<0.000000e+00> : vector<64x128xf32>
    %dot_general3A_194 = tpu.matmul %mul3A_137, %get3A_192, %dot_general3A_193 {dimension_numbers = #tpu.dot_dimension_numbers<[1], [0], [0], [1], [0, 0, 1, 1], [], []>, transpose_lhs_hint = false} : vector<64x32xf32>, vector<32x128xf32>, vector<64x128xf32> -> vector<64x128xf32>
    %add3A_195 = arith.addf %add3A_189, %dot_general3A_194 : vector<64x128xf32>
    %get3A_196 = arith.constant 0 : index
    %get3A_197 = arith.constant 0 : index
    %get3A_198 = vector.load %arg6[%get3A_196, %get3A_197] : memref<1x128xf32, #tpu.memory_space<vmem>>, vector<1x128xf32>
    %add3A_199 = vector.broadcast %get3A_198 : vector<1x128xf32> to vector<64x128xf32>
    %add3A_200 = arith.addf %add3A_195, %add3A_199 : vector<64x128xf32>
    %slice3A_201 = vector.extract_strided_slice %add3A_200 {offsets = [0, 0], sizes = [64, 32], strides = [1, 1]} : vector<64x128xf32> to vector<64x32xf32>
    %logistic3A_202 = arith.negf %slice3A_201 : vector<64x32xf32>
    %logistic3A_203 = math.exp %logistic3A_202 : vector<64x32xf32>
    %logistic3A_204 = arith.constant 1.000000e+00 : f32
    %logistic3A_205 = vector.broadcast %logistic3A_204 : f32 to vector<64x32xf32>
    %logistic3A_206 = arith.addf %logistic3A_205, %logistic3A_203 : vector<64x32xf32>
    %logistic3A_207 = arith.divf %logistic3A_205, %logistic3A_206 : vector<64x32xf32>
    %slice3A_208 = vector.extract_strided_slice %add3A_200 {offsets = [0, 32], sizes = [64, 32], strides = [1, 1]} : vector<64x128xf32> to vector<64x32xf32>
    %logistic3A_209 = arith.negf %slice3A_208 : vector<64x32xf32>
    %logistic3A_210 = math.exp %logistic3A_209 : vector<64x32xf32>
    %logistic3A_211 = arith.constant 1.000000e+00 : f32
    %logistic3A_212 = vector.broadcast %logistic3A_211 : f32 to vector<64x32xf32>
    %logistic3A_213 = arith.addf %logistic3A_212, %logistic3A_210 : vector<64x32xf32>
    %logistic3A_214 = arith.divf %logistic3A_212, %logistic3A_213 : vector<64x32xf32>
    %slice3A_215 = vector.extract_strided_slice %add3A_200 {offsets = [0, 64], sizes = [64, 32], strides = [1, 1]} : vector<64x128xf32> to vector<64x32xf32>
    %tanh3A_216 = math.tanh %slice3A_215 : vector<64x32xf32>
    %slice3A_217 = vector.extract_strided_slice %add3A_200 {offsets = [0, 96], sizes = [64, 32], strides = [1, 1]} : vector<64x128xf32> to vector<64x32xf32>
    %logistic3A_218 = arith.negf %slice3A_217 : vector<64x32xf32>
    %logistic3A_219 = math.exp %logistic3A_218 : vector<64x32xf32>
    %logistic3A_220 = arith.constant 1.000000e+00 : f32
    %logistic3A_221 = vector.broadcast %logistic3A_220 : f32 to vector<64x32xf32>
    %logistic3A_222 = arith.addf %logistic3A_221, %logistic3A_219 : vector<64x32xf32>
    %logistic3A_223 = arith.divf %logistic3A_221, %logistic3A_222 : vector<64x32xf32>
    %mul3A_224 = arith.mulf %logistic3A_214, %add3A_135 : vector<64x32xf32>
    %mul3A_225 = arith.mulf %logistic3A_207, %tanh3A_216 : vector<64x32xf32>
    %add3A_226 = arith.addf %mul3A_224, %mul3A_225 : vector<64x32xf32>
    %tanh3A_227 = math.tanh %add3A_226 : vector<64x32xf32>
    %mul3A_228 = arith.mulf %logistic3A_223, %tanh3A_227 : vector<64x32xf32>
    %dot_general3A_229 = arith.constant dense<0.000000e+00> : vector<10000x64xf32>
    %dot_general3A_230 = tpu.matmul %get3A_1, %mul3A_228, %dot_general3A_229 {dimension_numbers = #tpu.dot_dimension_numbers<[1], [1], [0], [0], [0, 0, 1, 0], [], []>, transpose_lhs_hint = false} : vector<10000x32xf32>, vector<64x32xf32>, vector<10000x64xf32> -> vector<10000x64xf32>
    %jit3A_231 = arith.constant 0.000000e+00 : f32
    %broadcast_in_dim3A_232 = vector.broadcast %jit3A_231 : f32 to vector<10000x64xf32>
    %select_n3A_233 = arith.select %eq3A_5, %dot_general3A_230, %broadcast_in_dim3A_232 : vector<10000x64xi1>, vector<10000x64xf32>
    %reduce_sum3A_234 = arith.constant dense<0.000000e+00> : vector<10000xf32>
    %reduce_sum3A_235 = vector.multi_reduction <add>, %select_n3A_233, %reduce_sum3A_234 [1] : vector<10000x64xf32> to vector<10000xf32>
    %broadcast_in_dim3A_236 = vector.shape_cast %reduce_sum3A_235 : vector<10000xf32> to vector<10000x1xf32>
    %jit3A_237 = arith.constant -1.000000e+30 : f32
    %broadcast_in_dim3A_238 = vector.shape_cast %broadcast_in_dim3A_236 : vector<10000x1xf32> to vector<10000x1xf32>
    %broadcast_in_dim3A_239 = vector.broadcast %broadcast_in_dim3A_238 : vector<10000x1xf32> to vector<10000x64xf32>
    %broadcast_in_dim3A_240 = vector.broadcast %jit3A_237 : f32 to vector<10000x64xf32>
    %select_n3A_241 = arith.select %eq3A_5, %broadcast_in_dim3A_239, %broadcast_in_dim3A_240 : vector<10000x64xi1>, vector<10000x64xf32>
    %reduce_max3A_242 = arith.constant dense<0xFF800000> : vector<64xf32>
    %reduce_max3A_243 = vector.multi_reduction <maximumf>, %select_n3A_241, %reduce_max3A_242 [0] : vector<10000x64xf32> to vector<64xf32>
    %broadcast_in_dim3A_244 = vector.shape_cast %reduce_max3A_243 : vector<64xf32> to vector<1x64xf32>
    %mul3A_245 = vector.broadcast %broadcast_in_dim3A_244 : vector<1x64xf32> to vector<10000x64xf32>
    %mul3A_246 = arith.mulf %convert_element_type3A_6, %mul3A_245 : vector<10000x64xf32>
    %reduce_sum3A_247 = arith.constant dense<0.000000e+00> : vector<10000xf32>
    %reduce_sum3A_248 = vector.multi_reduction <add>, %mul3A_246, %reduce_sum3A_247 [1] : vector<10000x64xf32> to vector<10000xf32>
    %broadcast_in_dim3A_249 = vector.shape_cast %reduce_sum3A_248 : vector<10000xf32> to vector<10000x1xf32>
    %sub3A_250 = arith.subf %broadcast_in_dim3A_236, %broadcast_in_dim3A_249 : vector<10000x1xf32>
    %exp3A_251 = math.exp %sub3A_250 : vector<10000x1xf32>
    %mul3A_252 = vector.broadcast %exp3A_251 : vector<10000x1xf32> to vector<10000x64xf32>
    %mul3A_253 = arith.mulf %convert_element_type3A_6, %mul3A_252 : vector<10000x64xf32>
    %reduce_sum3A_254 = arith.constant dense<0.000000e+00> : vector<64xf32>
    %reduce_sum3A_255 = vector.multi_reduction <add>, %mul3A_253, %reduce_sum3A_254 [0] : vector<10000x64xf32> to vector<64xf32>
    %broadcast_in_dim3A_256 = vector.shape_cast %reduce_sum3A_255 : vector<64xf32> to vector<1x64xf32>
    %mul3A_257 = vector.broadcast %broadcast_in_dim3A_256 : vector<1x64xf32> to vector<10000x64xf32>
    %mul3A_258 = arith.mulf %convert_element_type3A_6, %mul3A_257 : vector<10000x64xf32>
    %reduce_sum3A_259 = arith.constant dense<0.000000e+00> : vector<10000xf32>
    %reduce_sum3A_260 = vector.multi_reduction <add>, %mul3A_258, %reduce_sum3A_259 [1] : vector<10000x64xf32> to vector<10000xf32>
    %broadcast_in_dim3A_261 = vector.shape_cast %reduce_sum3A_260 : vector<10000xf32> to vector<10000x1xf32>
    %add3A_262 = arith.constant 1.000000e-16 : f32
    %add3A_263 = vector.broadcast %add3A_262 : f32 to vector<10000x1xf32>
    %add3A_264 = arith.addf %broadcast_in_dim3A_261, %add3A_263 : vector<10000x1xf32>
    %div3A_265 = arith.divf %exp3A_251, %add3A_264 : vector<10000x1xf32>
    %mul3A_266 = vector.broadcast %div3A_265 : vector<10000x1xf32> to vector<10000x64xf32>
    %mul3A_267 = arith.mulf %convert_element_type3A_6, %mul3A_266 : vector<10000x64xf32>
    %dot_general3A_268 = arith.constant dense<0.000000e+00> : vector<64x32xf32>
    %dot_general3A_269 = tpu.matmul %mul3A_267, %get3A_1, %dot_general3A_268 {dimension_numbers = #tpu.dot_dimension_numbers<[0], [0], [1], [1], [0, 1, 1, 1], [], []>, transpose_lhs_hint = false} : vector<10000x64xf32>, vector<10000x32xf32>, vector<64x32xf32> -> vector<64x32xf32>
    %concatenate3A_270 = tpu.concatenate %mul3A_228, %dot_general3A_269 in 1 : vector<64x32xf32>, vector<64x32xf32> -> vector<64x64xf32>
    %get3A_271 = arith.constant 0 : index
    %get3A_272 = arith.constant 0 : index
    %get3A_273 = vector.load %arg2[%get3A_271, %get3A_272] : memref<64x16xf32, #tpu.memory_space<vmem>>, vector<64x16xf32>
    %concatenate3A_274 = tpu.concatenate %concatenate3A_270, %get3A_273 in 1 : vector<64x64xf32>, vector<64x16xf32> -> vector<64x80xf32>
    %get3A_275 = arith.constant 0 : index
    %get3A_276 = arith.constant 0 : index
    %get3A_277 = vector.load %arg7[%get3A_275, %get3A_276] : memref<80x32xf32, #tpu.memory_space<vmem>>, vector<80x32xf32>
    %dot_general3A_278 = arith.constant dense<0.000000e+00> : vector<64x32xf32>
    %dot_general3A_279 = tpu.matmul %concatenate3A_274, %get3A_277, %dot_general3A_278 {dimension_numbers = #tpu.dot_dimension_numbers<[1], [0], [0], [1], [0, 0, 1, 1], [], []>, transpose_lhs_hint = false} : vector<64x80xf32>, vector<80x32xf32>, vector<64x32xf32> -> vector<64x32xf32>
    %get3A_280 = arith.constant 0 : index
    %get3A_281 = arith.constant 0 : index
    %get3A_282 = vector.load %arg8[%get3A_280, %get3A_281] : memref<1x32xf32, #tpu.memory_space<vmem>>, vector<1x32xf32>
    %add3A_283 = vector.broadcast %get3A_282 : vector<1x32xf32> to vector<64x32xf32>
    %add3A_284 = arith.addf %dot_general3A_279, %add3A_283 : vector<64x32xf32>
    %max3A = arith.constant 0.000000e+00 : f32
    %max3A_285 = vector.broadcast %max3A : f32 to vector<64x32xf32>
    %max3A_286 = arith.maximumf %add3A_284, %max3A_285 : vector<64x32xf32>
    %get3A_287 = arith.constant 0 : index
    %get3A_288 = arith.constant 0 : index
    %get3A_289 = vector.load %arg9[%get3A_287, %get3A_288] : memref<32x1xf32, #tpu.memory_space<vmem>>, vector<32x1xf32>
    %dot_general3A_290 = arith.constant dense<0.000000e+00> : vector<64x1xf32>
    %dot_general3A_291 = tpu.matmul %max3A_286, %get3A_289, %dot_general3A_290 {dimension_numbers = #tpu.dot_dimension_numbers<[1], [0], [0], [1], [0, 0, 1, 1], [], []>, transpose_lhs_hint = false} : vector<64x32xf32>, vector<32x1xf32>, vector<64x1xf32> -> vector<64x1xf32>
    %get3A_292 = arith.constant 0 : index
    %get3A_293 = arith.constant 0 : index
    %get3A_294 = vector.load %arg10[%get3A_292, %get3A_293] : memref<1x1xf32, #tpu.memory_space<vmem>>, vector<1x1xf32>
    %add3A_295 = vector.broadcast %get3A_294 : vector<1x1xf32> to vector<64x1xf32>
    %add3A_296 = arith.addf %dot_general3A_291, %add3A_295 : vector<64x1xf32>
    %swap3A = arith.constant 0 : index
    %swap3A_297 = arith.constant 0 : index
    %swap3A_298 = vector.load %arg11[%swap3A, %swap3A_297] : memref<64x1xf32, #tpu.memory_space<vmem>>, vector<64x1xf32>
    tpu.vector_store %arg11[%swap3A, %swap3A_297], %add3A_296 {strides = array<i32>} : memref<64x1xf32, #tpu.memory_space<vmem>>, vector<64x1xf32>,
    return
  }
}

</mosaic_0001>

<sc_bundles>
// kernel: kernel.18.cloned.1.call-start
scs
__scs_entry_jumppad:
0x0: {  	(pc) =	sbr.rel $0x88, $3  }
0x1: {  	(tag) =	ssettag $0x0;
	lr =	simm.s32 $0x1  }
0x2: {  	[smem:$0x3F88] =	sst lr;
	_ =	strace $0xD0000000  }
0x3: {  	_ = 	snop  }
0x4: {  	_ = 	snop  }
0x5: {  	_ = 	snop  }
0x6: {  	_ = 	snop  }
0x7: {  	_ = 	snop  }
__scs_overlays_trampoline_lowered:
0x8: {  	[smem:$0x3F97] =	sst s0  }
0x9: {  	[smem:$0x3F98] =	sst s1  }
0xa: {  	[smem:$0x3F99] =	sst s2  }
0xb: {  	[smem:$0x3F9A] =	sst s3  }
0xc: {  	[smem:$0x3F9B] =	sst s4  }
0xd: {  	[smem:$0x3F9C] =	sst s5  }
0xe: {  	[smem:$0x3F9D] =	sst s6  }
0xf: {  	[smem:$0x3F9E] =	sst s7  }
0x10: {  	[smem:$0x3F9F] =	sst s8  }
0x11: {  	[smem:$0x3FA0] =	sst s9;
	s0 =	simm.s32 @!p0 $0x0  }
0x12: {  	s1 =	sld [smem:$0x3F86];
	s0 =	simm.s32 @p0 $0x1  }
0x13: {  	[smem:$0x3FA1] =	sst s0;
	s0 =	simm.s32 @!p1 $0x0  }
0x14: {  	s2 =	sld [smem:$0x3F85];
	s0 =	simm.s32 @p1 $0x1  }
0x15: {  	[smem:$0x3FA2] =	sst s0;
	s0 =	simm.s32 @!p2 $0x0  }
0x16: {  	s3 =	sld [smem:$0x3FDB];
	s0 =	simm.s32 @p2 $0x1  }
0x17: {  	s4 =	simm.s32 $0x1BF5;
	[smem:$0x3FA4] =	sst s0  }
0x18: {  	s0 =	sld [smem:$0x3F87];
	_ =	swait.ge [sflag:s4], $0x0  }
0x19: {  	s7 =	sld [smem:$0x3F88]  }
0x1a: {  	s8 =	sadd.s32 $0xFFFFE003, lr  }
0x1b: {  	s9 =	sadd.s32 $0xFFFFFEF7, lr;
	s5 =	simm.s32 $0xFFFFFFFF;
	p2 =	slt.u32 s8, $0xFFFFF086  }
0x1c: {  	p1 =	slt.u32 s9, $0xF7A;
	s5 =	simm.s32 @!p2 $0x0  }
0x1d: {  	s5 =	simm.s32 @p1 $0x1;
	p0 =	seq.s32 s7, s2  }
0x1e: {  	s7 =	smul.u32 @!p0 $0xF7A, s2;
	p2 =	seq.s32 @!p0 s5, $0x0  }
0x1f: {  	s9 =	smul.u32 $0xF7A, s1;
	s8 =	simm.s32 @!p0 $0x1BF5;
	p2 =	por !p2, p0  }
0x20: {  	[sflag:s8] =	ssyncset.s32 @!p0 $0xFFFFF086;
	s6 =	sadd.s32 @!p0 s3, s7;
	s7 =	simm.s32 @!p0 $0x108  }
0x21: {  	s3 =	sadd.s32 s3, s9;
	s6 =	sadd.s32 @!p0 $0x88, s6;
	s7 =	simm.s32 @p2 $0x1082  }
0x22: {  	[simem:s7], [sflag:s8] =	dma.local @!p0 [hbm:s6], $0xF7A  }
0x23: {  	s9 =	sor.u32 $0xD0000000, s2;
	s6 =	simm.s32 $0x108;
	_ =	swait.ge @!p0 [sflag:s8], $0x0  }
0x24: {  	s3 =	sadd.s32 $0x88, s3;
	s6 =	simm.s32 @!p1 $0x1082;
	[sflag:s4] =	ssyncset.s32 $0xFFFFF086  }
0x25: {  	[simem:s6], [sflag:s4] =	dma.local [hbm:s3], $0xF7A  }
0x26: {  	[smem:$0x3F88] =	sst s1;
	(tag) =	ssettag s2;
	_ =	strace s9  }
0x27: {  	s1 =	sld [smem:$0x3F98]  }
0x28: {  	s2 =	sld [smem:$0x3F99]  }
0x29: {  	s4 =	sld [smem:$0x3F9B]  }
0x2a: {  	p0 =	seq.s32 s5, $0x0;
	s5 =	sld [smem:$0x3F9C]  }
0x2b: {  	s6 =	sld [smem:$0x3F9D]  }
0x2c: {  	s7 =	sld [smem:$0x3F9E]  }
0x2d: {  	s3 =	simm.s32 $0x108;
	s8 =	sld [smem:$0x3F9F]  }
0x2e: {  	s3 =	simm.s32 @!p0 $0x1082;
	s9 =	sld [smem:$0x3FA0]  }
0x2f: {  	lr =	sadd.s32 s0, s3;
	s0 =	sld [smem:$0x3F97]  }
0x30: {  	s3 =	sld [smem:$0x3F9A]  }
0x31: {  	[smem:$0x3FA3] =	sst s10  }
0x32: {  	s10 =	sld [smem:$0x3FA1];
	_ =	sdelay $0x3  }
0x33: {  	p0 =	seq.s32 s10, $0x1;
	s10 =	sld [smem:$0x3FA3];
	_ =	sdelay $0x3  }
0x34: {  	[smem:$0x3FA3] =	sst s10  }
0x35: {  	s10 =	sld [smem:$0x3FA2];
	_ =	sdelay $0x3  }
0x36: {  	p1 =	seq.s32 s10, $0x1;
	s10 =	sld [smem:$0x3FA3];
	_ =	sdelay $0x3  }
0x37: {  	[smem:$0x3FA3] =	sst s10  }
0x38: {  	s10 =	sld [smem:$0x3FA4]  }
0x39: {  	_ = 	snop;
	(pc) =	sbr.ind lr, $3  }
0x3a: {  	_ = 	snop  }
0x3b: {  	_ = 	snop  }
0x3c: {  	p2 =	seq.s32 s10, $0x1;
	s10 =	sld [smem:$0x3FA3]  }
0x3d: {  	_ =	shalt  }
0x3e: {  	_ =	shalt  }
0x3f: {  	_ =	shalt  }
0x40: {  	_ =	shalt  }
0x41: {  	_ =	shalt  }
0x42: {  	_ =	shalt  }
0x43: {  	_ =	shalt  }
0x44: {  	_ =	shalt  }
0x45: {  	_ =	shalt  }
0x46: {  	_ =	shalt  }
0x47: {  	_ =	shalt  }
0x48: {  	_ =	shalt  }
0x49: {  	_ =	shalt  }
0x4a: {  	_ =	shalt  }
0x4b: {  	_ =	shalt  }
0x4c: {  	_ =	shalt  }
0x4d: {  	_ =	shalt  }
0x4e: {  	_ =	shalt  }
0x4f: {  	_ =	shalt  }
0x50: {  	_ =	shalt  }
0x51: {  	_ =	shalt  }
0x52: {  	_ =	shalt  }
0x53: {  	_ =	shalt  }
0x54: {  	_ =	shalt  }
0x55: {  	_ =	shalt  }
0x56: {  	_ =	shalt  }
0x57: {  	_ =	shalt  }
0x58: {  	_ =	shalt  }
0x59: {  	_ =	shalt  }
0x5a: {  	_ =	shalt  }
0x5b: {  	_ =	shalt  }
0x5c: {  	_ =	shalt  }
0x5d: {  	_ =	shalt  }
0x5e: {  	_ =	shalt  }
0x5f: {  	_ =	shalt  }
0x60: {  	_ =	shalt  }
0x61: {  	_ =	shalt  }
0x62: {  	_ =	shalt  }
0x63: {  	_ =	shalt  }
0x64: {  	_ =	shalt  }
0x65: {  	_ =	shalt  }
0x66: {  	_ =	shalt  }
0x67: {  	_ =	shalt  }
0x68: {  	_ =	shalt  }
0x69: {  	_ =	shalt  }
0x6a: {  	_ =	shalt  }
0x6b: {  	_ =	shalt  }
0x6c: {  	_ =	shalt  }
0x6d: {  	_ =	shalt  }
0x6e: {  	_ =	shalt  }
0x6f: {  	_ =	shalt  }
0x70: {  	_ =	shalt  }
0x71: {  	_ =	shalt  }
0x72: {  	_ =	shalt  }
0x73: {  	_ =	shalt  }
0x74: {  	_ =	shalt  }
0x75: {  	_ =	shalt  }
0x76: {  	_ =	shalt  }
0x77: {  	_ =	shalt  }
0x78: {  	_ =	shalt  }
0x79: {  	_ =	shalt  }
0x7a: {  	_ =	shalt  }
0x7b: {  	_ =	shalt  }
0x7c: {  	_ =	shalt  }
0x7d: {  	_ =	shalt  }
0x7e: {  	_ =	shalt  }
0x7f: {  	_ =	shalt  }
0x80: {  	_ =	shalt  }
0x81: {  	_ =	shalt  }
0x82: {  	_ =	shalt  }
0x83: {  	_ =	shalt  }
0x84: {  	_ =	shalt  }
0x85: {  	_ =	shalt  }
0x86: {  	_ =	shalt  }
0x87: {  	_ =	shalt  }
.Lfunc_end0:
.L_simem_size_0:
called_computation_lowered:
.L_overlay_start_0:
0x88: {  	s2 =	sld [smem:$0x3FD9]  }
0x89: {  	s3 =	sld [smem:$0x3FFE];
	_ =	sdelay $0x1  }
0x8a: {  	s1 =	srdreg.scid  }
0x8b: {  	s0 =	sand.u32 $0x1, s1  }
0x8c: {  	s17 =	sshll.u32 s0, $0xA;
	s2 =	sadd.s32 s3, s2  }
0x8d: {  	s2 =	sadd.s32 s2, s17  }
0x8e: {  	[smem:$0x3FAF] =	sst s2  }
0x8f: {  	_ = 	snop  }
0x90: {  	(tm) =	ssettm $0x1  }
0x91: {  	s18 =	sld [smem:$0x3FFB];
	_ =	sdelay $0x3  }
0x92: {  	_ =	strace s18  }
0x93: {  	s2 =	sld [smem:$0x3FFC];
	_ =	sdelay $0x3  }
0x94: {  	_ =	strace s2  }
0x95: {  	s2 =	sld [smem:$0x3FFD];
	_ =	sdelay $0x3  }
0x96: {  	_ =	strace s2  }
0x97: {  	_ =	strace $0x8FFFFFFF  }
0x98: {  	s19 =	sld [smem:$0x3FDB];
	_ =	sdelay $0x1  }
0x99: {  	s20 =	simm.s32 $_scs_section_size  }
0x9a: {  	s4 =	simm.s32 $_size__tile_overlayer_lowered;
	s5 =	simm.s32 $_tile_overlayer_lowered  }
0x9b: {  	s6 =	simm.s32 $0x1BFF;
	s21 =	sshll.u32 s5, $0x1;
	s3 =	sadd.s32 s20, s19  }
0x9c: {  	s22 =	simm.s32 $0x0;
	s4 =	sshll.u32 s4, $0x1;
	s5 =	sadd.s32 s21, s3  }
0x9d: {  	[timem:s22], [sflag:s6] =	dma.local [hbm:s5], s4  }
0x9e: {  	_ =	swait.ge [sflag:s6], s4  }
0x9f: {  	s4 =	ssub.s32 $0x0, s4;
	[sflag:s6] =	ssyncset.done $0x0  }
0xa0: {  	[sflag:s6] =	ssyncadd.s32 s4;
	_ =	sdelay $0x1  }
0xa1: {  	s23 =	simm.s32 $0x1B8B  }
0xa2: {  	_ =	swait.ge [sflag:s23], $0x1  }
0xa3: {  	[sflag:s23] =	ssyncset.done $0x0  }
0xa4: {  	[sflag:s23] =	ssyncadd.s32 $0xFFFFFFFF  }
0xa5: {  	s4 =	sld [smem:$0x0]  }
0xa6: {  	s5 =	sand.u32 $0xFFFFFFFE, s1  }
0xa7: {  	p0 =	sne.s32 s1, s5  }
0xa8: {  	s5 =	sshll.u32 @p0 s5, $0xE  }
0xa9: {  	s5 =	sadd.s32 @p0 $0x11B8D, s5;
	s6 =	sshll.u32 @p0 s4, $0x11  }
0xaa: {  	s5 =	sor.u32 @p0 s6, s5  }
0xab: {  	[sflag:s5] =	ssyncadd.remote.s32 @p0 $0x1;
	_ =	sdelay $0x1  }
0xac: {  	s5 =	simm.s32 @p0 $0x1B8D  }
0xad: {  	_ =	swait.eq @p0 [sflag:s5], $0x1  }
0xae: {  	[sflag:s5] =	ssyncadd.s32 @p0 $0xFFFFFFFF  }
0xaf: {  	s6 =	sshll.u32 @!p0 s1, $0xE  }
0xb0: {  	s6 =	sor.u32 @!p0 $0x4000, s6;
	s5 =	simm.s32 @!p0 $0x1B8D  }
0xb1: {  	s4 =	sshll.u32 @!p0 s4, $0x11;
	s6 =	sadd.s32 @!p0 $0x11B8D, s6;
	_ =	swait.eq @!p0 [sflag:s5], $0x1  }
0xb2: {  	s4 =	sor.u32 @!p0 s4, s6;
	[sflag:s5] =	ssyncadd.s32 @!p0 $0xFFFFFFFF  }
0xb3: {  	s25 =	simm.s32 $0x1B8E;
	s24 =	sld [smem:$0x3FFE];
	[sflag:s4] =	ssyncadd.remote.s32 @!p0 $0x1  }
0xb4: {  	s26 =	simm.s32 $execute0_lowered;
	[smem:$0x3FD2] =	sst s25  }
0xb5: {  	s5 =	sshll.u32 s26, $0x1;
	_ =	strace $0x80000049;
	[dreg:$0x1] =	wrdreg $0xFFFFFFFF  }
0xb6: {  	s28 =	simm.s32 $_size_execute0_lowered;
	s3 =	sadd.s32 s3, s5;
	[dreg:$0x0] =	wrdreg $0x0  }
0xb7: {  	s5 =	sshll.u32 s28, $0x1;
	[dreg:$0x2] =	wrdreg s3  }
0xb8: {  	[dreg:$0x3] =	wrdreg s5  }
0xb9: {  	[dreg:$0x4] =	wrdreg $0xC0  }
0xba: {  	_ =	task [dreg:s22], $0x5FFFF  }
0xbb: {  	[dreg:$0x1] =	wrdreg $0xFFFFFFFF  }
0xbc: {  	[dreg:$0x0] =	wrdreg $0x60  }
0xbd: {  	[dreg:$0x2] =	wrdreg s24  }
0xbe: {  	[dreg:$0x3] =	wrdreg $0x40800  }
0xbf: {  	[dreg:$0x4] =	wrdreg $0x9  }
0xc0: {  	_ =	task.clear_ibuf [dreg:s22], $0x5FFFF;
	_ =	strace $0x90000049  }
0xc1: {  	s29 =	simm.s32 $0x9;
	_ =	strace $0x8000004B  }
0xc2: {  	_ =	swait.ge [sflag:s29], $0x1  }
0xc3: {  	[sflag:s29] =	ssyncadd.s32 $0xFFFFFFFF  }
0xc4: {  	_ =	strace $0x9000004B  }
0xc5: {  	_ =	sfence  }
0xc6: {  	s30 =	sld [smem:$0x0];
	_ =	sdelay $0x2  }
0xc7: {  	s31 =	sshll.u32 s1, $0xD;
	s1 =	sshrl.u32 s1, $0x2  }
0xc8: {  	s4 =	sand.u32 $0x4000, s31;
	s1 =	sadd.s32 s1, s30  }
0xc9: {  	s0 =	sor.u32 s4, s0;
	s1 =	sshll.u32 s1, $0x11  }
0xca: {  	s0 =	sor.u32 s1, s0  }
0xcb: {  	s0 =	sadd.s32 $0x8F2B, s0  }
0xcc: {  	[sflag:s0] =	ssyncadd.remote.s32 $0x1  }
0xcd: {  	_ =	sfence.sel $0xFFFF  }
0xce: {  	[dreg:$0x0] =	wrdreg $0xFFFFFFFF;
	(pc) =	sbr.abs _section_cstart, $3  }
0xcf: {  	[dreg:$0x1] =	wrdreg $0xFFFFFFFF  }
0xd0: {  	_ =	task.clear_ibuf [dreg:s22], $0x2FFFF;
	_ =	strace $0x9FFFFFFF  }
0xd1: {  	(tm) =	ssettm $0x7FFFFFFF  }
tec
execute0_lowered:
.L_overlay_start_1:
0x0: {  	(tag) =	ssettag $0x1  }
0x1: {  	s5 =	rddreg [dreg:$0x0]  }
0x2: {  	s2 =	rddreg [dreg:$0x1]  }
0x3: {  	s0 =	rddreg [dreg:$0x2]  }
0x4: {  	s1 =	stileid.u32;
	s4 =	srdreg.scid  }
0x5: {  	s3 =	simm.s32 $0x0;
	s6 =	smul.u32 $0x2780, s1;
	s7 =	sand.u32 $0x1, s4  }
0x6: {  	[smem:$0x7FF] =	sst s3;
	s28 =	sshll.u32 s1, $0x5;
	s10 =	smul.u32 $0x4F000, s1  }
0x7: {  	s4 =	sadd.s32 $0x2E0400, s5;
	s30 =	sshll.u32 s1, $0x6;
	s8 =	smul.u32 $0x27800, s7  }
0x8: {  	_ =	strace $0x8000004A;
	s9 =	sadd.s32 s28, s5;
	s12 =	ssub.s32 $0x2, s7  }
0x9: {  	s31 =	sshll.u32 s7, $0x4;
	s11 =	sadd.s32 s6, s5;
	s29 =	sshrl.u32 s12, $0x1  }
0xa: {  	s10 =	sshrl.u32 s10, $0x2;
	s9 =	sadd.s32 s31, s9;
	s6 =	sadd.s32 s6, s8  }
0xb: {  	s8 =	ssub.s32 s12, s29;
	s10 =	sadd.s32 s10, s2;
	s9 =	sadd.s32 $0x2B3C00, s9  }
0xc: {  	s12 =	simm.s32 $0x80;
	s13 =	sadd.s32 s6, s5;
	s5 =	sadd.s32 $0x2B8C00, s11  }
0xd: {  	s6 =	sor.u32 $0x1C01, s30;
	s8 =	smax.u32 s8, $0x1;
	s10 =	sshrl.u32 s10, $0x3  }
0xe: {  	s11 =	simm.s32 $0x1;
	s7 =	sadd.s32 $0x2E0C00, s13;
	s13 =	simm.s32 $0x0  }
.LBB2_1:
0xf: {  	[spmem:s10], [sflag:s6] =	dma.local [hbm:s5], $0x2780  }
0x10: {  	_ =	swait.ge [sflag:s11], $0x2780  }
0x11: {  	[sflag:s11] =	ssyncset.done $0x0  }
0x12: {  	[sflag:s11] =	ssyncadd.s32 $0xFFFFD880  }
0x13: {  	[tilespmem:s12], [sflag:$0x1] =	stream.linear.gather [hbm4b:s4+s3], $0x4000, $0x38;
	[tilespmem:$0x17C80] =	vst v63  }
0x14: {  	_ =	swait.ge [sflag:s11], $0x4000  }
0x15: {  	[sflag:s11] =	ssyncset.done $0x0  }
0x16: {  	[sflag:s11] =	ssyncadd.s32 $0xFFFFC000  }
0x17: {  	s14 =	sadd.s32 $0x0, s9;
	[bflag:$0x0] =	sbarrier.arrive $0xFFFF  }
0x18: {  	[tilespmem:s3], [sflag:$0x1] =	stream.linear.gather [hbm4b:s14+s3], $0x80, $0x38;
	[tilespmem:$0x17C80] =	vst v63  }
0x19: {  	_ =	swait.ge [sflag:s11], $0x80  }
0x1a: {  	[sflag:s11] =	ssyncset.done $0x0  }
0x1b: {  	[sflag:s11] =	ssyncadd.s32 $0xFFFFFF80  }
0x1c: {  	[spmem:s2] =	stream.indirect.scatter.add.f32 [tilespmem:s12], [sflag:$0x1], $0x80, s3, s12, $0xb8;
	[tilespmem:$0x17C80] =	vst v63  }
0x1d: {  	_ =	swait.ge [sflag:s11], $0x4000  }
0x1e: {  	s15 =	simm.s32 $0x400;
	s14 =	simm.s32 $0x200;
	[sflag:s11] =	ssyncset.done $0x0  }
.LBB2_2:
0x1f: {  	s16 =	sadd.s32 s14, s9  }
0x20: {  	[sflag:s11] =	ssyncadd.s32 $0xFFFFC000;
	s14 =	smov.u32 s15;
	s17 =	sadd.s32 $0x200, s15  }
0x21: {  	[tilespmem:s3], [sflag:$0x1] =	stream.linear.gather [hbm4b:s16+s3], $0x80, $0x38;
	[tilespmem:$0x17C80] =	vst v63  }
0x22: {  	p0 =	sne.s32 s15, $0x4E00;
	_ =	swait.ge [sflag:s11], $0x80  }
.Ltmp0:
0x23: {  	[sflag:s11] =	ssyncset.done $0x0;
	(pc) =	sbr.rel @p0 .LBB2_2-.Ltmp0, $4  }
0x24: {  	[sflag:s11] =	ssyncadd.s32 $0xFFFFFF80  }
0x25: {  	[spmem:s2] =	stream.indirect.scatter.add.f32 [tilespmem:s12], [sflag:$0x1], $0x80, s3, s12, $0xb8;
	[tilespmem:$0x17C80] =	vst v63  }
0x26: {  	_ =	swait.ge [sflag:s11], $0x4000  }
0x27: {  	s15 =	smov.u32 s17;
	[sflag:s11] =	ssyncset.done $0x0  }
0x28: {  	s14 =	sadd.s32 s14, s9;
	[sflag:s11] =	ssyncadd.s32 $0xFFFFC000  }
0x29: {  	[tilespmem:s3], [sflag:$0x1] =	stream.linear.gather [hbm4b:s14+s3], $0x80, $0x38;
	[tilespmem:$0x17C80] =	vst v63  }
0x2a: {  	_ =	swait.ge [sflag:s11], $0x80  }
0x2b: {  	[sflag:s11] =	ssyncset.done $0x0  }
0x2c: {  	[sflag:s11] =	ssyncadd.s32 $0xFFFFFF80  }
0x2d: {  	[spmem:s2] =	stream.indirect.scatter.add.f32 [tilespmem:s12], [sflag:$0x1], $0x80, s3, s12, $0xb8;
	[tilespmem:$0x17C80] =	vst v63  }
0x2e: {  	_ =	swait.ge [sflag:s11], $0x4000  }
0x2f: {  	s13 =	sadd.s32 $0x1, s13;
	[sflag:s11] =	ssyncset.done $0x0  }
0x30: {  	p0 =	sne.s32 s13, s8;
	[sflag:s11] =	ssyncadd.s32 $0xFFFFC000  }
.Ltmp1:
0x31: {  	[bflag:$0x0] =	sbarrier.arrive $0xFFFF;
	(pc) =	sbr.rel @p0 .LBB2_1-.Ltmp1, $4  }
0x32: {  	[hbm:s7], [sflag:s6] =	dma.local [spmem:s10], $0x2780  }
0x33: {  	_ =	swait.ge [sflag:s11], $0x2780  }
0x34: {  	[sflag:s11] =	ssyncset.done $0x0  }
0x35: {  	[sflag:s11] =	ssyncadd.s32 $0xFFFFD880  }
0x36: {  	_ =	sfence.sel $0x180000  }
0x37: {  	[bflag:$0x0] =	sbarrier.arrive $0xFFFF  }
0x38: {  	p0 =	sne.s32 s1, $0x0;
	_ =	strace $0x9000004A  }
0x39: {  	s0 =	sadd.s32 @!p0 $0x100000, s0;
	[bflag:$0x2] =	sbarrier.arrive $0xFFFF  }
0x3a: {  	[sflag:s0] =	ssyncadd.tile.s32 @!p0 $0x1;
	_ =	shalt  }
.Lfunc_end2:
_tile_overlayer_lowered:
.L_overlay_start_2:
0x3b: {  	(tag) =	ssettag $0x2  }
0x3c: {  	s0 =	rddreg [dreg:$0x0];
	s2 =	stileid.u32  }
0x3d: {  	s1 =	rddreg [dreg:$0x1];
	p0 =	sne.s32 s2, $0x0  }
0x3e: {  	s3 =	rddreg [dreg:$0x2];
	[bflag:$0x3] =	sbarrier.arrive $0xFFFF;
	s2 =	simm.s32 @!p0 $0x1C01  }
0x3f: {  	[timem:s3], [sflag:s2] =	dma.local @!p0 [hbm:s0], s1  }
0x40: {  	s0 =	simm.s32 @!p0 $0x1  }
0x41: {  	_ =	swait.ge @!p0 [sflag:s0], s1  }
0x42: {  	s1 =	ssub.s32 @!p0 $0x0, s1;
	[sflag:s0] =	ssyncset.done @!p0 $0x0  }
0x43: {  	[sflag:s0] =	ssyncadd.s32 @!p0 s1  }
0x44: {  	[bflag:$0x3] =	sbarrier.arrive $0xFFFF  }
0x45: {  	_ =	shalt  }

// kernel: kernel.21.cloned.1.call-start
scs
__scs_entry_jumppad:
0x0: {  	(pc) =	sbr.rel $0x88, $3  }
0x1: {  	(tag) =	ssettag $0x0;
	lr =	simm.s32 $0x1  }
0x2: {  	[smem:$0x3F88] =	sst lr;
	_ =	strace $0xD0000000  }
0x3: {  	_ = 	snop  }
0x4: {  	_ = 	snop  }
0x5: {  	_ = 	snop  }
0x6: {  	_ = 	snop  }
0x7: {  	_ = 	snop  }
__scs_overlays_trampoline_lowered:
0x8: {  	[smem:$0x3F97] =	sst s0  }
0x9: {  	[smem:$0x3F98] =	sst s1  }
0xa: {  	[smem:$0x3F99] =	sst s2  }
0xb: {  	[smem:$0x3F9A] =	sst s3  }
0xc: {  	[smem:$0x3F9B] =	sst s4  }
0xd: {  	[smem:$0x3F9C] =	sst s5  }
0xe: {  	[smem:$0x3F9D] =	sst s6  }
0xf: {  	[smem:$0x3F9E] =	sst s7  }
0x10: {  	[smem:$0x3F9F] =	sst s8  }
0x11: {  	[smem:$0x3FA0] =	sst s9;
	s0 =	simm.s32 @!p0 $0x0  }
0x12: {  	s1 =	sld [smem:$0x3F86];
	s0 =	simm.s32 @p0 $0x1  }
0x13: {  	[smem:$0x3FA1] =	sst s0;
	s0 =	simm.s32 @!p1 $0x0  }
0x14: {  	s2 =	sld [smem:$0x3F85];
	s0 =	simm.s32 @p1 $0x1  }
0x15: {  	[smem:$0x3FA2] =	sst s0;
	s0 =	simm.s32 @!p2 $0x0  }
0x16: {  	s3 =	sld [smem:$0x3FDB];
	s0 =	simm.s32 @p2 $0x1  }
0x17: {  	s4 =	simm.s32 $0x1BF5;
	[smem:$0x3FA4] =	sst s0  }
0x18: {  	s0 =	sld [smem:$0x3F87];
	_ =	swait.ge [sflag:s4], $0x0  }
0x19: {  	s7 =	sld [smem:$0x3F88]  }
0x1a: {  	s8 =	sadd.s32 $0xFFFFE003, lr  }
0x1b: {  	s9 =	sadd.s32 $0xFFFFFEF7, lr;
	s5 =	simm.s32 $0xFFFFFFFF;
	p2 =	slt.u32 s8, $0xFFFFF086  }
0x1c: {  	p1 =	slt.u32 s9, $0xF7A;
	s5 =	simm.s32 @!p2 $0x0  }
0x1d: {  	s5 =	simm.s32 @p1 $0x1;
	p0 =	seq.s32 s7, s2  }
0x1e: {  	s7 =	smul.u32 @!p0 $0xF7A, s2;
	p2 =	seq.s32 @!p0 s5, $0x0  }
0x1f: {  	s9 =	smul.u32 $0xF7A, s1;
	s8 =	simm.s32 @!p0 $0x1BF5;
	p2 =	por !p2, p0  }
0x20: {  	[sflag:s8] =	ssyncset.s32 @!p0 $0xFFFFF086;
	s6 =	sadd.s32 @!p0 s3, s7;
	s7 =	simm.s32 @!p0 $0x108  }
0x21: {  	s3 =	sadd.s32 s3, s9;
	s6 =	sadd.s32 @!p0 $0x88, s6;
	s7 =	simm.s32 @p2 $0x1082  }
0x22: {  	[simem:s7], [sflag:s8] =	dma.local @!p0 [hbm:s6], $0xF7A  }
0x23: {  	s9 =	sor.u32 $0xD0000000, s2;
	s6 =	simm.s32 $0x108;
	_ =	swait.ge @!p0 [sflag:s8], $0x0  }
0x24: {  	s3 =	sadd.s32 $0x88, s3;
	s6 =	simm.s32 @!p1 $0x1082;
	[sflag:s4] =	ssyncset.s32 $0xFFFFF086  }
0x25: {  	[simem:s6], [sflag:s4] =	dma.local [hbm:s3], $0xF7A  }
0x26: {  	[smem:$0x3F88] =	sst s1;
	(tag) =	ssettag s2;
	_ =	strace s9  }
0x27: {  	s1 =	sld [smem:$0x3F98]  }
0x28: {  	s2 =	sld [smem:$0x3F99]  }
0x29: {  	s4 =	sld [smem:$0x3F9B]  }
0x2a: {  	p0 =	seq.s32 s5, $0x0;
	s5 =	sld [smem:$0x3F9C]  }
0x2b: {  	s6 =	sld [smem:$0x3F9D]  }
0x2c: {  	s7 =	sld [smem:$0x3F9E]  }
0x2d: {  	s3 =	simm.s32 $0x108;
	s8 =	sld [smem:$0x3F9F]  }
0x2e: {  	s3 =	simm.s32 @!p0 $0x1082;
	s9 =	sld [smem:$0x3FA0]  }
0x2f: {  	lr =	sadd.s32 s0, s3;
	s0 =	sld [smem:$0x3F97]  }
0x30: {  	s3 =	sld [smem:$0x3F9A]  }
0x31: {  	[smem:$0x3FA3] =	sst s10  }
0x32: {  	s10 =	sld [smem:$0x3FA1];
	_ =	sdelay $0x3  }
0x33: {  	p0 =	seq.s32 s10, $0x1;
	s10 =	sld [smem:$0x3FA3];
	_ =	sdelay $0x3  }
0x34: {  	[smem:$0x3FA3] =	sst s10  }
0x35: {  	s10 =	sld [smem:$0x3FA2];
	_ =	sdelay $0x3  }
0x36: {  	p1 =	seq.s32 s10, $0x1;
	s10 =	sld [smem:$0x3FA3];
	_ =	sdelay $0x3  }
0x37: {  	[smem:$0x3FA3] =	sst s10  }
0x38: {  	s10 =	sld [smem:$0x3FA4]  }
0x39: {  	_ = 	snop;
	(pc) =	sbr.ind lr, $3  }
0x3a: {  	_ = 	snop  }
0x3b: {  	_ = 	snop  }
0x3c: {  	p2 =	seq.s32 s10, $0x1;
	s10 =	sld [smem:$0x3FA3]  }
0x3d: {  	_ =	shalt  }
0x3e: {  	_ =	shalt  }
0x3f: {  	_ =	shalt  }
0x40: {  	_ =	shalt  }
0x41: {  	_ =	shalt  }
0x42: {  	_ =	shalt  }
0x43: {  	_ =	shalt  }
0x44: {  	_ =	shalt  }
0x45: {  	_ =	shalt  }
0x46: {  	_ =	shalt  }
0x47: {  	_ =	shalt  }
0x48: {  	_ =	shalt  }
0x49: {  	_ =	shalt  }
0x4a: {  	_ =	shalt  }
0x4b: {  	_ =	shalt  }
0x4c: {  	_ =	shalt  }
0x4d: {  	_ =	shalt  }
0x4e: {  	_ =	shalt  }
0x4f: {  	_ =	shalt  }
0x50: {  	_ =	shalt  }
0x51: {  	_ =	shalt  }
0x52: {  	_ =	shalt  }
0x53: {  	_ =	shalt  }
0x54: {  	_ =	shalt  }
0x55: {  	_ =	shalt  }
0x56: {  	_ =	shalt  }
0x57: {  	_ =	shalt  }
0x58: {  	_ =	shalt  }
0x59: {  	_ =	shalt  }
0x5a: {  	_ =	shalt  }
0x5b: {  	_ =	shalt  }
0x5c: {  	_ =	shalt  }
0x5d: {  	_ =	shalt  }
0x5e: {  	_ =	shalt  }
0x5f: {  	_ =	shalt  }
0x60: {  	_ =	shalt  }
0x61: {  	_ =	shalt  }
0x62: {  	_ =	shalt  }
0x63: {  	_ =	shalt  }
0x64: {  	_ =	shalt  }
0x65: {  	_ =	shalt  }
0x66: {  	_ =	shalt  }
0x67: {  	_ =	shalt  }
0x68: {  	_ =	shalt  }
0x69: {  	_ =	shalt  }
0x6a: {  	_ =	shalt  }
0x6b: {  	_ =	shalt  }
0x6c: {  	_ =	shalt  }
0x6d: {  	_ =	shalt  }
0x6e: {  	_ =	shalt  }
0x6f: {  	_ =	shalt  }
0x70: {  	_ =	shalt  }
0x71: {  	_ =	shalt  }
0x72: {  	_ =	shalt  }
0x73: {  	_ =	shalt  }
0x74: {  	_ =	shalt  }
0x75: {  	_ =	shalt  }
0x76: {  	_ =	shalt  }
0x77: {  	_ =	shalt  }
0x78: {  	_ =	shalt  }
0x79: {  	_ =	shalt  }
0x7a: {  	_ =	shalt  }
0x7b: {  	_ =	shalt  }
0x7c: {  	_ =	shalt  }
0x7d: {  	_ =	shalt  }
0x7e: {  	_ =	shalt  }
0x7f: {  	_ =	shalt  }
0x80: {  	_ =	shalt  }
0x81: {  	_ =	shalt  }
0x82: {  	_ =	shalt  }
0x83: {  	_ =	shalt  }
0x84: {  	_ =	shalt  }
0x85: {  	_ =	shalt  }
0x86: {  	_ =	shalt  }
0x87: {  	_ =	shalt  }
.Lfunc_end0:
.L_simem_size_0:
called_computation.1_lowered:
.L_overlay_start_0:
0x88: {  	s2 =	sld [smem:$0x3FD9]  }
0x89: {  	s3 =	sld [smem:$0x3FFE];
	_ =	sdelay $0x1  }
0x8a: {  	s1 =	srdreg.scid  }
0x8b: {  	s0 =	sand.u32 $0x1, s1  }
0x8c: {  	s16 =	sshll.u32 s0, $0xA;
	s2 =	sadd.s32 s3, s2  }
0x8d: {  	s2 =	sadd.s32 s2, s16  }
0x8e: {  	[smem:$0x3FAF] =	sst s2  }
0x8f: {  	_ = 	snop  }
0x90: {  	(tm) =	ssettm $0x1  }
0x91: {  	s17 =	sld [smem:$0x3FFB];
	_ =	sdelay $0x3  }
0x92: {  	_ =	strace s17  }
0x93: {  	s2 =	sld [smem:$0x3FFC];
	_ =	sdelay $0x3  }
0x94: {  	_ =	strace s2  }
0x95: {  	s2 =	sld [smem:$0x3FFD];
	_ =	sdelay $0x3  }
0x96: {  	_ =	strace s2  }
0x97: {  	_ =	strace $0x8FFFFFFF  }
0x98: {  	s18 =	sld [smem:$0x3FDB];
	_ =	sdelay $0x1  }
0x99: {  	s19 =	simm.s32 $_scs_section_size  }
0x9a: {  	s4 =	simm.s32 $_size__tile_overlayer_lowered;
	s5 =	simm.s32 $_tile_overlayer_lowered  }
0x9b: {  	s22 =	simm.s32 $0x1BFF;
	s21 =	sshll.u32 s5, $0x1;
	s2 =	sadd.s32 s19, s18  }
0x9c: {  	s6 =	simm.s32 $0x0;
	s20 =	sshll.u32 s4, $0x1;
	s4 =	sadd.s32 s21, s2  }
0x9d: {  	[timem:s6], [sflag:s22] =	dma.local [hbm:s4], s20  }
0x9e: {  	_ =	swait.ge [sflag:s22], s20  }
0x9f: {  	s3 =	ssub.s32 $0x0, s20;
	[sflag:s22] =	ssyncset.done $0x0  }
0xa0: {  	[sflag:s22] =	ssyncadd.s32 s3;
	_ =	sdelay $0x1  }
0xa1: {  	s23 =	simm.s32 $0x1B8B  }
0xa2: {  	_ =	swait.ge [sflag:s23], $0x1  }
0xa3: {  	[sflag:s23] =	ssyncset.done $0x0  }
0xa4: {  	s25 =	simm.s32 $0x1B8E;
	s24 =	sld [smem:$0x3FFE];
	[sflag:s23] =	ssyncadd.s32 $0xFFFFFFFF  }
0xa5: {  	s26 =	simm.s32 $execute0_lowered;
	[smem:$0x3FD2] =	sst s25  }
0xa6: {  	s4 =	sshll.u32 s26, $0x1;
	_ =	strace $0x80000046;
	[dreg:$0x1] =	wrdreg $0xFFFFFFFF  }
0xa7: {  	s28 =	simm.s32 $_size_execute0_lowered;
	s2 =	sadd.s32 s2, s4;
	[dreg:$0x0] =	wrdreg $0x0  }
0xa8: {  	s4 =	sshll.u32 s28, $0x1;
	[dreg:$0x2] =	wrdreg s2  }
0xa9: {  	[dreg:$0x3] =	wrdreg s4  }
0xaa: {  	[dreg:$0x4] =	wrdreg $0xC0  }
0xab: {  	_ =	task [dreg:s6], $0x5FFFF  }
0xac: {  	[dreg:$0x1] =	wrdreg $0xFFFFFFFF  }
0xad: {  	[dreg:$0x0] =	wrdreg $0x60  }
0xae: {  	[dreg:$0x2] =	wrdreg s24  }
0xaf: {  	[dreg:$0x3] =	wrdreg $0xA  }
0xb0: {  	_ =	task.clear_ibuf [dreg:s6], $0x4FFFF;
	_ =	strace $0x90000046  }
0xb1: {  	s29 =	simm.s32 $0xA;
	_ =	strace $0x80000048  }
0xb2: {  	_ =	swait.ge [sflag:s29], $0x1  }
0xb3: {  	[sflag:s29] =	ssyncadd.s32 $0xFFFFFFFF  }
0xb4: {  	_ =	strace $0x90000048  }
0xb5: {  	_ =	sfence  }
0xb6: {  	s30 =	sld [smem:$0x0];
	_ =	sdelay $0x2  }
0xb7: {  	s31 =	sshll.u32 s1, $0xD;
	s1 =	sshrl.u32 s1, $0x2  }
0xb8: {  	s3 =	sand.u32 $0x4000, s31;
	s1 =	sadd.s32 s1, s30  }
0xb9: {  	s0 =	sor.u32 s3, s0;
	s1 =	sshll.u32 s1, $0x11  }
0xba: {  	s0 =	sor.u32 s1, s0  }
0xbb: {  	s0 =	sadd.s32 $0x8F2B, s0  }
0xbc: {  	[sflag:s0] =	ssyncadd.remote.s32 $0x1  }
0xbd: {  	_ =	sfence.sel $0xFFFF  }
0xbe: {  	[dreg:$0x0] =	wrdreg $0xFFFFFFFF;
	(pc) =	sbr.abs _section_cstart, $3  }
0xbf: {  	[dreg:$0x1] =	wrdreg $0xFFFFFFFF  }
0xc0: {  	_ =	task.clear_ibuf [dreg:s6], $0x2FFFF;
	_ =	strace $0x9FFFFFFF  }
0xc1: {  	(tm) =	ssettm $0x7FFFFFFF  }
tec
execute0_lowered:
.L_overlay_start_1:
0x0: {  	(tag) =	ssettag $0x1  }
0x1: {  	s4 =	rddreg [dreg:$0x0]  }
0x2: {  	s0 =	rddreg [dreg:$0x1];
	s2 =	simm.s32 $0x0;
	s3 =	srdreg.scid  }
0x3: {  	s1 =	stileid.u32;
	s10 =	simm.s32 $0x0;
	[smem:$0x7FF] =	sst s2  }
0x4: {  	s5 =	sand.u32 $0x1, s3;
	s6 =	sshll.u32 s1, $0x8;
	s3 =	sadd.s32 $0xCA00, s4  }
0x5: {  	s8 =	sshll.u32 s1, $0xC;
	_ =	strace $0x80000047;
	s7 =	sshll.u32 s5, $0x7  }
0x6: {  	s31 =	ssub.s32 $0x2, s5;
	s8 =	sadd.s32 s8, s4;
	s5 =	sshll.u32 s5, $0xB  }
0x7: {  	s6 =	sor.u32 s7, s6;
	s9 =	sshrl.u32 s31, $0x1;
	s5 =	sadd.s32 s5, s8  }
0x8: {  	s8 =	simm.s32 $0x80;
	s6 =	sshrl.u32 s6, $0x3;
	s7 =	ssub.s32 s31, s9  }
0x9: {  	s5 =	sadd.s32 $0x33C00, s5;
	s9 =	simm.s32 $0x1;
	s6 =	sadd.s32 s6, s4  }
0xa: {  	s4 =	smax.u32 s7, $0x1;
	s7 =	simm.s32 $0x2;
	s6 =	sadd.s32 $0x7A00, s6  }
.LBB2_1:
0xb: {  	s11 =	sadd.s32 $0x0, s6  }
0xc: {  	[tilespmem:s2], [sflag:$0x2] =	stream.linear.gather [hbm4b:s11+s2], $0x80, $0x38;
	[tilespmem:$0x4080] =	vst v63  }
0xd: {  	_ =	swait.ge [sflag:s7], $0x80  }
0xe: {  	[sflag:s7] =	ssyncset.done $0x0  }
0xf: {  	[sflag:s7] =	ssyncadd.s32 $0xFFFFFF80  }
0x10: {  	[tilespmem:s8], [sflag:$0x1] =	stream.indirect.gather [hbm4b:s3+s8], $0x80, s2, s8, $0xb8;
	[tilespmem:$0x4080] =	vst v63  }
0x11: {  	_ =	swait.ge [sflag:s9], $0x4000  }
0x12: {  	[sflag:s9] =	ssyncset.done $0x0  }
0x13: {  	[sflag:s9] =	ssyncadd.s32 $0xFFFFC000  }
0x14: {  	[hbm4b:s5+s2] =	stream.linear.scatter [tilespmem:s8], [sflag:$0x2], $0x4000, $0x38;
	[tilespmem:$0x4080] =	vst v63  }
0x15: {  	s12 =	simm.s32 $0x200;
	_ =	swait.ge [sflag:s7], $0x4000  }
0x16: {  	s13 =	simm.s32 $0x400;
	s11 =	sadd.s32 $0x10000, s5;
	[sflag:s7] =	ssyncset.done $0x0  }
.LBB2_2:
0x17: {  	s14 =	sadd.s32 s12, s6  }
0x18: {  	[sflag:s7] =	ssyncadd.s32 $0xFFFFC000;
	s12 =	smov.u32 s13;
	s15 =	sadd.s32 $0x200, s13  }
0x19: {  	[tilespmem:s2], [sflag:$0x2] =	stream.linear.gather [hbm4b:s14+s2], $0x80, $0x38;
	[tilespmem:$0x4080] =	vst v63  }
0x1a: {  	p0 =	sne.s32 s13, $0x4E00;
	_ =	swait.ge [sflag:s7], $0x80  }
0x1b: {  	[sflag:s7] =	ssyncset.done $0x0  }
0x1c: {  	[sflag:s7] =	ssyncadd.s32 $0xFFFFFF80  }
0x1d: {  	[tilespmem:s8], [sflag:$0x1] =	stream.indirect.gather [hbm4b:s3+s8], $0x80, s2, s8, $0xb8;
	[tilespmem:$0x4080] =	vst v63  }
0x1e: {  	_ =	swait.ge [sflag:s9], $0x4000  }
.Ltmp0:
0x1f: {  	[sflag:s9] =	ssyncset.done $0x0;
	(pc) =	sbr.rel @p0 .LBB2_2-.Ltmp0, $4  }
0x20: {  	[sflag:s9] =	ssyncadd.s32 $0xFFFFC000  }
0x21: {  	[hbm4b:s11+s2] =	stream.linear.scatter [tilespmem:s8], [sflag:$0x2], $0x4000, $0x38;
	[tilespmem:$0x4080] =	vst v63  }
0x22: {  	_ =	swait.ge [sflag:s7], $0x4000  }
0x23: {  	s13 =	smov.u32 s15;
	s11 =	sadd.s32 $0x10000, s11;
	[sflag:s7] =	ssyncset.done $0x0  }
0x24: {  	s12 =	sadd.s32 s12, s6;
	[sflag:s7] =	ssyncadd.s32 $0xFFFFC000  }
0x25: {  	[tilespmem:s2], [sflag:$0x2] =	stream.linear.gather [hbm4b:s12+s2], $0x80, $0x38;
	[tilespmem:$0x4080] =	vst v63  }
0x26: {  	_ =	swait.ge [sflag:s7], $0x80  }
0x27: {  	[sflag:s7] =	ssyncset.done $0x0  }
0x28: {  	[sflag:s7] =	ssyncadd.s32 $0xFFFFFF80  }
0x29: {  	[tilespmem:s8], [sflag:$0x1] =	stream.indirect.gather [hbm4b:s3+s8], $0x80, s2, s8, $0xb8;
	[tilespmem:$0x4080] =	vst v63  }
0x2a: {  	s10 =	sadd.s32 $0x1, s10;
	_ =	swait.ge [sflag:s9], $0x4000  }
0x2b: {  	p0 =	sne.s32 s10, s4;
	[sflag:s9] =	ssyncset.done $0x0  }
.Ltmp1:
0x2c: {  	[sflag:s9] =	ssyncadd.s32 $0xFFFFC000;
	(pc) =	sbr.rel @p0 .LBB2_1-.Ltmp1, $4  }
0x2d: {  	[hbm4b:s11+s2] =	stream.linear.scatter [tilespmem:s8], [sflag:$0x2], $0x4000, $0x38;
	[tilespmem:$0x4080] =	vst v63  }
0x2e: {  	_ =	swait.ge [sflag:s7], $0x4000  }
0x2f: {  	[sflag:s7] =	ssyncset.done $0x0  }
0x30: {  	[sflag:s7] =	ssyncadd.s32 $0xFFFFC000  }
0x31: {  	_ =	sfence.sel $0x180000  }
0x32: {  	[bflag:$0x0] =	sbarrier.arrive $0xFFFF  }
0x33: {  	p0 =	sne.s32 s1, $0x0;
	_ =	strace $0x90000047  }
0x34: {  	s0 =	sadd.s32 @!p0 $0x100000, s0;
	[bflag:$0x2] =	sbarrier.arrive $0xFFFF  }
0x35: {  	[sflag:s0] =	ssyncadd.tile.s32 @!p0 $0x1;
	_ =	shalt  }
.Lfunc_end2:
_tile_overlayer_lowered:
.L_overlay_start_2:
0x36: {  	(tag) =	ssettag $0x2  }
0x37: {  	s0 =	rddreg [dreg:$0x0];
	s2 =	stileid.u32  }
0x38: {  	s1 =	rddreg [dreg:$0x1];
	p0 =	sne.s32 s2, $0x0  }
0x39: {  	s3 =	rddreg [dreg:$0x2];
	[bflag:$0x3] =	sbarrier.arrive $0xFFFF;
	s2 =	simm.s32 @!p0 $0x1C02  }
0x3a: {  	[timem:s3], [sflag:s2] =	dma.local @!p0 [hbm:s0], s1  }
0x3b: {  	s0 =	simm.s32 @!p0 $0x2  }
0x3c: {  	_ =	swait.ge @!p0 [sflag:s0], s1  }
0x3d: {  	s1 =	ssub.s32 @!p0 $0x0, s1;
	[sflag:s0] =	ssyncset.done @!p0 $0x0  }
0x3e: {  	[sflag:s0] =	ssyncadd.s32 @!p0 s1  }
0x3f: {  	[bflag:$0x3] =	sbarrier.arrive $0xFFFF  }
0x40: {  	_ =	shalt  }

// kernel: kernel.24.cloned.1.call-start
scs
__scs_entry_jumppad:
0x0: {  	(pc) =	sbr.rel $0x88, $3  }
0x1: {  	(tag) =	ssettag $0x0;
	lr =	simm.s32 $0x1  }
0x2: {  	[smem:$0x3F88] =	sst lr;
	_ =	strace $0xD0000000  }
0x3: {  	_ = 	snop  }
0x4: {  	_ = 	snop  }
0x5: {  	_ = 	snop  }
0x6: {  	_ = 	snop  }
0x7: {  	_ = 	snop  }
__scs_overlays_trampoline_lowered:
0x8: {  	[smem:$0x3F97] =	sst s0  }
0x9: {  	[smem:$0x3F98] =	sst s1  }
0xa: {  	[smem:$0x3F99] =	sst s2  }
0xb: {  	[smem:$0x3F9A] =	sst s3  }
0xc: {  	[smem:$0x3F9B] =	sst s4  }
0xd: {  	[smem:$0x3F9C] =	sst s5  }
0xe: {  	[smem:$0x3F9D] =	sst s6  }
0xf: {  	[smem:$0x3F9E] =	sst s7  }
0x10: {  	[smem:$0x3F9F] =	sst s8  }
0x11: {  	[smem:$0x3FA0] =	sst s9;
	s0 =	simm.s32 @!p0 $0x0  }
0x12: {  	s1 =	sld [smem:$0x3F86];
	s0 =	simm.s32 @p0 $0x1  }
0x13: {  	[smem:$0x3FA1] =	sst s0;
	s0 =	simm.s32 @!p1 $0x0  }
0x14: {  	s2 =	sld [smem:$0x3F85];
	s0 =	simm.s32 @p1 $0x1  }
0x15: {  	[smem:$0x3FA2] =	sst s0;
	s0 =	simm.s32 @!p2 $0x0  }
0x16: {  	s3 =	sld [smem:$0x3FDB];
	s0 =	simm.s32 @p2 $0x1  }
0x17: {  	s4 =	simm.s32 $0x1BF5;
	[smem:$0x3FA4] =	sst s0  }
0x18: {  	s0 =	sld [smem:$0x3F87];
	_ =	swait.ge [sflag:s4], $0x0  }
0x19: {  	s7 =	sld [smem:$0x3F88]  }
0x1a: {  	s8 =	sadd.s32 $0xFFFFE003, lr  }
0x1b: {  	s9 =	sadd.s32 $0xFFFFFEF7, lr;
	s5 =	simm.s32 $0xFFFFFFFF;
	p2 =	slt.u32 s8, $0xFFFFF086  }
0x1c: {  	p1 =	slt.u32 s9, $0xF7A;
	s5 =	simm.s32 @!p2 $0x0  }
0x1d: {  	s5 =	simm.s32 @p1 $0x1;
	p0 =	seq.s32 s7, s2  }
0x1e: {  	s7 =	smul.u32 @!p0 $0xF7A, s2;
	p2 =	seq.s32 @!p0 s5, $0x0  }
0x1f: {  	s9 =	smul.u32 $0xF7A, s1;
	s8 =	simm.s32 @!p0 $0x1BF5;
	p2 =	por !p2, p0  }
0x20: {  	[sflag:s8] =	ssyncset.s32 @!p0 $0xFFFFF086;
	s6 =	sadd.s32 @!p0 s3, s7;
	s7 =	simm.s32 @!p0 $0x108  }
0x21: {  	s3 =	sadd.s32 s3, s9;
	s6 =	sadd.s32 @!p0 $0x88, s6;
	s7 =	simm.s32 @p2 $0x1082  }
0x22: {  	[simem:s7], [sflag:s8] =	dma.local @!p0 [hbm:s6], $0xF7A  }
0x23: {  	s9 =	sor.u32 $0xD0000000, s2;
	s6 =	simm.s32 $0x108;
	_ =	swait.ge @!p0 [sflag:s8], $0x0  }
0x24: {  	s3 =	sadd.s32 $0x88, s3;
	s6 =	simm.s32 @!p1 $0x1082;
	[sflag:s4] =	ssyncset.s32 $0xFFFFF086  }
0x25: {  	[simem:s6], [sflag:s4] =	dma.local [hbm:s3], $0xF7A  }
0x26: {  	[smem:$0x3F88] =	sst s1;
	(tag) =	ssettag s2;
	_ =	strace s9  }
0x27: {  	s1 =	sld [smem:$0x3F98]  }
0x28: {  	s2 =	sld [smem:$0x3F99]  }
0x29: {  	s4 =	sld [smem:$0x3F9B]  }
0x2a: {  	p0 =	seq.s32 s5, $0x0;
	s5 =	sld [smem:$0x3F9C]  }
0x2b: {  	s6 =	sld [smem:$0x3F9D]  }
0x2c: {  	s7 =	sld [smem:$0x3F9E]  }
0x2d: {  	s3 =	simm.s32 $0x108;
	s8 =	sld [smem:$0x3F9F]  }
0x2e: {  	s3 =	simm.s32 @!p0 $0x1082;
	s9 =	sld [smem:$0x3FA0]  }
0x2f: {  	lr =	sadd.s32 s0, s3;
	s0 =	sld [smem:$0x3F97]  }
0x30: {  	s3 =	sld [smem:$0x3F9A]  }
0x31: {  	[smem:$0x3FA3] =	sst s10  }
0x32: {  	s10 =	sld [smem:$0x3FA1];
	_ =	sdelay $0x3  }
0x33: {  	p0 =	seq.s32 s10, $0x1;
	s10 =	sld [smem:$0x3FA3];
	_ =	sdelay $0x3  }
0x34: {  	[smem:$0x3FA3] =	sst s10  }
0x35: {  	s10 =	sld [smem:$0x3FA2];
	_ =	sdelay $0x3  }
0x36: {  	p1 =	seq.s32 s10, $0x1;
	s10 =	sld [smem:$0x3FA3];
	_ =	sdelay $0x3  }
0x37: {  	[smem:$0x3FA3] =	sst s10  }
0x38: {  	s10 =	sld [smem:$0x3FA4]  }
0x39: {  	_ = 	snop;
	(pc) =	sbr.ind lr, $3  }
0x3a: {  	_ = 	snop  }
0x3b: {  	_ = 	snop  }
0x3c: {  	p2 =	seq.s32 s10, $0x1;
	s10 =	sld [smem:$0x3FA3]  }
0x3d: {  	_ =	shalt  }
0x3e: {  	_ =	shalt  }
0x3f: {  	_ =	shalt  }
0x40: {  	_ =	shalt  }
0x41: {  	_ =	shalt  }
0x42: {  	_ =	shalt  }
0x43: {  	_ =	shalt  }
0x44: {  	_ =	shalt  }
0x45: {  	_ =	shalt  }
0x46: {  	_ =	shalt  }
0x47: {  	_ =	shalt  }
0x48: {  	_ =	shalt  }
0x49: {  	_ =	shalt  }
0x4a: {  	_ =	shalt  }
0x4b: {  	_ =	shalt  }
0x4c: {  	_ =	shalt  }
0x4d: {  	_ =	shalt  }
0x4e: {  	_ =	shalt  }
0x4f: {  	_ =	shalt  }
0x50: {  	_ =	shalt  }
0x51: {  	_ =	shalt  }
0x52: {  	_ =	shalt  }
0x53: {  	_ =	shalt  }
0x54: {  	_ =	shalt  }
0x55: {  	_ =	shalt  }
0x56: {  	_ =	shalt  }
0x57: {  	_ =	shalt  }
0x58: {  	_ =	shalt  }
0x59: {  	_ =	shalt  }
0x5a: {  	_ =	shalt  }
0x5b: {  	_ =	shalt  }
0x5c: {  	_ =	shalt  }
0x5d: {  	_ =	shalt  }
0x5e: {  	_ =	shalt  }
0x5f: {  	_ =	shalt  }
0x60: {  	_ =	shalt  }
0x61: {  	_ =	shalt  }
0x62: {  	_ =	shalt  }
0x63: {  	_ =	shalt  }
0x64: {  	_ =	shalt  }
0x65: {  	_ =	shalt  }
0x66: {  	_ =	shalt  }
0x67: {  	_ =	shalt  }
0x68: {  	_ =	shalt  }
0x69: {  	_ =	shalt  }
0x6a: {  	_ =	shalt  }
0x6b: {  	_ =	shalt  }
0x6c: {  	_ =	shalt  }
0x6d: {  	_ =	shalt  }
0x6e: {  	_ =	shalt  }
0x6f: {  	_ =	shalt  }
0x70: {  	_ =	shalt  }
0x71: {  	_ =	shalt  }
0x72: {  	_ =	shalt  }
0x73: {  	_ =	shalt  }
0x74: {  	_ =	shalt  }
0x75: {  	_ =	shalt  }
0x76: {  	_ =	shalt  }
0x77: {  	_ =	shalt  }
0x78: {  	_ =	shalt  }
0x79: {  	_ =	shalt  }
0x7a: {  	_ =	shalt  }
0x7b: {  	_ =	shalt  }
0x7c: {  	_ =	shalt  }
0x7d: {  	_ =	shalt  }
0x7e: {  	_ =	shalt  }
0x7f: {  	_ =	shalt  }
0x80: {  	_ =	shalt  }
0x81: {  	_ =	shalt  }
0x82: {  	_ =	shalt  }
0x83: {  	_ =	shalt  }
0x84: {  	_ =	shalt  }
0x85: {  	_ =	shalt  }
0x86: {  	_ =	shalt  }
0x87: {  	_ =	shalt  }
.Lfunc_end0:
.L_simem_size_0:
called_computation.2_lowered:
.L_overlay_start_0:
0x88: {  	s2 =	sld [smem:$0x3FD9]  }
0x89: {  	s3 =	sld [smem:$0x3FFE];
	_ =	sdelay $0x1  }
0x8a: {  	s1 =	srdreg.scid  }
0x8b: {  	s0 =	sand.u32 $0x1, s1  }
0x8c: {  	s17 =	sshll.u32 s0, $0xA;
	s2 =	sadd.s32 s3, s2  }
0x8d: {  	s2 =	sadd.s32 s2, s17  }
0x8e: {  	[smem:$0x3FAF] =	sst s2  }
0x8f: {  	_ = 	snop  }
0x90: {  	(tm) =	ssettm $0x1  }
0x91: {  	s18 =	sld [smem:$0x3FFB];
	_ =	sdelay $0x3  }
0x92: {  	_ =	strace s18  }
0x93: {  	s2 =	sld [smem:$0x3FFC];
	_ =	sdelay $0x3  }
0x94: {  	_ =	strace s2  }
0x95: {  	s2 =	sld [smem:$0x3FFD];
	_ =	sdelay $0x3  }
0x96: {  	_ =	strace s2  }
0x97: {  	_ =	strace $0x8FFFFFFF  }
0x98: {  	s19 =	sld [smem:$0x3FDB];
	_ =	sdelay $0x1  }
0x99: {  	s20 =	simm.s32 $_scs_section_size  }
0x9a: {  	s4 =	simm.s32 $_size__tile_overlayer_lowered;
	s5 =	simm.s32 $_tile_overlayer_lowered  }
0x9b: {  	s6 =	simm.s32 $0x1BFF;
	s21 =	sshll.u32 s5, $0x1;
	s3 =	sadd.s32 s20, s19  }
0x9c: {  	s22 =	simm.s32 $0x0;
	s4 =	sshll.u32 s4, $0x1;
	s5 =	sadd.s32 s21, s3  }
0x9d: {  	[timem:s22], [sflag:s6] =	dma.local [hbm:s5], s4  }
0x9e: {  	_ =	swait.ge [sflag:s6], s4  }
0x9f: {  	s4 =	ssub.s32 $0x0, s4;
	[sflag:s6] =	ssyncset.done $0x0  }
0xa0: {  	[sflag:s6] =	ssyncadd.s32 s4;
	_ =	sdelay $0x1  }
0xa1: {  	s23 =	simm.s32 $0x1B8B  }
0xa2: {  	_ =	swait.ge [sflag:s23], $0x1  }
0xa3: {  	[sflag:s23] =	ssyncset.done $0x0  }
0xa4: {  	[sflag:s23] =	ssyncadd.s32 $0xFFFFFFFF  }
0xa5: {  	s4 =	sld [smem:$0x0]  }
0xa6: {  	s5 =	sand.u32 $0xFFFFFFFE, s1  }
0xa7: {  	p0 =	sne.s32 s1, s5  }
0xa8: {  	s5 =	sshll.u32 @p0 s5, $0xE  }
0xa9: {  	s5 =	sadd.s32 @p0 $0x11B8D, s5;
	s6 =	sshll.u32 @p0 s4, $0x11  }
0xaa: {  	s5 =	sor.u32 @p0 s6, s5  }
0xab: {  	[sflag:s5] =	ssyncadd.remote.s32 @p0 $0x1;
	_ =	sdelay $0x1  }
0xac: {  	s5 =	simm.s32 @p0 $0x1B8D  }
0xad: {  	_ =	swait.eq @p0 [sflag:s5], $0x1  }
0xae: {  	[sflag:s5] =	ssyncadd.s32 @p0 $0xFFFFFFFF  }
0xaf: {  	s6 =	sshll.u32 @!p0 s1, $0xE  }
0xb0: {  	s6 =	sor.u32 @!p0 $0x4000, s6;
	s5 =	simm.s32 @!p0 $0x1B8D  }
0xb1: {  	s4 =	sshll.u32 @!p0 s4, $0x11;
	s6 =	sadd.s32 @!p0 $0x11B8D, s6;
	_ =	swait.eq @!p0 [sflag:s5], $0x1  }
0xb2: {  	s4 =	sor.u32 @!p0 s4, s6;
	[sflag:s5] =	ssyncadd.s32 @!p0 $0xFFFFFFFF  }
0xb3: {  	s25 =	simm.s32 $0x1B8E;
	s24 =	sld [smem:$0x3FFE];
	[sflag:s4] =	ssyncadd.remote.s32 @!p0 $0x1  }
0xb4: {  	s26 =	simm.s32 $execute0_lowered;
	[smem:$0x3FD2] =	sst s25  }
0xb5: {  	s5 =	sshll.u32 s26, $0x1;
	_ =	strace $0x8000004C;
	[dreg:$0x1] =	wrdreg $0xFFFFFFFF  }
0xb6: {  	s28 =	simm.s32 $_size_execute0_lowered;
	s3 =	sadd.s32 s3, s5;
	[dreg:$0x0] =	wrdreg $0x0  }
0xb7: {  	s5 =	sshll.u32 s28, $0x1;
	[dreg:$0x2] =	wrdreg s3  }
0xb8: {  	[dreg:$0x3] =	wrdreg s5  }
0xb9: {  	[dreg:$0x4] =	wrdreg $0xC0  }
0xba: {  	_ =	task [dreg:s22], $0x5FFFF  }
0xbb: {  	[dreg:$0x1] =	wrdreg $0xFFFFFFFF  }
0xbc: {  	[dreg:$0x0] =	wrdreg $0x60  }
0xbd: {  	[dreg:$0x2] =	wrdreg s24  }
0xbe: {  	[dreg:$0x3] =	wrdreg $0x40800  }
0xbf: {  	[dreg:$0x4] =	wrdreg $0xA  }
0xc0: {  	_ =	task.clear_ibuf [dreg:s22], $0x5FFFF;
	_ =	strace $0x9000004C  }
0xc1: {  	s29 =	simm.s32 $0xA;
	_ =	strace $0x8000004E  }
0xc2: {  	_ =	swait.ge [sflag:s29], $0x1  }
0xc3: {  	[sflag:s29] =	ssyncadd.s32 $0xFFFFFFFF  }
0xc4: {  	_ =	strace $0x9000004E  }
0xc5: {  	_ =	sfence  }
0xc6: {  	s30 =	sld [smem:$0x0];
	_ =	sdelay $0x2  }
0xc7: {  	s31 =	sshll.u32 s1, $0xD;
	s1 =	sshrl.u32 s1, $0x2  }
0xc8: {  	s4 =	sand.u32 $0x4000, s31;
	s1 =	sadd.s32 s1, s30  }
0xc9: {  	s0 =	sor.u32 s4, s0;
	s1 =	sshll.u32 s1, $0x11  }
0xca: {  	s0 =	sor.u32 s1, s0  }
0xcb: {  	s0 =	sadd.s32 $0x8F2B, s0  }
0xcc: {  	[sflag:s0] =	ssyncadd.remote.s32 $0x1  }
0xcd: {  	_ =	sfence.sel $0xFFFF  }
0xce: {  	[dreg:$0x0] =	wrdreg $0xFFFFFFFF;
	(pc) =	sbr.abs _section_cstart, $3  }
0xcf: {  	[dreg:$0x1] =	wrdreg $0xFFFFFFFF  }
0xd0: {  	_ =	task.clear_ibuf [dreg:s22], $0x2FFFF;
	_ =	strace $0x9FFFFFFF  }
0xd1: {  	(tm) =	ssettm $0x7FFFFFFF  }
tec
execute0_lowered:
.L_overlay_start_1:
0x0: {  	(tag) =	ssettag $0x1  }
0x1: {  	s4 =	rddreg [dreg:$0x0]  }
0x2: {  	s1 =	rddreg [dreg:$0x1]  }
0x3: {  	s0 =	rddreg [dreg:$0x2]  }
0x4: {  	s3 =	simm.s32 $0x0;
	s5 =	srdreg.scid;
	s2 =	stileid.u32  }
0x5: {  	s13 =	simm.s32 $0x1;
	s14 =	simm.s32 $0x2;
	s15 =	simm.s32 $0x0  }
0x6: {  	[smem:$0x7FF] =	sst s3;
	s5 =	sand.u32 $0x1, s5;
	s8 =	smul.u32 $0x2780, s2  }
0x7: {  	s6 =	sshll.u32 s2, $0x8;
	s9 =	sshll.u32 s2, $0xC;
	s10 =	smul.u32 $0x4F000, s2  }
0x8: {  	s30 =	sshll.u32 s2, $0x6;
	_ =	strace $0x8000004D;
	s7 =	sshll.u32 s5, $0x7  }
0x9: {  	s26 =	smul.u32 $0x27800, s5;
	s9 =	sadd.s32 s9, s4;
	s12 =	ssub.s32 $0x2, s5  }
0xa: {  	s31 =	sshll.u32 s5, $0xB;
	s5 =	sor.u32 $0x1C03, s30;
	s6 =	sor.u32 s7, s6  }
0xb: {  	s28 =	sadd.s32 s8, s4;
	s29 =	sshrl.u32 s12, $0x1;
	s10 =	sshrl.u32 s10, $0x2  }
0xc: {  	s9 =	sadd.s32 s31, s9;
	s6 =	sshrl.u32 s6, $0x3;
	s7 =	sadd.s32 s8, s26  }
0xd: {  	s8 =	ssub.s32 s12, s29;
	s10 =	sadd.s32 s10, s1;
	s12 =	simm.s32 $0x80  }
0xe: {  	s11 =	sadd.s32 s6, s4;
	s7 =	sadd.s32 s7, s4;
	s4 =	sadd.s32 $0x2B8C00, s28  }
0xf: {  	s10 =	sshrl.u32 s10, $0x3;
	s6 =	sadd.s32 $0x5B3C00, s7;
	s7 =	smax.u32 s8, $0x1  }
0x10: {  	s8 =	sadd.s32 $0x333C00, s9;
	s9 =	sadd.s32 $0x2B3C00, s11;
	s11 =	simm.s32 $0x3  }
.LBB2_1:
0x11: {  	[spmem:s10], [sflag:s5] =	dma.local [hbm:s4], $0x2780  }
0x12: {  	_ =	swait.ge [sflag:s11], $0x2780  }
0x13: {  	[sflag:s11] =	ssyncset.done $0x0  }
0x14: {  	[sflag:s11] =	ssyncadd.s32 $0xFFFFD880  }
0x15: {  	s16 =	sadd.s32 $0x0, s9;
	[bflag:$0x0] =	sbarrier.arrive $0xFFFF  }
0x16: {  	[tilespmem:s3], [sflag:$0x1] =	stream.linear.gather [hbm4b:s16+s3], $0x80, $0x38;
	[tilespmem:$0x17C80] =	vst v63  }
0x17: {  	_ = 	snop  }
0x18: {  	[tilespmem:s12], [sflag:$0x2] =	stream.linear.gather [hbm4b:s8+s3], $0x4000, $0x38;
	[tilespmem:$0x17C80] =	vst v63  }
0x19: {  	_ =	swait.ge [sflag:s13], $0x80  }
0x1a: {  	[sflag:s13] =	ssyncset.done $0x0  }
0x1b: {  	[sflag:s13] =	ssyncadd.s32 $0xFFFFFF80  }
0x1c: {  	_ =	swait.ge [sflag:s14], $0x4000  }
0x1d: {  	[sflag:s14] =	ssyncset.done $0x0  }
0x1e: {  	[sflag:s14] =	ssyncadd.s32 $0xFFFFC000  }
0x1f: {  	[spmem:s1] =	stream.indirect.scatter.add.f32 [tilespmem:s12], [sflag:$0x3], $0x80, s3, s12, $0xb8;
	[tilespmem:$0x17C80] =	vst v63  }
0x20: {  	s17 =	simm.s32 $0x200;
	_ =	swait.ge [sflag:s11], $0x4000  }
0x21: {  	s18 =	simm.s32 $0x400;
	s16 =	sadd.s32 $0x10000, s8;
	[sflag:s11] =	ssyncset.done $0x0  }
.LBB2_2:
0x22: {  	s19 =	sadd.s32 s17, s9  }
0x23: {  	[sflag:s11] =	ssyncadd.s32 $0xFFFFC000;
	s17 =	smov.u32 s18;
	s20 =	sadd.s32 $0x200, s18  }
0x24: {  	[tilespmem:s3], [sflag:$0x1] =	stream.linear.gather [hbm4b:s19+s3], $0x80, $0x38;
	[tilespmem:$0x17C80] =	vst v63  }
0x25: {  	p0 =	sne.s32 s18, $0x4E00  }
0x26: {  	[tilespmem:s12], [sflag:$0x2] =	stream.linear.gather [hbm4b:s16+s3], $0x4000, $0x38;
	[tilespmem:$0x17C80] =	vst v63  }
0x27: {  	_ =	swait.ge [sflag:s13], $0x80  }
0x28: {  	[sflag:s13] =	ssyncset.done $0x0  }
0x29: {  	[sflag:s13] =	ssyncadd.s32 $0xFFFFFF80  }
0x2a: {  	_ =	swait.ge [sflag:s14], $0x4000  }
.Ltmp0:
0x2b: {  	[sflag:s14] =	ssyncset.done $0x0;
	(pc) =	sbr.rel @p0 .LBB2_2-.Ltmp0, $4  }
0x2c: {  	[sflag:s14] =	ssyncadd.s32 $0xFFFFC000  }
0x2d: {  	[spmem:s1] =	stream.indirect.scatter.add.f32 [tilespmem:s12], [sflag:$0x3], $0x80, s3, s12, $0xb8;
	[tilespmem:$0x17C80] =	vst v63  }
0x2e: {  	_ =	swait.ge [sflag:s11], $0x4000  }
0x2f: {  	s18 =	smov.u32 s20;
	s16 =	sadd.s32 $0x10000, s16;
	[sflag:s11] =	ssyncset.done $0x0  }
0x30: {  	s17 =	sadd.s32 s17, s9;
	[sflag:s11] =	ssyncadd.s32 $0xFFFFC000  }
0x31: {  	[tilespmem:s3], [sflag:$0x1] =	stream.linear.gather [hbm4b:s17+s3], $0x80, $0x38;
	[tilespmem:$0x17C80] =	vst v63  }
0x32: {  	_ = 	snop  }
0x33: {  	[tilespmem:s12], [sflag:$0x2] =	stream.linear.gather [hbm4b:s16+s3], $0x4000, $0x38;
	[tilespmem:$0x17C80] =	vst v63  }
0x34: {  	_ =	swait.ge [sflag:s13], $0x80  }
0x35: {  	[sflag:s13] =	ssyncset.done $0x0  }
0x36: {  	[sflag:s13] =	ssyncadd.s32 $0xFFFFFF80  }
0x37: {  	_ =	swait.ge [sflag:s14], $0x4000  }
0x38: {  	[sflag:s14] =	ssyncset.done $0x0  }
0x39: {  	[sflag:s14] =	ssyncadd.s32 $0xFFFFC000  }
0x3a: {  	[spmem:s1] =	stream.indirect.scatter.add.f32 [tilespmem:s12], [sflag:$0x3], $0x80, s3, s12, $0xb8;
	[tilespmem:$0x17C80] =	vst v63  }
0x3b: {  	_ =	swait.ge [sflag:s11], $0x4000  }
0x3c: {  	s15 =	sadd.s32 $0x1, s15;
	[sflag:s11] =	ssyncset.done $0x0  }
0x3d: {  	p0 =	sne.s32 s15, s7;
	[sflag:s11] =	ssyncadd.s32 $0xFFFFC000  }
.Ltmp1:
0x3e: {  	[bflag:$0x0] =	sbarrier.arrive $0xFFFF;
	(pc) =	sbr.rel @p0 .LBB2_1-.Ltmp1, $4  }
0x3f: {  	[hbm:s6], [sflag:s5] =	dma.local [spmem:s10], $0x2780  }
0x40: {  	_ =	swait.ge [sflag:s11], $0x2780  }
0x41: {  	[sflag:s11] =	ssyncset.done $0x0  }
0x42: {  	[sflag:s11] =	ssyncadd.s32 $0xFFFFD880  }
0x43: {  	_ =	sfence.sel $0x180000  }
0x44: {  	[bflag:$0x0] =	sbarrier.arrive $0xFFFF  }
0x45: {  	p0 =	sne.s32 s2, $0x0;
	_ =	strace $0x9000004D  }
0x46: {  	s0 =	sadd.s32 @!p0 $0x100000, s0;
	[bflag:$0x2] =	sbarrier.arrive $0xFFFF  }
0x47: {  	[sflag:s0] =	ssyncadd.tile.s32 @!p0 $0x1;
	_ =	shalt  }
.Lfunc_end2:
_tile_overlayer_lowered:
.L_overlay_start_2:
0x48: {  	(tag) =	ssettag $0x2  }
0x49: {  	s0 =	rddreg [dreg:$0x0];
	s2 =	stileid.u32  }
0x4a: {  	s1 =	rddreg [dreg:$0x1];
	p0 =	sne.s32 s2, $0x0  }
0x4b: {  	s3 =	rddreg [dreg:$0x2];
	[bflag:$0x3] =	sbarrier.arrive $0xFFFF;
	s2 =	simm.s32 @!p0 $0x1C03  }
0x4c: {  	[timem:s3], [sflag:s2] =	dma.local @!p0 [hbm:s0], s1  }
0x4d: {  	s0 =	simm.s32 @!p0 $0x3  }
0x4e: {  	_ =	swait.ge @!p0 [sflag:s0], s1  }
0x4f: {  	s1 =	ssub.s32 @!p0 $0x0, s1;
	[sflag:s0] =	ssyncset.done @!p0 $0x0  }
0x50: {  	[sflag:s0] =	ssyncadd.s32 @!p0 s1  }
0x51: {  	[bflag:$0x3] =	sbarrier.arrive $0xFFFF  }
0x52: {  	_ =	shalt  }

// kernel: kernel.27.cloned.1.call-start
scs
__scs_entry_jumppad:
0x0: {  	(pc) =	sbr.rel $0x88, $3  }
0x1: {  	(tag) =	ssettag $0x0;
	lr =	simm.s32 $0x1  }
0x2: {  	[smem:$0x3F88] =	sst lr;
	_ =	strace $0xD0000000  }
0x3: {  	_ = 	snop  }
0x4: {  	_ = 	snop  }
0x5: {  	_ = 	snop  }
0x6: {  	_ = 	snop  }
0x7: {  	_ = 	snop  }
__scs_overlays_trampoline_lowered:
0x8: {  	[smem:$0x3F97] =	sst s0  }
0x9: {  	[smem:$0x3F98] =	sst s1  }
0xa: {  	[smem:$0x3F99] =	sst s2  }
0xb: {  	[smem:$0x3F9A] =	sst s3  }
0xc: {  	[smem:$0x3F9B] =	sst s4  }
0xd: {  	[smem:$0x3F9C] =	sst s5  }
0xe: {  	[smem:$0x3F9D] =	sst s6  }
0xf: {  	[smem:$0x3F9E] =	sst s7  }
0x10: {  	[smem:$0x3F9F] =	sst s8  }
0x11: {  	[smem:$0x3FA0] =	sst s9;
	s0 =	simm.s32 @!p0 $0x0  }
0x12: {  	s1 =	sld [smem:$0x3F86];
	s0 =	simm.s32 @p0 $0x1  }
0x13: {  	[smem:$0x3FA1] =	sst s0;
	s0 =	simm.s32 @!p1 $0x0  }
0x14: {  	s2 =	sld [smem:$0x3F85];
	s0 =	simm.s32 @p1 $0x1  }
0x15: {  	[smem:$0x3FA2] =	sst s0;
	s0 =	simm.s32 @!p2 $0x0  }
0x16: {  	s3 =	sld [smem:$0x3FDB];
	s0 =	simm.s32 @p2 $0x1  }
0x17: {  	s4 =	simm.s32 $0x1BF5;
	[smem:$0x3FA4] =	sst s0  }
0x18: {  	s0 =	sld [smem:$0x3F87];
	_ =	swait.ge [sflag:s4], $0x0  }
0x19: {  	s7 =	sld [smem:$0x3F88]  }
0x1a: {  	s8 =	sadd.s32 $0xFFFFE003, lr  }
0x1b: {  	s9 =	sadd.s32 $0xFFFFFEF7, lr;
	s5 =	simm.s32 $0xFFFFFFFF;
	p2 =	slt.u32 s8, $0xFFFFF086  }
0x1c: {  	p1 =	slt.u32 s9, $0xF7A;
	s5 =	simm.s32 @!p2 $0x0  }
0x1d: {  	s5 =	simm.s32 @p1 $0x1;
	p0 =	seq.s32 s7, s2  }
0x1e: {  	s7 =	smul.u32 @!p0 $0xF7A, s2;
	p2 =	seq.s32 @!p0 s5, $0x0  }
0x1f: {  	s9 =	smul.u32 $0xF7A, s1;
	s8 =	simm.s32 @!p0 $0x1BF5;
	p2 =	por !p2, p0  }
0x20: {  	[sflag:s8] =	ssyncset.s32 @!p0 $0xFFFFF086;
	s6 =	sadd.s32 @!p0 s3, s7;
	s7 =	simm.s32 @!p0 $0x108  }
0x21: {  	s3 =	sadd.s32 s3, s9;
	s6 =	sadd.s32 @!p0 $0x88, s6;
	s7 =	simm.s32 @p2 $0x1082  }
0x22: {  	[simem:s7], [sflag:s8] =	dma.local @!p0 [hbm:s6], $0xF7A  }
0x23: {  	s9 =	sor.u32 $0xD0000000, s2;
	s6 =	simm.s32 $0x108;
	_ =	swait.ge @!p0 [sflag:s8], $0x0  }
0x24: {  	s3 =	sadd.s32 $0x88, s3;
	s6 =	simm.s32 @!p1 $0x1082;
	[sflag:s4] =	ssyncset.s32 $0xFFFFF086  }
0x25: {  	[simem:s6], [sflag:s4] =	dma.local [hbm:s3], $0xF7A  }
0x26: {  	[smem:$0x3F88] =	sst s1;
	(tag) =	ssettag s2;
	_ =	strace s9  }
0x27: {  	s1 =	sld [smem:$0x3F98]  }
0x28: {  	s2 =	sld [smem:$0x3F99]  }
0x29: {  	s4 =	sld [smem:$0x3F9B]  }
0x2a: {  	p0 =	seq.s32 s5, $0x0;
	s5 =	sld [smem:$0x3F9C]  }
0x2b: {  	s6 =	sld [smem:$0x3F9D]  }
0x2c: {  	s7 =	sld [smem:$0x3F9E]  }
0x2d: {  	s3 =	simm.s32 $0x108;
	s8 =	sld [smem:$0x3F9F]  }
0x2e: {  	s3 =	simm.s32 @!p0 $0x1082;
	s9 =	sld [smem:$0x3FA0]  }
0x2f: {  	lr =	sadd.s32 s0, s3;
	s0 =	sld [smem:$0x3F97]  }
0x30: {  	s3 =	sld [smem:$0x3F9A]  }
0x31: {  	[smem:$0x3FA3] =	sst s10  }
0x32: {  	s10 =	sld [smem:$0x3FA1];
	_ =	sdelay $0x3  }
0x33: {  	p0 =	seq.s32 s10, $0x1;
	s10 =	sld [smem:$0x3FA3];
	_ =	sdelay $0x3  }
0x34: {  	[smem:$0x3FA3] =	sst s10  }
0x35: {  	s10 =	sld [smem:$0x3FA2];
	_ =	sdelay $0x3  }
0x36: {  	p1 =	seq.s32 s10, $0x1;
	s10 =	sld [smem:$0x3FA3];
	_ =	sdelay $0x3  }
0x37: {  	[smem:$0x3FA3] =	sst s10  }
0x38: {  	s10 =	sld [smem:$0x3FA4]  }
0x39: {  	_ = 	snop;
	(pc) =	sbr.ind lr, $3  }
0x3a: {  	_ = 	snop  }
0x3b: {  	_ = 	snop  }
0x3c: {  	p2 =	seq.s32 s10, $0x1;
	s10 =	sld [smem:$0x3FA3]  }
0x3d: {  	_ =	shalt  }
0x3e: {  	_ =	shalt  }
0x3f: {  	_ =	shalt  }
0x40: {  	_ =	shalt  }
0x41: {  	_ =	shalt  }
0x42: {  	_ =	shalt  }
0x43: {  	_ =	shalt  }
0x44: {  	_ =	shalt  }
0x45: {  	_ =	shalt  }
0x46: {  	_ =	shalt  }
0x47: {  	_ =	shalt  }
0x48: {  	_ =	shalt  }
0x49: {  	_ =	shalt  }
0x4a: {  	_ =	shalt  }
0x4b: {  	_ =	shalt  }
0x4c: {  	_ =	shalt  }
0x4d: {  	_ =	shalt  }
0x4e: {  	_ =	shalt  }
0x4f: {  	_ =	shalt  }
0x50: {  	_ =	shalt  }
0x51: {  	_ =	shalt  }
0x52: {  	_ =	shalt  }
0x53: {  	_ =	shalt  }
0x54: {  	_ =	shalt  }
0x55: {  	_ =	shalt  }
0x56: {  	_ =	shalt  }
0x57: {  	_ =	shalt  }
0x58: {  	_ =	shalt  }
0x59: {  	_ =	shalt  }
0x5a: {  	_ =	shalt  }
0x5b: {  	_ =	shalt  }
0x5c: {  	_ =	shalt  }
0x5d: {  	_ =	shalt  }
0x5e: {  	_ =	shalt  }
0x5f: {  	_ =	shalt  }
0x60: {  	_ =	shalt  }
0x61: {  	_ =	shalt  }
0x62: {  	_ =	shalt  }
0x63: {  	_ =	shalt  }
0x64: {  	_ =	shalt  }
0x65: {  	_ =	shalt  }
0x66: {  	_ =	shalt  }
0x67: {  	_ =	shalt  }
0x68: {  	_ =	shalt  }
0x69: {  	_ =	shalt  }
0x6a: {  	_ =	shalt  }
0x6b: {  	_ =	shalt  }
0x6c: {  	_ =	shalt  }
0x6d: {  	_ =	shalt  }
0x6e: {  	_ =	shalt  }
0x6f: {  	_ =	shalt  }
0x70: {  	_ =	shalt  }
0x71: {  	_ =	shalt  }
0x72: {  	_ =	shalt  }
0x73: {  	_ =	shalt  }
0x74: {  	_ =	shalt  }
0x75: {  	_ =	shalt  }
0x76: {  	_ =	shalt  }
0x77: {  	_ =	shalt  }
0x78: {  	_ =	shalt  }
0x79: {  	_ =	shalt  }
0x7a: {  	_ =	shalt  }
0x7b: {  	_ =	shalt  }
0x7c: {  	_ =	shalt  }
0x7d: {  	_ =	shalt  }
0x7e: {  	_ =	shalt  }
0x7f: {  	_ =	shalt  }
0x80: {  	_ =	shalt  }
0x81: {  	_ =	shalt  }
0x82: {  	_ =	shalt  }
0x83: {  	_ =	shalt  }
0x84: {  	_ =	shalt  }
0x85: {  	_ =	shalt  }
0x86: {  	_ =	shalt  }
0x87: {  	_ =	shalt  }
.Lfunc_end0:
.L_simem_size_0:
called_computation.3_lowered:
.L_overlay_start_0:
0x88: {  	s2 =	sld [smem:$0x3FD9]  }
0x89: {  	s3 =	sld [smem:$0x3FFE];
	_ =	sdelay $0x1  }
0x8a: {  	s1 =	srdreg.scid  }
0x8b: {  	s0 =	sand.u32 $0x1, s1  }
0x8c: {  	s16 =	sshll.u32 s0, $0xA;
	s2 =	sadd.s32 s3, s2  }
0x8d: {  	s2 =	sadd.s32 s2, s16  }
0x8e: {  	[smem:$0x3FAF] =	sst s2  }
0x8f: {  	_ = 	snop  }
0x90: {  	(tm) =	ssettm $0x1  }
0x91: {  	s17 =	sld [smem:$0x3FFB];
	_ =	sdelay $0x3  }
0x92: {  	_ =	strace s17  }
0x93: {  	s2 =	sld [smem:$0x3FFC];
	_ =	sdelay $0x3  }
0x94: {  	_ =	strace s2  }
0x95: {  	s2 =	sld [smem:$0x3FFD];
	_ =	sdelay $0x3  }
0x96: {  	_ =	strace s2  }
0x97: {  	_ =	strace $0x8FFFFFFF  }
0x98: {  	s18 =	sld [smem:$0x3FDB];
	_ =	sdelay $0x1  }
0x99: {  	s19 =	simm.s32 $_scs_section_size  }
0x9a: {  	s4 =	simm.s32 $_size__tile_overlayer_lowered;
	s5 =	simm.s32 $_tile_overlayer_lowered  }
0x9b: {  	s22 =	simm.s32 $0x1BFF;
	s21 =	sshll.u32 s5, $0x1;
	s2 =	sadd.s32 s19, s18  }
0x9c: {  	s6 =	simm.s32 $0x0;
	s20 =	sshll.u32 s4, $0x1;
	s4 =	sadd.s32 s21, s2  }
0x9d: {  	[timem:s6], [sflag:s22] =	dma.local [hbm:s4], s20  }
0x9e: {  	_ =	swait.ge [sflag:s22], s20  }
0x9f: {  	s3 =	ssub.s32 $0x0, s20;
	[sflag:s22] =	ssyncset.done $0x0  }
0xa0: {  	[sflag:s22] =	ssyncadd.s32 s3;
	_ =	sdelay $0x1  }
0xa1: {  	s23 =	simm.s32 $0x1B8B  }
0xa2: {  	_ =	swait.ge [sflag:s23], $0x1  }
0xa3: {  	[sflag:s23] =	ssyncset.done $0x0  }
0xa4: {  	s25 =	simm.s32 $0x1B8E;
	s24 =	sld [smem:$0x3FFE];
	[sflag:s23] =	ssyncadd.s32 $0xFFFFFFFF  }
0xa5: {  	s26 =	simm.s32 $execute0_lowered;
	[smem:$0x3FD2] =	sst s25  }
0xa6: {  	s4 =	sshll.u32 s26, $0x1;
	_ =	strace $0x8000004F;
	[dreg:$0x1] =	wrdreg $0xFFFFFFFF  }
0xa7: {  	s28 =	simm.s32 $_size_execute0_lowered;
	s2 =	sadd.s32 s2, s4;
	[dreg:$0x0] =	wrdreg $0x0  }
0xa8: {  	s4 =	sshll.u32 s28, $0x1;
	[dreg:$0x2] =	wrdreg s2  }
0xa9: {  	[dreg:$0x3] =	wrdreg s4  }
0xaa: {  	[dreg:$0x4] =	wrdreg $0xC0  }
0xab: {  	_ =	task [dreg:s6], $0x5FFFF  }
0xac: {  	[dreg:$0x1] =	wrdreg $0xFFFFFFFF  }
0xad: {  	[dreg:$0x0] =	wrdreg $0x60  }
0xae: {  	[dreg:$0x2] =	wrdreg s24  }
0xaf: {  	[dreg:$0x3] =	wrdreg $0x9  }
0xb0: {  	_ =	task.clear_ibuf [dreg:s6], $0x4FFFF;
	_ =	strace $0x9000004F  }
0xb1: {  	s29 =	simm.s32 $0x9;
	_ =	strace $0x80000051  }
0xb2: {  	_ =	swait.ge [sflag:s29], $0x1  }
0xb3: {  	[sflag:s29] =	ssyncadd.s32 $0xFFFFFFFF  }
0xb4: {  	_ =	strace $0x90000051  }
0xb5: {  	_ =	sfence  }
0xb6: {  	s30 =	sld [smem:$0x0];
	_ =	sdelay $0x2  }
0xb7: {  	s31 =	sshll.u32 s1, $0xD;
	s1 =	sshrl.u32 s1, $0x2  }
0xb8: {  	s3 =	sand.u32 $0x4000, s31;
	s1 =	sadd.s32 s1, s30  }
0xb9: {  	s0 =	sor.u32 s3, s0;
	s1 =	sshll.u32 s1, $0x11  }
0xba: {  	s0 =	sor.u32 s1, s0  }
0xbb: {  	s0 =	sadd.s32 $0x8F2B, s0  }
0xbc: {  	[sflag:s0] =	ssyncadd.remote.s32 $0x1  }
0xbd: {  	_ =	sfence.sel $0xFFFF  }
0xbe: {  	[dreg:$0x0] =	wrdreg $0xFFFFFFFF;
	(pc) =	sbr.abs _section_cstart, $3  }
0xbf: {  	[dreg:$0x1] =	wrdreg $0xFFFFFFFF  }
0xc0: {  	_ =	task.clear_ibuf [dreg:s6], $0x2FFFF;
	_ =	strace $0x9FFFFFFF  }
0xc1: {  	(tm) =	ssettm $0x7FFFFFFF  }
tec
execute0_lowered:
.L_overlay_start_1:
0x0: {  	(tag) =	ssettag $0x1  }
0x1: {  	s4 =	rddreg [dreg:$0x0]  }
0x2: {  	s0 =	rddreg [dreg:$0x1];
	s2 =	simm.s32 $0x0;
	s3 =	srdreg.scid  }
0x3: {  	s1 =	stileid.u32;
	s10 =	simm.s32 $0x0;
	[smem:$0x7FF] =	sst s2  }
0x4: {  	s5 =	sand.u32 $0x1, s3;
	s6 =	sshll.u32 s1, $0x8;
	s3 =	sadd.s32 $0xCA00, s4  }
0x5: {  	s8 =	sshll.u32 s1, $0xC;
	_ =	strace $0x80000050;
	s7 =	sshll.u32 s5, $0x7  }
0x6: {  	s31 =	ssub.s32 $0x2, s5;
	s8 =	sadd.s32 s8, s4;
	s5 =	sshll.u32 s5, $0xB  }
0x7: {  	s6 =	sor.u32 s7, s6;
	s9 =	sshrl.u32 s31, $0x1;
	s5 =	sadd.s32 s5, s8  }
0x8: {  	s8 =	simm.s32 $0x80;
	s6 =	sshrl.u32 s6, $0x3;
	s7 =	ssub.s32 s31, s9  }
0x9: {  	s5 =	sadd.s32 $0x33C00, s5;
	s9 =	simm.s32 $0x1;
	s6 =	sadd.s32 s6, s4  }
0xa: {  	s4 =	smax.u32 s7, $0x1;
	s7 =	simm.s32 $0x2;
	s6 =	sadd.s32 $0x7A00, s6  }
.LBB2_1:
0xb: {  	s11 =	sadd.s32 $0x0, s6  }
0xc: {  	[tilespmem:s2], [sflag:$0x2] =	stream.linear.gather [hbm4b:s11+s2], $0x80, $0x38;
	[tilespmem:$0x4080] =	vst v63  }
0xd: {  	_ =	swait.ge [sflag:s7], $0x80  }
0xe: {  	[sflag:s7] =	ssyncset.done $0x0  }
0xf: {  	[sflag:s7] =	ssyncadd.s32 $0xFFFFFF80  }
0x10: {  	[tilespmem:s8], [sflag:$0x1] =	stream.indirect.gather [hbm4b:s3+s8], $0x80, s2, s8, $0xb8;
	[tilespmem:$0x4080] =	vst v63  }
0x11: {  	_ =	swait.ge [sflag:s9], $0x4000  }
0x12: {  	[sflag:s9] =	ssyncset.done $0x0  }
0x13: {  	[sflag:s9] =	ssyncadd.s32 $0xFFFFC000  }
0x14: {  	[hbm4b:s5+s2] =	stream.linear.scatter [tilespmem:s8], [sflag:$0x2], $0x4000, $0x38;
	[tilespmem:$0x4080] =	vst v63  }
0x15: {  	s12 =	simm.s32 $0x200;
	_ =	swait.ge [sflag:s7], $0x4000  }
0x16: {  	s13 =	simm.s32 $0x400;
	s11 =	sadd.s32 $0x10000, s5;
	[sflag:s7] =	ssyncset.done $0x0  }
.LBB2_2:
0x17: {  	s14 =	sadd.s32 s12, s6  }
0x18: {  	[sflag:s7] =	ssyncadd.s32 $0xFFFFC000;
	s12 =	smov.u32 s13;
	s15 =	sadd.s32 $0x200, s13  }
0x19: {  	[tilespmem:s2], [sflag:$0x2] =	stream.linear.gather [hbm4b:s14+s2], $0x80, $0x38;
	[tilespmem:$0x4080] =	vst v63  }
0x1a: {  	p0 =	sne.s32 s13, $0x4E00;
	_ =	swait.ge [sflag:s7], $0x80  }
0x1b: {  	[sflag:s7] =	ssyncset.done $0x0  }
0x1c: {  	[sflag:s7] =	ssyncadd.s32 $0xFFFFFF80  }
0x1d: {  	[tilespmem:s8], [sflag:$0x1] =	stream.indirect.gather [hbm4b:s3+s8], $0x80, s2, s8, $0xb8;
	[tilespmem:$0x4080] =	vst v63  }
0x1e: {  	_ =	swait.ge [sflag:s9], $0x4000  }
.Ltmp0:
0x1f: {  	[sflag:s9] =	ssyncset.done $0x0;
	(pc) =	sbr.rel @p0 .LBB2_2-.Ltmp0, $4  }
0x20: {  	[sflag:s9] =	ssyncadd.s32 $0xFFFFC000  }
0x21: {  	[hbm4b:s11+s2] =	stream.linear.scatter [tilespmem:s8], [sflag:$0x2], $0x4000, $0x38;
	[tilespmem:$0x4080] =	vst v63  }
0x22: {  	_ =	swait.ge [sflag:s7], $0x4000  }
0x23: {  	s13 =	smov.u32 s15;
	s11 =	sadd.s32 $0x10000, s11;
	[sflag:s7] =	ssyncset.done $0x0  }
0x24: {  	s12 =	sadd.s32 s12, s6;
	[sflag:s7] =	ssyncadd.s32 $0xFFFFC000  }
0x25: {  	[tilespmem:s2], [sflag:$0x2] =	stream.linear.gather [hbm4b:s12+s2], $0x80, $0x38;
	[tilespmem:$0x4080] =	vst v63  }
0x26: {  	_ =	swait.ge [sflag:s7], $0x80  }
0x27: {  	[sflag:s7] =	ssyncset.done $0x0  }
0x28: {  	[sflag:s7] =	ssyncadd.s32 $0xFFFFFF80  }
0x29: {  	[tilespmem:s8], [sflag:$0x1] =	stream.indirect.gather [hbm4b:s3+s8], $0x80, s2, s8, $0xb8;
	[tilespmem:$0x4080] =	vst v63  }
0x2a: {  	s10 =	sadd.s32 $0x1, s10;
	_ =	swait.ge [sflag:s9], $0x4000  }
0x2b: {  	p0 =	sne.s32 s10, s4;
	[sflag:s9] =	ssyncset.done $0x0  }
.Ltmp1:
0x2c: {  	[sflag:s9] =	ssyncadd.s32 $0xFFFFC000;
	(pc) =	sbr.rel @p0 .LBB2_1-.Ltmp1, $4  }
0x2d: {  	[hbm4b:s11+s2] =	stream.linear.scatter [tilespmem:s8], [sflag:$0x2], $0x4000, $0x38;
	[tilespmem:$0x4080] =	vst v63  }
0x2e: {  	_ =	swait.ge [sflag:s7], $0x4000  }
0x2f: {  	[sflag:s7] =	ssyncset.done $0x0  }
0x30: {  	[sflag:s7] =	ssyncadd.s32 $0xFFFFC000  }
0x31: {  	_ =	sfence.sel $0x180000  }
0x32: {  	[bflag:$0x0] =	sbarrier.arrive $0xFFFF  }
0x33: {  	p0 =	sne.s32 s1, $0x0;
	_ =	strace $0x90000050  }
0x34: {  	s0 =	sadd.s32 @!p0 $0x100000, s0;
	[bflag:$0x2] =	sbarrier.arrive $0xFFFF  }
0x35: {  	[sflag:s0] =	ssyncadd.tile.s32 @!p0 $0x1;
	_ =	shalt  }
.Lfunc_end2:
_tile_overlayer_lowered:
.L_overlay_start_2:
0x36: {  	(tag) =	ssettag $0x2  }
0x37: {  	s0 =	rddreg [dreg:$0x0];
	s2 =	stileid.u32  }
0x38: {  	s1 =	rddreg [dreg:$0x1];
	p0 =	sne.s32 s2, $0x0  }
0x39: {  	s3 =	rddreg [dreg:$0x2];
	[bflag:$0x3] =	sbarrier.arrive $0xFFFF;
	s2 =	simm.s32 @!p0 $0x1C02  }
0x3a: {  	[timem:s3], [sflag:s2] =	dma.local @!p0 [hbm:s0], s1  }
0x3b: {  	s0 =	simm.s32 @!p0 $0x2  }
0x3c: {  	_ =	swait.ge @!p0 [sflag:s0], s1  }
0x3d: {  	s1 =	ssub.s32 @!p0 $0x0, s1;
	[sflag:s0] =	ssyncset.done @!p0 $0x0  }
0x3e: {  	[sflag:s0] =	ssyncadd.s32 @!p0 s1  }
0x3f: {  	[bflag:$0x3] =	sbarrier.arrive $0xFFFF  }
0x40: {  	_ =	shalt  }

// kernel: kernel.30.cloned.1.call-start
scs
__scs_entry_jumppad:
0x0: {  	(pc) =	sbr.rel $0x88, $3  }
0x1: {  	(tag) =	ssettag $0x0;
	lr =	simm.s32 $0x1  }
0x2: {  	[smem:$0x3F88] =	sst lr;
	_ =	strace $0xD0000000  }
0x3: {  	_ = 	snop  }
0x4: {  	_ = 	snop  }
0x5: {  	_ = 	snop  }
0x6: {  	_ = 	snop  }
0x7: {  	_ = 	snop  }
__scs_overlays_trampoline_lowered:
0x8: {  	[smem:$0x3F97] =	sst s0  }
0x9: {  	[smem:$0x3F98] =	sst s1  }
0xa: {  	[smem:$0x3F99] =	sst s2  }
0xb: {  	[smem:$0x3F9A] =	sst s3  }
0xc: {  	[smem:$0x3F9B] =	sst s4  }
0xd: {  	[smem:$0x3F9C] =	sst s5  }
0xe: {  	[smem:$0x3F9D] =	sst s6  }
0xf: {  	[smem:$0x3F9E] =	sst s7  }
0x10: {  	[smem:$0x3F9F] =	sst s8  }
0x11: {  	[smem:$0x3FA0] =	sst s9;
	s0 =	simm.s32 @!p0 $0x0  }
0x12: {  	s1 =	sld [smem:$0x3F86];
	s0 =	simm.s32 @p0 $0x1  }
0x13: {  	[smem:$0x3FA1] =	sst s0;
	s0 =	simm.s32 @!p1 $0x0  }
0x14: {  	s2 =	sld [smem:$0x3F85];
	s0 =	simm.s32 @p1 $0x1  }
0x15: {  	[smem:$0x3FA2] =	sst s0;
	s0 =	simm.s32 @!p2 $0x0  }
0x16: {  	s3 =	sld [smem:$0x3FDB];
	s0 =	simm.s32 @p2 $0x1  }
0x17: {  	s4 =	simm.s32 $0x1BF5;
	[smem:$0x3FA4] =	sst s0  }
0x18: {  	s0 =	sld [smem:$0x3F87];
	_ =	swait.ge [sflag:s4], $0x0  }
0x19: {  	s7 =	sld [smem:$0x3F88]  }
0x1a: {  	s8 =	sadd.s32 $0xFFFFE003, lr  }
0x1b: {  	s9 =	sadd.s32 $0xFFFFFEF7, lr;
	s5 =	simm.s32 $0xFFFFFFFF;
	p2 =	slt.u32 s8, $0xFFFFF086  }
0x1c: {  	p1 =	slt.u32 s9, $0xF7A;
	s5 =	simm.s32 @!p2 $0x0  }
0x1d: {  	s5 =	simm.s32 @p1 $0x1;
	p0 =	seq.s32 s7, s2  }
0x1e: {  	s7 =	smul.u32 @!p0 $0xF7A, s2;
	p2 =	seq.s32 @!p0 s5, $0x0  }
0x1f: {  	s9 =	smul.u32 $0xF7A, s1;
	s8 =	simm.s32 @!p0 $0x1BF5;
	p2 =	por !p2, p0  }
0x20: {  	[sflag:s8] =	ssyncset.s32 @!p0 $0xFFFFF086;
	s6 =	sadd.s32 @!p0 s3, s7;
	s7 =	simm.s32 @!p0 $0x108  }
0x21: {  	s3 =	sadd.s32 s3, s9;
	s6 =	sadd.s32 @!p0 $0x88, s6;
	s7 =	simm.s32 @p2 $0x1082  }
0x22: {  	[simem:s7], [sflag:s8] =	dma.local @!p0 [hbm:s6], $0xF7A  }
0x23: {  	s9 =	sor.u32 $0xD0000000, s2;
	s6 =	simm.s32 $0x108;
	_ =	swait.ge @!p0 [sflag:s8], $0x0  }
0x24: {  	s3 =	sadd.s32 $0x88, s3;
	s6 =	simm.s32 @!p1 $0x1082;
	[sflag:s4] =	ssyncset.s32 $0xFFFFF086  }
0x25: {  	[simem:s6], [sflag:s4] =	dma.local [hbm:s3], $0xF7A  }
0x26: {  	[smem:$0x3F88] =	sst s1;
	(tag) =	ssettag s2;
	_ =	strace s9  }
0x27: {  	s1 =	sld [smem:$0x3F98]  }
0x28: {  	s2 =	sld [smem:$0x3F99]  }
0x29: {  	s4 =	sld [smem:$0x3F9B]  }
0x2a: {  	p0 =	seq.s32 s5, $0x0;
	s5 =	sld [smem:$0x3F9C]  }
0x2b: {  	s6 =	sld [smem:$0x3F9D]  }
0x2c: {  	s7 =	sld [smem:$0x3F9E]  }
0x2d: {  	s3 =	simm.s32 $0x108;
	s8 =	sld [smem:$0x3F9F]  }
0x2e: {  	s3 =	simm.s32 @!p0 $0x1082;
	s9 =	sld [smem:$0x3FA0]  }
0x2f: {  	lr =	sadd.s32 s0, s3;
	s0 =	sld [smem:$0x3F97]  }
0x30: {  	s3 =	sld [smem:$0x3F9A]  }
0x31: {  	[smem:$0x3FA3] =	sst s10  }
0x32: {  	s10 =	sld [smem:$0x3FA1];
	_ =	sdelay $0x3  }
0x33: {  	p0 =	seq.s32 s10, $0x1;
	s10 =	sld [smem:$0x3FA3];
	_ =	sdelay $0x3  }
0x34: {  	[smem:$0x3FA3] =	sst s10  }
0x35: {  	s10 =	sld [smem:$0x3FA2];
	_ =	sdelay $0x3  }
0x36: {  	p1 =	seq.s32 s10, $0x1;
	s10 =	sld [smem:$0x3FA3];
	_ =	sdelay $0x3  }
0x37: {  	[smem:$0x3FA3] =	sst s10  }
0x38: {  	s10 =	sld [smem:$0x3FA4]  }
0x39: {  	_ = 	snop;
	(pc) =	sbr.ind lr, $3  }
0x3a: {  	_ = 	snop  }
0x3b: {  	_ = 	snop  }
0x3c: {  	p2 =	seq.s32 s10, $0x1;
	s10 =	sld [smem:$0x3FA3]  }
0x3d: {  	_ =	shalt  }
0x3e: {  	_ =	shalt  }
0x3f: {  	_ =	shalt  }
0x40: {  	_ =	shalt  }
0x41: {  	_ =	shalt  }
0x42: {  	_ =	shalt  }
0x43: {  	_ =	shalt  }
0x44: {  	_ =	shalt  }
0x45: {  	_ =	shalt  }
0x46: {  	_ =	shalt  }
0x47: {  	_ =	shalt  }
0x48: {  	_ =	shalt  }
0x49: {  	_ =	shalt  }
0x4a: {  	_ =	shalt  }
0x4b: {  	_ =	shalt  }
0x4c: {  	_ =	shalt  }
0x4d: {  	_ =	shalt  }
0x4e: {  	_ =	shalt  }
0x4f: {  	_ =	shalt  }
0x50: {  	_ =	shalt  }
0x51: {  	_ =	shalt  }
0x52: {  	_ =	shalt  }
0x53: {  	_ =	shalt  }
0x54: {  	_ =	shalt  }
0x55: {  	_ =	shalt  }
0x56: {  	_ =	shalt  }
0x57: {  	_ =	shalt  }
0x58: {  	_ =	shalt  }
0x59: {  	_ =	shalt  }
0x5a: {  	_ =	shalt  }
0x5b: {  	_ =	shalt  }
0x5c: {  	_ =	shalt  }
0x5d: {  	_ =	shalt  }
0x5e: {  	_ =	shalt  }
0x5f: {  	_ =	shalt  }
0x60: {  	_ =	shalt  }
0x61: {  	_ =	shalt  }
0x62: {  	_ =	shalt  }
0x63: {  	_ =	shalt  }
0x64: {  	_ =	shalt  }
0x65: {  	_ =	shalt  }
0x66: {  	_ =	shalt  }
0x67: {  	_ =	shalt  }
0x68: {  	_ =	shalt  }
0x69: {  	_ =	shalt  }
0x6a: {  	_ =	shalt  }
0x6b: {  	_ =	shalt  }
0x6c: {  	_ =	shalt  }
0x6d: {  	_ =	shalt  }
0x6e: {  	_ =	shalt  }
0x6f: {  	_ =	shalt  }
0x70: {  	_ =	shalt  }
0x71: {  	_ =	shalt  }
0x72: {  	_ =	shalt  }
0x73: {  	_ =	shalt  }
0x74: {  	_ =	shalt  }
0x75: {  	_ =	shalt  }
0x76: {  	_ =	shalt  }
0x77: {  	_ =	shalt  }
0x78: {  	_ =	shalt  }
0x79: {  	_ =	shalt  }
0x7a: {  	_ =	shalt  }
0x7b: {  	_ =	shalt  }
0x7c: {  	_ =	shalt  }
0x7d: {  	_ =	shalt  }
0x7e: {  	_ =	shalt  }
0x7f: {  	_ =	shalt  }
0x80: {  	_ =	shalt  }
0x81: {  	_ =	shalt  }
0x82: {  	_ =	shalt  }
0x83: {  	_ =	shalt  }
0x84: {  	_ =	shalt  }
0x85: {  	_ =	shalt  }
0x86: {  	_ =	shalt  }
0x87: {  	_ =	shalt  }
.Lfunc_end0:
.L_simem_size_0:
called_computation.4_lowered:
.L_overlay_start_0:
0x88: {  	s2 =	sld [smem:$0x3FD9]  }
0x89: {  	s3 =	sld [smem:$0x3FFE];
	_ =	sdelay $0x1  }
0x8a: {  	s1 =	srdreg.scid  }
0x8b: {  	s0 =	sand.u32 $0x1, s1  }
0x8c: {  	s16 =	sshll.u32 s0, $0xA;
	s2 =	sadd.s32 s3, s2  }
0x8d: {  	s2 =	sadd.s32 s2, s16  }
0x8e: {  	[smem:$0x3FAF] =	sst s2  }
0x8f: {  	_ = 	snop  }
0x90: {  	(tm) =	ssettm $0x1  }
0x91: {  	s17 =	sld [smem:$0x3FFB];
	_ =	sdelay $0x3  }
0x92: {  	_ =	strace s17  }
0x93: {  	s2 =	sld [smem:$0x3FFC];
	_ =	sdelay $0x3  }
0x94: {  	_ =	strace s2  }
0x95: {  	s2 =	sld [smem:$0x3FFD];
	_ =	sdelay $0x3  }
0x96: {  	_ =	strace s2  }
0x97: {  	_ =	strace $0x8FFFFFFF  }
0x98: {  	s18 =	sld [smem:$0x3FDB];
	_ =	sdelay $0x1  }
0x99: {  	s19 =	simm.s32 $_scs_section_size  }
0x9a: {  	s4 =	simm.s32 $_size__tile_overlayer_lowered;
	s5 =	simm.s32 $_tile_overlayer_lowered  }
0x9b: {  	s22 =	simm.s32 $0x1BFF;
	s21 =	sshll.u32 s5, $0x1;
	s2 =	sadd.s32 s19, s18  }
0x9c: {  	s6 =	simm.s32 $0x0;
	s20 =	sshll.u32 s4, $0x1;
	s4 =	sadd.s32 s21, s2  }
0x9d: {  	[timem:s6], [sflag:s22] =	dma.local [hbm:s4], s20  }
0x9e: {  	_ =	swait.ge [sflag:s22], s20  }
0x9f: {  	s3 =	ssub.s32 $0x0, s20;
	[sflag:s22] =	ssyncset.done $0x0  }
0xa0: {  	[sflag:s22] =	ssyncadd.s32 s3;
	_ =	sdelay $0x1  }
0xa1: {  	s23 =	simm.s32 $0x1B8B  }
0xa2: {  	_ =	swait.ge [sflag:s23], $0x1  }
0xa3: {  	[sflag:s23] =	ssyncset.done $0x0  }
0xa4: {  	s25 =	simm.s32 $0x1B8E;
	s24 =	sld [smem:$0x3FFE];
	[sflag:s23] =	ssyncadd.s32 $0xFFFFFFFF  }
0xa5: {  	s26 =	simm.s32 $execute0_lowered;
	[smem:$0x3FD2] =	sst s25  }
0xa6: {  	s4 =	sshll.u32 s26, $0x1;
	_ =	strace $0x80000052;
	[dreg:$0x1] =	wrdreg $0xFFFFFFFF  }
0xa7: {  	s28 =	simm.s32 $_size_execute0_lowered;
	s2 =	sadd.s32 s2, s4;
	[dreg:$0x0] =	wrdreg $0x0  }
0xa8: {  	s4 =	sshll.u32 s28, $0x1;
	[dreg:$0x2] =	wrdreg s2  }
0xa9: {  	[dreg:$0x3] =	wrdreg s4  }
0xaa: {  	[dreg:$0x4] =	wrdreg $0xC0  }
0xab: {  	_ =	task [dreg:s6], $0x5FFFF  }
0xac: {  	[dreg:$0x1] =	wrdreg $0xFFFFFFFF  }
0xad: {  	[dreg:$0x0] =	wrdreg $0x60  }
0xae: {  	[dreg:$0x2] =	wrdreg s24  }
0xaf: {  	[dreg:$0x3] =	wrdreg $0x40800  }
0xb0: {  	[dreg:$0x4] =	wrdreg $0x9  }
0xb1: {  	_ =	task.clear_ibuf [dreg:s6], $0x5FFFF;
	_ =	strace $0x90000052  }
0xb2: {  	s29 =	simm.s32 $0x9;
	_ =	strace $0x80000054  }
0xb3: {  	_ =	swait.ge [sflag:s29], $0x1  }
0xb4: {  	[sflag:s29] =	ssyncadd.s32 $0xFFFFFFFF  }
0xb5: {  	_ =	strace $0x90000054  }
0xb6: {  	_ =	sfence  }
0xb7: {  	s30 =	sld [smem:$0x0];
	_ =	sdelay $0x2  }
0xb8: {  	s31 =	sshll.u32 s1, $0xD;
	s1 =	sshrl.u32 s1, $0x2  }
0xb9: {  	s3 =	sand.u32 $0x4000, s31;
	s1 =	sadd.s32 s1, s30  }
0xba: {  	s0 =	sor.u32 s3, s0;
	s1 =	sshll.u32 s1, $0x11  }
0xbb: {  	s0 =	sor.u32 s1, s0  }
0xbc: {  	s0 =	sadd.s32 $0x8F2B, s0  }
0xbd: {  	[sflag:s0] =	ssyncadd.remote.s32 $0x1  }
0xbe: {  	_ =	sfence.sel $0xFFFF  }
0xbf: {  	[dreg:$0x0] =	wrdreg $0xFFFFFFFF;
	(pc) =	sbr.abs _section_cstart, $3  }
0xc0: {  	[dreg:$0x1] =	wrdreg $0xFFFFFFFF  }
0xc1: {  	_ =	task.clear_ibuf [dreg:s6], $0x2FFFF;
	_ =	strace $0x9FFFFFFF  }
0xc2: {  	(tm) =	ssettm $0x7FFFFFFF  }
0xc3: {  	_ =	shalt  }
tec
execute0_lowered:
.L_overlay_start_1:
0x0: {  	(tag) =	ssettag $0x1  }
0x1: {  	s4 =	rddreg [dreg:$0x0]  }
0x2: {  	s1 =	rddreg [dreg:$0x1]  }
0x3: {  	s0 =	rddreg [dreg:$0x2]  }
0x4: {  	s3 =	simm.s32 $0x0;
	s5 =	srdreg.scid;
	s2 =	stileid.u32  }
0x5: {  	s13 =	simm.s32 $0x1;
	s14 =	simm.s32 $0x2;
	s15 =	simm.s32 $0x0  }
0x6: {  	[smem:$0x7FF] =	sst s3;
	s5 =	sand.u32 $0x1, s5;
	s8 =	smul.u32 $0x2780, s2  }
0x7: {  	s6 =	sshll.u32 s2, $0x8;
	s9 =	sshll.u32 s2, $0xC;
	s10 =	smul.u32 $0x4F000, s2  }
0x8: {  	s30 =	sshll.u32 s2, $0x6;
	_ =	strace $0x80000053;
	s7 =	sshll.u32 s5, $0x7  }
0x9: {  	s26 =	smul.u32 $0x27800, s5;
	s9 =	sadd.s32 s9, s4;
	s12 =	ssub.s32 $0x2, s5  }
0xa: {  	s31 =	sshll.u32 s5, $0xB;
	s5 =	sor.u32 $0x1C03, s30;
	s6 =	sor.u32 s7, s6  }
0xb: {  	s28 =	sadd.s32 s8, s4;
	s29 =	sshrl.u32 s12, $0x1;
	s10 =	sshrl.u32 s10, $0x2  }
0xc: {  	s9 =	sadd.s32 s31, s9;
	s6 =	sshrl.u32 s6, $0x3;
	s7 =	sadd.s32 s8, s26  }
0xd: {  	s8 =	ssub.s32 s12, s29;
	s10 =	sadd.s32 s10, s1;
	s12 =	simm.s32 $0x80  }
0xe: {  	s11 =	sadd.s32 s6, s4;
	s7 =	sadd.s32 s7, s4;
	s4 =	sadd.s32 $0x2B8C00, s28  }
0xf: {  	s10 =	sshrl.u32 s10, $0x3;
	s6 =	sadd.s32 $0x5B3C00, s7;
	s7 =	smax.u32 s8, $0x1  }
0x10: {  	s8 =	sadd.s32 $0x333C00, s9;
	s9 =	sadd.s32 $0x2B3C00, s11;
	s11 =	simm.s32 $0x3  }
.LBB2_1:
0x11: {  	[spmem:s10], [sflag:s5] =	dma.local [hbm:s4], $0x2780  }
0x12: {  	_ =	swait.ge [sflag:s11], $0x2780  }
0x13: {  	[sflag:s11] =	ssyncset.done $0x0  }
0x14: {  	[sflag:s11] =	ssyncadd.s32 $0xFFFFD880  }
0x15: {  	s16 =	sadd.s32 $0x0, s9;
	[bflag:$0x0] =	sbarrier.arrive $0xFFFF  }
0x16: {  	[tilespmem:s3], [sflag:$0x1] =	stream.linear.gather [hbm4b:s16+s3], $0x80, $0x38;
	[tilespmem:$0x17C80] =	vst v63  }
0x17: {  	_ = 	snop  }
0x18: {  	[tilespmem:s12], [sflag:$0x2] =	stream.linear.gather [hbm4b:s8+s3], $0x4000, $0x38;
	[tilespmem:$0x17C80] =	vst v63  }
0x19: {  	_ =	swait.ge [sflag:s13], $0x80  }
0x1a: {  	[sflag:s13] =	ssyncset.done $0x0  }
0x1b: {  	[sflag:s13] =	ssyncadd.s32 $0xFFFFFF80  }
0x1c: {  	_ =	swait.ge [sflag:s14], $0x4000  }
0x1d: {  	[sflag:s14] =	ssyncset.done $0x0  }
0x1e: {  	[sflag:s14] =	ssyncadd.s32 $0xFFFFC000  }
0x1f: {  	[spmem:s1] =	stream.indirect.scatter.add.f32 [tilespmem:s12], [sflag:$0x3], $0x80, s3, s12, $0xb8;
	[tilespmem:$0x17C80] =	vst v63  }
0x20: {  	s17 =	simm.s32 $0x200;
	_ =	swait.ge [sflag:s11], $0x4000  }
0x21: {  	s18 =	simm.s32 $0x400;
	s16 =	sadd.s32 $0x10000, s8;
	[sflag:s11] =	ssyncset.done $0x0  }
.LBB2_2:
0x22: {  	s19 =	sadd.s32 s17, s9  }
0x23: {  	[sflag:s11] =	ssyncadd.s32 $0xFFFFC000;
	s17 =	smov.u32 s18;
	s20 =	sadd.s32 $0x200, s18  }
0x24: {  	[tilespmem:s3], [sflag:$0x1] =	stream.linear.gather [hbm4b:s19+s3], $0x80, $0x38;
	[tilespmem:$0x17C80] =	vst v63  }
0x25: {  	p0 =	sne.s32 s18, $0x4E00  }
0x26: {  	[tilespmem:s12], [sflag:$0x2] =	stream.linear.gather [hbm4b:s16+s3], $0x4000, $0x38;
	[tilespmem:$0x17C80] =	vst v63  }
0x27: {  	_ =	swait.ge [sflag:s13], $0x80  }
0x28: {  	[sflag:s13] =	ssyncset.done $0x0  }
0x29: {  	[sflag:s13] =	ssyncadd.s32 $0xFFFFFF80  }
0x2a: {  	_ =	swait.ge [sflag:s14], $0x4000  }
.Ltmp0:
0x2b: {  	[sflag:s14] =	ssyncset.done $0x0;
	(pc) =	sbr.rel @p0 .LBB2_2-.Ltmp0, $4  }
0x2c: {  	[sflag:s14] =	ssyncadd.s32 $0xFFFFC000  }
0x2d: {  	[spmem:s1] =	stream.indirect.scatter.add.f32 [tilespmem:s12], [sflag:$0x3], $0x80, s3, s12, $0xb8;
	[tilespmem:$0x17C80] =	vst v63  }
0x2e: {  	_ =	swait.ge [sflag:s11], $0x4000  }
0x2f: {  	s18 =	smov.u32 s20;
	s16 =	sadd.s32 $0x10000, s16;
	[sflag:s11] =	ssyncset.done $0x0  }
0x30: {  	s17 =	sadd.s32 s17, s9;
	[sflag:s11] =	ssyncadd.s32 $0xFFFFC000  }
0x31: {  	[tilespmem:s3], [sflag:$0x1] =	stream.linear.gather [hbm4b:s17+s3], $0x80, $0x38;
	[tilespmem:$0x17C80] =	vst v63  }
0x32: {  	_ = 	snop  }
0x33: {  	[tilespmem:s12], [sflag:$0x2] =	stream.linear.gather [hbm4b:s16+s3], $0x4000, $0x38;
	[tilespmem:$0x17C80] =	vst v63  }
0x34: {  	_ =	swait.ge [sflag:s13], $0x80  }
0x35: {  	[sflag:s13] =	ssyncset.done $0x0  }
0x36: {  	[sflag:s13] =	ssyncadd.s32 $0xFFFFFF80  }
0x37: {  	_ =	swait.ge [sflag:s14], $0x4000  }
0x38: {  	[sflag:s14] =	ssyncset.done $0x0  }
0x39: {  	[sflag:s14] =	ssyncadd.s32 $0xFFFFC000  }
0x3a: {  	[spmem:s1] =	stream.indirect.scatter.add.f32 [tilespmem:s12], [sflag:$0x3], $0x80, s3, s12, $0xb8;
	[tilespmem:$0x17C80] =	vst v63  }
0x3b: {  	_ =	swait.ge [sflag:s11], $0x4000  }
0x3c: {  	s15 =	sadd.s32 $0x1, s15;
	[sflag:s11] =	ssyncset.done $0x0  }
0x3d: {  	p0 =	sne.s32 s15, s7;
	[sflag:s11] =	ssyncadd.s32 $0xFFFFC000  }
.Ltmp1:
0x3e: {  	[bflag:$0x0] =	sbarrier.arrive $0xFFFF;
	(pc) =	sbr.rel @p0 .LBB2_1-.Ltmp1, $4  }
0x3f: {  	[hbm:s6], [sflag:s5] =	dma.local [spmem:s10], $0x2780  }
0x40: {  	_ =	swait.ge [sflag:s11], $0x2780  }
0x41: {  	[sflag:s11] =	ssyncset.done $0x0  }
0x42: {  	[sflag:s11] =	ssyncadd.s32 $0xFFFFD880  }
0x43: {  	_ =	sfence.sel $0x180000  }
0x44: {  	[bflag:$0x0] =	sbarrier.arrive $0xFFFF  }
0x45: {  	p0 =	sne.s32 s2, $0x0;
	_ =	strace $0x90000053  }
0x46: {  	s0 =	sadd.s32 @!p0 $0x100000, s0;
	[bflag:$0x2] =	sbarrier.arrive $0xFFFF  }
0x47: {  	[sflag:s0] =	ssyncadd.tile.s32 @!p0 $0x1;
	_ =	shalt  }
.Lfunc_end2:
_tile_overlayer_lowered:
.L_overlay_start_2:
0x48: {  	(tag) =	ssettag $0x2  }
0x49: {  	s0 =	rddreg [dreg:$0x0];
	s2 =	stileid.u32  }
0x4a: {  	s1 =	rddreg [dreg:$0x1];
	p0 =	sne.s32 s2, $0x0  }
0x4b: {  	s3 =	rddreg [dreg:$0x2];
	[bflag:$0x3] =	sbarrier.arrive $0xFFFF;
	s2 =	simm.s32 @!p0 $0x1C03  }
0x4c: {  	[timem:s3], [sflag:s2] =	dma.local @!p0 [hbm:s0], s1  }
0x4d: {  	s0 =	simm.s32 @!p0 $0x3  }
0x4e: {  	_ =	swait.ge @!p0 [sflag:s0], s1  }
0x4f: {  	s1 =	ssub.s32 @!p0 $0x0, s1;
	[sflag:s0] =	ssyncset.done @!p0 $0x0  }
0x50: {  	[sflag:s0] =	ssyncadd.s32 @!p0 s1  }
0x51: {  	[bflag:$0x3] =	sbarrier.arrive $0xFFFF  }
0x52: {  	_ =	shalt  }

// kernel: kernel.33.cloned.1.call-start
scs
__scs_entry_jumppad:
0x0: {  	(pc) =	sbr.rel $0x88, $3  }
0x1: {  	(tag) =	ssettag $0x0;
	lr =	simm.s32 $0x1  }
0x2: {  	[smem:$0x3F88] =	sst lr;
	_ =	strace $0xD0000000  }
0x3: {  	_ = 	snop  }
0x4: {  	_ = 	snop  }
0x5: {  	_ = 	snop  }
0x6: {  	_ = 	snop  }
0x7: {  	_ = 	snop  }
__scs_overlays_trampoline_lowered:
0x8: {  	[smem:$0x3F97] =	sst s0  }
0x9: {  	[smem:$0x3F98] =	sst s1  }
0xa: {  	[smem:$0x3F99] =	sst s2  }
0xb: {  	[smem:$0x3F9A] =	sst s3  }
0xc: {  	[smem:$0x3F9B] =	sst s4  }
0xd: {  	[smem:$0x3F9C] =	sst s5  }
0xe: {  	[smem:$0x3F9D] =	sst s6  }
0xf: {  	[smem:$0x3F9E] =	sst s7  }
0x10: {  	[smem:$0x3F9F] =	sst s8  }
0x11: {  	[smem:$0x3FA0] =	sst s9;
	s0 =	simm.s32 @!p0 $0x0  }
0x12: {  	s1 =	sld [smem:$0x3F86];
	s0 =	simm.s32 @p0 $0x1  }
0x13: {  	[smem:$0x3FA1] =	sst s0;
	s0 =	simm.s32 @!p1 $0x0  }
0x14: {  	s2 =	sld [smem:$0x3F85];
	s0 =	simm.s32 @p1 $0x1  }
0x15: {  	[smem:$0x3FA2] =	sst s0;
	s0 =	simm.s32 @!p2 $0x0  }
0x16: {  	s3 =	sld [smem:$0x3FDB];
	s0 =	simm.s32 @p2 $0x1  }
0x17: {  	s4 =	simm.s32 $0x1BF5;
	[smem:$0x3FA4] =	sst s0  }
0x18: {  	s0 =	sld [smem:$0x3F87];
	_ =	swait.ge [sflag:s4], $0x0  }
0x19: {  	s7 =	sld [smem:$0x3F88]  }
0x1a: {  	s8 =	sadd.s32 $0xFFFFE003, lr  }
0x1b: {  	s9 =	sadd.s32 $0xFFFFFEF7, lr;
	s5 =	simm.s32 $0xFFFFFFFF;
	p2 =	slt.u32 s8, $0xFFFFF086  }
0x1c: {  	p1 =	slt.u32 s9, $0xF7A;
	s5 =	simm.s32 @!p2 $0x0  }
0x1d: {  	s5 =	simm.s32 @p1 $0x1;
	p0 =	seq.s32 s7, s2  }
0x1e: {  	s7 =	smul.u32 @!p0 $0xF7A, s2;
	p2 =	seq.s32 @!p0 s5, $0x0  }
0x1f: {  	s9 =	smul.u32 $0xF7A, s1;
	s8 =	simm.s32 @!p0 $0x1BF5;
	p2 =	por !p2, p0  }
0x20: {  	[sflag:s8] =	ssyncset.s32 @!p0 $0xFFFFF086;
	s6 =	sadd.s32 @!p0 s3, s7;
	s7 =	simm.s32 @!p0 $0x108  }
0x21: {  	s3 =	sadd.s32 s3, s9;
	s6 =	sadd.s32 @!p0 $0x88, s6;
	s7 =	simm.s32 @p2 $0x1082  }
0x22: {  	[simem:s7], [sflag:s8] =	dma.local @!p0 [hbm:s6], $0xF7A  }
0x23: {  	s9 =	sor.u32 $0xD0000000, s2;
	s6 =	simm.s32 $0x108;
	_ =	swait.ge @!p0 [sflag:s8], $0x0  }
0x24: {  	s3 =	sadd.s32 $0x88, s3;
	s6 =	simm.s32 @!p1 $0x1082;
	[sflag:s4] =	ssyncset.s32 $0xFFFFF086  }
0x25: {  	[simem:s6], [sflag:s4] =	dma.local [hbm:s3], $0xF7A  }
0x26: {  	[smem:$0x3F88] =	sst s1;
	(tag) =	ssettag s2;
	_ =	strace s9  }
0x27: {  	s1 =	sld [smem:$0x3F98]  }
0x28: {  	s2 =	sld [smem:$0x3F99]  }
0x29: {  	s4 =	sld [smem:$0x3F9B]  }
0x2a: {  	p0 =	seq.s32 s5, $0x0;
	s5 =	sld [smem:$0x3F9C]  }
0x2b: {  	s6 =	sld [smem:$0x3F9D]  }
0x2c: {  	s7 =	sld [smem:$0x3F9E]  }
0x2d: {  	s3 =	simm.s32 $0x108;
	s8 =	sld [smem:$0x3F9F]  }
0x2e: {  	s3 =	simm.s32 @!p0 $0x1082;
	s9 =	sld [smem:$0x3FA0]  }
0x2f: {  	lr =	sadd.s32 s0, s3;
	s0 =	sld [smem:$0x3F97]  }
0x30: {  	s3 =	sld [smem:$0x3F9A]  }
0x31: {  	[smem:$0x3FA3] =	sst s10  }
0x32: {  	s10 =	sld [smem:$0x3FA1];
	_ =	sdelay $0x3  }
0x33: {  	p0 =	seq.s32 s10, $0x1;
	s10 =	sld [smem:$0x3FA3];
	_ =	sdelay $0x3  }
0x34: {  	[smem:$0x3FA3] =	sst s10  }
0x35: {  	s10 =	sld [smem:$0x3FA2];
	_ =	sdelay $0x3  }
0x36: {  	p1 =	seq.s32 s10, $0x1;
	s10 =	sld [smem:$0x3FA3];
	_ =	sdelay $0x3  }
0x37: {  	[smem:$0x3FA3] =	sst s10  }
0x38: {  	s10 =	sld [smem:$0x3FA4]  }
0x39: {  	_ = 	snop;
	(pc) =	sbr.ind lr, $3  }
0x3a: {  	_ = 	snop  }
0x3b: {  	_ = 	snop  }
0x3c: {  	p2 =	seq.s32 s10, $0x1;
	s10 =	sld [smem:$0x3FA3]  }
0x3d: {  	_ =	shalt  }
0x3e: {  	_ =	shalt  }
0x3f: {  	_ =	shalt  }
0x40: {  	_ =	shalt  }
0x41: {  	_ =	shalt  }
0x42: {  	_ =	shalt  }
0x43: {  	_ =	shalt  }
0x44: {  	_ =	shalt  }
0x45: {  	_ =	shalt  }
0x46: {  	_ =	shalt  }
0x47: {  	_ =	shalt  }
0x48: {  	_ =	shalt  }
0x49: {  	_ =	shalt  }
0x4a: {  	_ =	shalt  }
0x4b: {  	_ =	shalt  }
0x4c: {  	_ =	shalt  }
0x4d: {  	_ =	shalt  }
0x4e: {  	_ =	shalt  }
0x4f: {  	_ =	shalt  }
0x50: {  	_ =	shalt  }
0x51: {  	_ =	shalt  }
0x52: {  	_ =	shalt  }
0x53: {  	_ =	shalt  }
0x54: {  	_ =	shalt  }
0x55: {  	_ =	shalt  }
0x56: {  	_ =	shalt  }
0x57: {  	_ =	shalt  }
0x58: {  	_ =	shalt  }
0x59: {  	_ =	shalt  }
0x5a: {  	_ =	shalt  }
0x5b: {  	_ =	shalt  }
0x5c: {  	_ =	shalt  }
0x5d: {  	_ =	shalt  }
0x5e: {  	_ =	shalt  }
0x5f: {  	_ =	shalt  }
0x60: {  	_ =	shalt  }
0x61: {  	_ =	shalt  }
0x62: {  	_ =	shalt  }
0x63: {  	_ =	shalt  }
0x64: {  	_ =	shalt  }
0x65: {  	_ =	shalt  }
0x66: {  	_ =	shalt  }
0x67: {  	_ =	shalt  }
0x68: {  	_ =	shalt  }
0x69: {  	_ =	shalt  }
0x6a: {  	_ =	shalt  }
0x6b: {  	_ =	shalt  }
0x6c: {  	_ =	shalt  }
0x6d: {  	_ =	shalt  }
0x6e: {  	_ =	shalt  }
0x6f: {  	_ =	shalt  }
0x70: {  	_ =	shalt  }
0x71: {  	_ =	shalt  }
0x72: {  	_ =	shalt  }
0x73: {  	_ =	shalt  }
0x74: {  	_ =	shalt  }
0x75: {  	_ =	shalt  }
0x76: {  	_ =	shalt  }
0x77: {  	_ =	shalt  }
0x78: {  	_ =	shalt  }
0x79: {  	_ =	shalt  }
0x7a: {  	_ =	shalt  }
0x7b: {  	_ =	shalt  }
0x7c: {  	_ =	shalt  }
0x7d: {  	_ =	shalt  }
0x7e: {  	_ =	shalt  }
0x7f: {  	_ =	shalt  }
0x80: {  	_ =	shalt  }
0x81: {  	_ =	shalt  }
0x82: {  	_ =	shalt  }
0x83: {  	_ =	shalt  }
0x84: {  	_ =	shalt  }
0x85: {  	_ =	shalt  }
0x86: {  	_ =	shalt  }
0x87: {  	_ =	shalt  }
.Lfunc_end0:
.L_simem_size_0:
called_computation.5_lowered:
.L_overlay_start_0:
0x88: {  	s2 =	sld [smem:$0x3FD9]  }
0x89: {  	s3 =	sld [smem:$0x3FFE];
	_ =	sdelay $0x1  }
0x8a: {  	s1 =	srdreg.scid  }
0x8b: {  	s0 =	sand.u32 $0x1, s1  }
0x8c: {  	s16 =	sshll.u32 s0, $0xA;
	s2 =	sadd.s32 s3, s2  }
0x8d: {  	s2 =	sadd.s32 s2, s16  }
0x8e: {  	[smem:$0x3FAF] =	sst s2  }
0x8f: {  	_ = 	snop  }
0x90: {  	(tm) =	ssettm $0x1  }
0x91: {  	s17 =	sld [smem:$0x3FFB];
	_ =	sdelay $0x3  }
0x92: {  	_ =	strace s17  }
0x93: {  	s2 =	sld [smem:$0x3FFC];
	_ =	sdelay $0x3  }
0x94: {  	_ =	strace s2  }
0x95: {  	s2 =	sld [smem:$0x3FFD];
	_ =	sdelay $0x3  }
0x96: {  	_ =	strace s2  }
0x97: {  	_ =	strace $0x8FFFFFFF  }
0x98: {  	s18 =	sld [smem:$0x3FDB];
	_ =	sdelay $0x1  }
0x99: {  	s19 =	simm.s32 $_scs_section_size  }
0x9a: {  	s4 =	simm.s32 $_size__tile_overlayer_lowered;
	s5 =	simm.s32 $_tile_overlayer_lowered  }
0x9b: {  	s22 =	simm.s32 $0x1BFF;
	s21 =	sshll.u32 s5, $0x1;
	s2 =	sadd.s32 s19, s18  }
0x9c: {  	s6 =	simm.s32 $0x0;
	s20 =	sshll.u32 s4, $0x1;
	s4 =	sadd.s32 s21, s2  }
0x9d: {  	[timem:s6], [sflag:s22] =	dma.local [hbm:s4], s20  }
0x9e: {  	_ =	swait.ge [sflag:s22], s20  }
0x9f: {  	s3 =	ssub.s32 $0x0, s20;
	[sflag:s22] =	ssyncset.done $0x0  }
0xa0: {  	[sflag:s22] =	ssyncadd.s32 s3;
	_ =	sdelay $0x1  }
0xa1: {  	s23 =	simm.s32 $0x1B8B  }
0xa2: {  	_ =	swait.ge [sflag:s23], $0x1  }
0xa3: {  	[sflag:s23] =	ssyncset.done $0x0  }
0xa4: {  	s25 =	simm.s32 $0x1B8E;
	s24 =	sld [smem:$0x3FFE];
	[sflag:s23] =	ssyncadd.s32 $0xFFFFFFFF  }
0xa5: {  	s26 =	simm.s32 $execute0_lowered;
	[smem:$0x3FD2] =	sst s25  }
0xa6: {  	s4 =	sshll.u32 s26, $0x1;
	_ =	strace $0x80000055;
	[dreg:$0x1] =	wrdreg $0xFFFFFFFF  }
0xa7: {  	s28 =	simm.s32 $_size_execute0_lowered;
	s2 =	sadd.s32 s2, s4;
	[dreg:$0x0] =	wrdreg $0x0  }
0xa8: {  	s4 =	sshll.u32 s28, $0x1;
	[dreg:$0x2] =	wrdreg s2  }
0xa9: {  	[dreg:$0x3] =	wrdreg s4  }
0xaa: {  	[dreg:$0x4] =	wrdreg $0xC0  }
0xab: {  	_ =	task [dreg:s6], $0x5FFFF  }
0xac: {  	[dreg:$0x1] =	wrdreg $0xFFFFFFFF  }
0xad: {  	[dreg:$0x0] =	wrdreg $0x60  }
0xae: {  	[dreg:$0x2] =	wrdreg s24  }
0xaf: {  	[dreg:$0x3] =	wrdreg $0x9  }
0xb0: {  	_ =	task.clear_ibuf [dreg:s6], $0x4FFFF;
	_ =	strace $0x90000055  }
0xb1: {  	s29 =	simm.s32 $0x9;
	_ =	strace $0x80000057  }
0xb2: {  	_ =	swait.ge [sflag:s29], $0x1  }
0xb3: {  	[sflag:s29] =	ssyncadd.s32 $0xFFFFFFFF  }
0xb4: {  	_ =	strace $0x90000057  }
0xb5: {  	_ =	sfence  }
0xb6: {  	s30 =	sld [smem:$0x0];
	_ =	sdelay $0x2  }
0xb7: {  	s31 =	sshll.u32 s1, $0xD;
	s1 =	sshrl.u32 s1, $0x2  }
0xb8: {  	s3 =	sand.u32 $0x4000, s31;
	s1 =	sadd.s32 s1, s30  }
0xb9: {  	s0 =	sor.u32 s3, s0;
	s1 =	sshll.u32 s1, $0x11  }
0xba: {  	s0 =	sor.u32 s1, s0  }
0xbb: {  	s0 =	sadd.s32 $0x8F2B, s0  }
0xbc: {  	[sflag:s0] =	ssyncadd.remote.s32 $0x1  }
0xbd: {  	_ =	sfence.sel $0xFFFF  }
0xbe: {  	[dreg:$0x0] =	wrdreg $0xFFFFFFFF;
	(pc) =	sbr.abs _section_cstart, $3  }
0xbf: {  	[dreg:$0x1] =	wrdreg $0xFFFFFFFF  }
0xc0: {  	_ =	task.clear_ibuf [dreg:s6], $0x2FFFF;
	_ =	strace $0x9FFFFFFF  }
0xc1: {  	(tm) =	ssettm $0x7FFFFFFF  }
tec
execute0_lowered:
.L_overlay_start_1:
0x0: {  	(tag) =	ssettag $0x1  }
0x1: {  	s4 =	rddreg [dreg:$0x0]  }
0x2: {  	s0 =	rddreg [dreg:$0x1];
	s2 =	simm.s32 $0x0;
	s3 =	srdreg.scid  }
0x3: {  	s1 =	stileid.u32;
	s10 =	simm.s32 $0x0;
	[smem:$0x7FF] =	sst s2  }
0x4: {  	s5 =	sand.u32 $0x1, s3;
	s6 =	sshll.u32 s1, $0x8;
	s3 =	sadd.s32 $0xCA00, s4  }
0x5: {  	s8 =	sshll.u32 s1, $0xC;
	_ =	strace $0x80000056;
	s7 =	sshll.u32 s5, $0x7  }
0x6: {  	s31 =	ssub.s32 $0x2, s5;
	s8 =	sadd.s32 s8, s4;
	s5 =	sshll.u32 s5, $0xB  }
0x7: {  	s6 =	sor.u32 s7, s6;
	s9 =	sshrl.u32 s31, $0x1;
	s5 =	sadd.s32 s5, s8  }
0x8: {  	s8 =	simm.s32 $0x80;
	s6 =	sshrl.u32 s6, $0x3;
	s7 =	ssub.s32 s31, s9  }
0x9: {  	s5 =	sadd.s32 $0x33C00, s5;
	s9 =	simm.s32 $0x1;
	s6 =	sadd.s32 s6, s4  }
0xa: {  	s4 =	smax.u32 s7, $0x1;
	s7 =	simm.s32 $0x2;
	s6 =	sadd.s32 $0x7A00, s6  }
.LBB2_1:
0xb: {  	s11 =	sadd.s32 $0x0, s6  }
0xc: {  	[tilespmem:s2], [sflag:$0x2] =	stream.linear.gather [hbm4b:s11+s2], $0x80, $0x38;
	[tilespmem:$0x4080] =	vst v63  }
0xd: {  	_ =	swait.ge [sflag:s7], $0x80  }
0xe: {  	[sflag:s7] =	ssyncset.done $0x0  }
0xf: {  	[sflag:s7] =	ssyncadd.s32 $0xFFFFFF80  }
0x10: {  	[tilespmem:s8], [sflag:$0x1] =	stream.indirect.gather [hbm4b:s3+s8], $0x80, s2, s8, $0xb8;
	[tilespmem:$0x4080] =	vst v63  }
0x11: {  	_ =	swait.ge [sflag:s9], $0x4000  }
0x12: {  	[sflag:s9] =	ssyncset.done $0x0  }
0x13: {  	[sflag:s9] =	ssyncadd.s32 $0xFFFFC000  }
0x14: {  	[hbm4b:s5+s2] =	stream.linear.scatter [tilespmem:s8], [sflag:$0x2], $0x4000, $0x38;
	[tilespmem:$0x4080] =	vst v63  }
0x15: {  	s12 =	simm.s32 $0x200;
	_ =	swait.ge [sflag:s7], $0x4000  }
0x16: {  	s13 =	simm.s32 $0x400;
	s11 =	sadd.s32 $0x10000, s5;
	[sflag:s7] =	ssyncset.done $0x0  }
.LBB2_2:
0x17: {  	s14 =	sadd.s32 s12, s6  }
0x18: {  	[sflag:s7] =	ssyncadd.s32 $0xFFFFC000;
	s12 =	smov.u32 s13;
	s15 =	sadd.s32 $0x200, s13  }
0x19: {  	[tilespmem:s2], [sflag:$0x2] =	stream.linear.gather [hbm4b:s14+s2], $0x80, $0x38;
	[tilespmem:$0x4080] =	vst v63  }
0x1a: {  	p0 =	sne.s32 s13, $0x4E00;
	_ =	swait.ge [sflag:s7], $0x80  }
0x1b: {  	[sflag:s7] =	ssyncset.done $0x0  }
0x1c: {  	[sflag:s7] =	ssyncadd.s32 $0xFFFFFF80  }
0x1d: {  	[tilespmem:s8], [sflag:$0x1] =	stream.indirect.gather [hbm4b:s3+s8], $0x80, s2, s8, $0xb8;
	[tilespmem:$0x4080] =	vst v63  }
0x1e: {  	_ =	swait.ge [sflag:s9], $0x4000  }
.Ltmp0:
0x1f: {  	[sflag:s9] =	ssyncset.done $0x0;
	(pc) =	sbr.rel @p0 .LBB2_2-.Ltmp0, $4  }
0x20: {  	[sflag:s9] =	ssyncadd.s32 $0xFFFFC000  }
0x21: {  	[hbm4b:s11+s2] =	stream.linear.scatter [tilespmem:s8], [sflag:$0x2], $0x4000, $0x38;
	[tilespmem:$0x4080] =	vst v63  }
0x22: {  	_ =	swait.ge [sflag:s7], $0x4000  }
0x23: {  	s13 =	smov.u32 s15;
	s11 =	sadd.s32 $0x10000, s11;
	[sflag:s7] =	ssyncset.done $0x0  }
0x24: {  	s12 =	sadd.s32 s12, s6;
	[sflag:s7] =	ssyncadd.s32 $0xFFFFC000  }
0x25: {  	[tilespmem:s2], [sflag:$0x2] =	stream.linear.gather [hbm4b:s12+s2], $0x80, $0x38;
	[tilespmem:$0x4080] =	vst v63  }
0x26: {  	_ =	swait.ge [sflag:s7], $0x80  }
0x27: {  	[sflag:s7] =	ssyncset.done $0x0  }
0x28: {  	[sflag:s7] =	ssyncadd.s32 $0xFFFFFF80  }
0x29: {  	[tilespmem:s8], [sflag:$0x1] =	stream.indirect.gather [hbm4b:s3+s8], $0x80, s2, s8, $0xb8;
	[tilespmem:$0x4080] =	vst v63  }
0x2a: {  	s10 =	sadd.s32 $0x1, s10;
	_ =	swait.ge [sflag:s9], $0x4000  }
0x2b: {  	p0 =	sne.s32 s10, s4;
	[sflag:s9] =	ssyncset.done $0x0  }
.Ltmp1:
0x2c: {  	[sflag:s9] =	ssyncadd.s32 $0xFFFFC000;
	(pc) =	sbr.rel @p0 .LBB2_1-.Ltmp1, $4  }
0x2d: {  	[hbm4b:s11+s2] =	stream.linear.scatter [tilespmem:s8], [sflag:$0x2], $0x4000, $0x38;
	[tilespmem:$0x4080] =	vst v63  }
0x2e: {  	_ =	swait.ge [sflag:s7], $0x4000  }
0x2f: {  	[sflag:s7] =	ssyncset.done $0x0  }
0x30: {  	[sflag:s7] =	ssyncadd.s32 $0xFFFFC000  }
0x31: {  	_ =	sfence.sel $0x180000  }
0x32: {  	[bflag:$0x0] =	sbarrier.arrive $0xFFFF  }
0x33: {  	p0 =	sne.s32 s1, $0x0;
	_ =	strace $0x90000056  }
0x34: {  	s0 =	sadd.s32 @!p0 $0x100000, s0;
	[bflag:$0x2] =	sbarrier.arrive $0xFFFF  }
0x35: {  	[sflag:s0] =	ssyncadd.tile.s32 @!p0 $0x1;
	_ =	shalt  }
.Lfunc_end2:
_tile_overlayer_lowered:
.L_overlay_start_2:
0x36: {  	(tag) =	ssettag $0x2  }
0x37: {  	s0 =	rddreg [dreg:$0x0];
	s2 =	stileid.u32  }
0x38: {  	s1 =	rddreg [dreg:$0x1];
	p0 =	sne.s32 s2, $0x0  }
0x39: {  	s3 =	rddreg [dreg:$0x2];
	[bflag:$0x3] =	sbarrier.arrive $0xFFFF;
	s2 =	simm.s32 @!p0 $0x1C02  }
0x3a: {  	[timem:s3], [sflag:s2] =	dma.local @!p0 [hbm:s0], s1  }
0x3b: {  	s0 =	simm.s32 @!p0 $0x2  }
0x3c: {  	_ =	swait.ge @!p0 [sflag:s0], s1  }
0x3d: {  	s1 =	ssub.s32 @!p0 $0x0, s1;
	[sflag:s0] =	ssyncset.done @!p0 $0x0  }
0x3e: {  	[sflag:s0] =	ssyncadd.s32 @!p0 s1  }
0x3f: {  	[bflag:$0x3] =	sbarrier.arrive $0xFFFF  }
0x40: {  	_ =	shalt  }

// kernel: kernel.36.cloned.1.call-start
scs
__scs_entry_jumppad:
0x0: {  	(pc) =	sbr.rel $0x88, $3  }
0x1: {  	(tag) =	ssettag $0x0;
	lr =	simm.s32 $0x1  }
0x2: {  	[smem:$0x3F88] =	sst lr;
	_ =	strace $0xD0000000  }
0x3: {  	_ = 	snop  }
0x4: {  	_ = 	snop  }
0x5: {  	_ = 	snop  }
0x6: {  	_ = 	snop  }
0x7: {  	_ = 	snop  }
__scs_overlays_trampoline_lowered:
0x8: {  	[smem:$0x3F97] =	sst s0  }
0x9: {  	[smem:$0x3F98] =	sst s1  }
0xa: {  	[smem:$0x3F99] =	sst s2  }
0xb: {  	[smem:$0x3F9A] =	sst s3  }
0xc: {  	[smem:$0x3F9B] =	sst s4  }
0xd: {  	[smem:$0x3F9C] =	sst s5  }
0xe: {  	[smem:$0x3F9D] =	sst s6  }
0xf: {  	[smem:$0x3F9E] =	sst s7  }
0x10: {  	[smem:$0x3F9F] =	sst s8  }
0x11: {  	[smem:$0x3FA0] =	sst s9;
	s0 =	simm.s32 @!p0 $0x0  }
0x12: {  	s1 =	sld [smem:$0x3F86];
	s0 =	simm.s32 @p0 $0x1  }
0x13: {  	[smem:$0x3FA1] =	sst s0;
	s0 =	simm.s32 @!p1 $0x0  }
0x14: {  	s2 =	sld [smem:$0x3F85];
	s0 =	simm.s32 @p1 $0x1  }
0x15: {  	[smem:$0x3FA2] =	sst s0;
	s0 =	simm.s32 @!p2 $0x0  }
0x16: {  	s3 =	sld [smem:$0x3FDB];
	s0 =	simm.s32 @p2 $0x1  }
0x17: {  	s4 =	simm.s32 $0x1BF5;
	[smem:$0x3FA4] =	sst s0  }
0x18: {  	s0 =	sld [smem:$0x3F87];
	_ =	swait.ge [sflag:s4], $0x0  }
0x19: {  	s7 =	sld [smem:$0x3F88]  }
0x1a: {  	s8 =	sadd.s32 $0xFFFFE003, lr  }
0x1b: {  	s9 =	sadd.s32 $0xFFFFFEF7, lr;
	s5 =	simm.s32 $0xFFFFFFFF;
	p2 =	slt.u32 s8, $0xFFFFF086  }
0x1c: {  	p1 =	slt.u32 s9, $0xF7A;
	s5 =	simm.s32 @!p2 $0x0  }
0x1d: {  	s5 =	simm.s32 @p1 $0x1;
	p0 =	seq.s32 s7, s2  }
0x1e: {  	s7 =	smul.u32 @!p0 $0xF7A, s2;
	p2 =	seq.s32 @!p0 s5, $0x0  }
0x1f: {  	s9 =	smul.u32 $0xF7A, s1;
	s8 =	simm.s32 @!p0 $0x1BF5;
	p2 =	por !p2, p0  }
0x20: {  	[sflag:s8] =	ssyncset.s32 @!p0 $0xFFFFF086;
	s6 =	sadd.s32 @!p0 s3, s7;
	s7 =	simm.s32 @!p0 $0x108  }
0x21: {  	s3 =	sadd.s32 s3, s9;
	s6 =	sadd.s32 @!p0 $0x88, s6;
	s7 =	simm.s32 @p2 $0x1082  }
0x22: {  	[simem:s7], [sflag:s8] =	dma.local @!p0 [hbm:s6], $0xF7A  }
0x23: {  	s9 =	sor.u32 $0xD0000000, s2;
	s6 =	simm.s32 $0x108;
	_ =	swait.ge @!p0 [sflag:s8], $0x0  }
0x24: {  	s3 =	sadd.s32 $0x88, s3;
	s6 =	simm.s32 @!p1 $0x1082;
	[sflag:s4] =	ssyncset.s32 $0xFFFFF086  }
0x25: {  	[simem:s6], [sflag:s4] =	dma.local [hbm:s3], $0xF7A  }
0x26: {  	[smem:$0x3F88] =	sst s1;
	(tag) =	ssettag s2;
	_ =	strace s9  }
0x27: {  	s1 =	sld [smem:$0x3F98]  }
0x28: {  	s2 =	sld [smem:$0x3F99]  }
0x29: {  	s4 =	sld [smem:$0x3F9B]  }
0x2a: {  	p0 =	seq.s32 s5, $0x0;
	s5 =	sld [smem:$0x3F9C]  }
0x2b: {  	s6 =	sld [smem:$0x3F9D]  }
0x2c: {  	s7 =	sld [smem:$0x3F9E]  }
0x2d: {  	s3 =	simm.s32 $0x108;
	s8 =	sld [smem:$0x3F9F]  }
0x2e: {  	s3 =	simm.s32 @!p0 $0x1082;
	s9 =	sld [smem:$0x3FA0]  }
0x2f: {  	lr =	sadd.s32 s0, s3;
	s0 =	sld [smem:$0x3F97]  }
0x30: {  	s3 =	sld [smem:$0x3F9A]  }
0x31: {  	[smem:$0x3FA3] =	sst s10  }
0x32: {  	s10 =	sld [smem:$0x3FA1];
	_ =	sdelay $0x3  }
0x33: {  	p0 =	seq.s32 s10, $0x1;
	s10 =	sld [smem:$0x3FA3];
	_ =	sdelay $0x3  }
0x34: {  	[smem:$0x3FA3] =	sst s10  }
0x35: {  	s10 =	sld [smem:$0x3FA2];
	_ =	sdelay $0x3  }
0x36: {  	p1 =	seq.s32 s10, $0x1;
	s10 =	sld [smem:$0x3FA3];
	_ =	sdelay $0x3  }
0x37: {  	[smem:$0x3FA3] =	sst s10  }
0x38: {  	s10 =	sld [smem:$0x3FA4]  }
0x39: {  	_ = 	snop;
	(pc) =	sbr.ind lr, $3  }
0x3a: {  	_ = 	snop  }
0x3b: {  	_ = 	snop  }
0x3c: {  	p2 =	seq.s32 s10, $0x1;
	s10 =	sld [smem:$0x3FA3]  }
0x3d: {  	_ =	shalt  }
0x3e: {  	_ =	shalt  }
0x3f: {  	_ =	shalt  }
0x40: {  	_ =	shalt  }
0x41: {  	_ =	shalt  }
0x42: {  	_ =	shalt  }
0x43: {  	_ =	shalt  }
0x44: {  	_ =	shalt  }
0x45: {  	_ =	shalt  }
0x46: {  	_ =	shalt  }
0x47: {  	_ =	shalt  }
0x48: {  	_ =	shalt  }
0x49: {  	_ =	shalt  }
0x4a: {  	_ =	shalt  }
0x4b: {  	_ =	shalt  }
0x4c: {  	_ =	shalt  }
0x4d: {  	_ =	shalt  }
0x4e: {  	_ =	shalt  }
0x4f: {  	_ =	shalt  }
0x50: {  	_ =	shalt  }
0x51: {  	_ =	shalt  }
0x52: {  	_ =	shalt  }
0x53: {  	_ =	shalt  }
0x54: {  	_ =	shalt  }
0x55: {  	_ =	shalt  }
0x56: {  	_ =	shalt  }
0x57: {  	_ =	shalt  }
0x58: {  	_ =	shalt  }
0x59: {  	_ =	shalt  }
0x5a: {  	_ =	shalt  }
0x5b: {  	_ =	shalt  }
0x5c: {  	_ =	shalt  }
0x5d: {  	_ =	shalt  }
0x5e: {  	_ =	shalt  }
0x5f: {  	_ =	shalt  }
0x60: {  	_ =	shalt  }
0x61: {  	_ =	shalt  }
0x62: {  	_ =	shalt  }
0x63: {  	_ =	shalt  }
0x64: {  	_ =	shalt  }
0x65: {  	_ =	shalt  }
0x66: {  	_ =	shalt  }
0x67: {  	_ =	shalt  }
0x68: {  	_ =	shalt  }
0x69: {  	_ =	shalt  }
0x6a: {  	_ =	shalt  }
0x6b: {  	_ =	shalt  }
0x6c: {  	_ =	shalt  }
0x6d: {  	_ =	shalt  }
0x6e: {  	_ =	shalt  }
0x6f: {  	_ =	shalt  }
0x70: {  	_ =	shalt  }
0x71: {  	_ =	shalt  }
0x72: {  	_ =	shalt  }
0x73: {  	_ =	shalt  }
0x74: {  	_ =	shalt  }
0x75: {  	_ =	shalt  }
0x76: {  	_ =	shalt  }
0x77: {  	_ =	shalt  }
0x78: {  	_ =	shalt  }
0x79: {  	_ =	shalt  }
0x7a: {  	_ =	shalt  }
0x7b: {  	_ =	shalt  }
0x7c: {  	_ =	shalt  }
0x7d: {  	_ =	shalt  }
0x7e: {  	_ =	shalt  }
0x7f: {  	_ =	shalt  }
0x80: {  	_ =	shalt  }
0x81: {  	_ =	shalt  }
0x82: {  	_ =	shalt  }
0x83: {  	_ =	shalt  }
0x84: {  	_ =	shalt  }
0x85: {  	_ =	shalt  }
0x86: {  	_ =	shalt  }
0x87: {  	_ =	shalt  }
.Lfunc_end0:
.L_simem_size_0:
called_computation.6_lowered:
.L_overlay_start_0:
0x88: {  	s2 =	sld [smem:$0x3FD9]  }
0x89: {  	s3 =	sld [smem:$0x3FFE];
	_ =	sdelay $0x1  }
0x8a: {  	s1 =	srdreg.scid  }
0x8b: {  	s0 =	sand.u32 $0x1, s1  }
0x8c: {  	s16 =	sshll.u32 s0, $0xA;
	s2 =	sadd.s32 s3, s2  }
0x8d: {  	s2 =	sadd.s32 s2, s16  }
0x8e: {  	[smem:$0x3FAF] =	sst s2  }
0x8f: {  	_ = 	snop  }
0x90: {  	(tm) =	ssettm $0x1  }
0x91: {  	s17 =	sld [smem:$0x3FFB];
	_ =	sdelay $0x3  }
0x92: {  	_ =	strace s17  }
0x93: {  	s2 =	sld [smem:$0x3FFC];
	_ =	sdelay $0x3  }
0x94: {  	_ =	strace s2  }
0x95: {  	s2 =	sld [smem:$0x3FFD];
	_ =	sdelay $0x3  }
0x96: {  	_ =	strace s2  }
0x97: {  	_ =	strace $0x8FFFFFFF  }
0x98: {  	s18 =	sld [smem:$0x3FDB];
	_ =	sdelay $0x1  }
0x99: {  	s19 =	simm.s32 $_scs_section_size  }
0x9a: {  	s4 =	simm.s32 $_size__tile_overlayer_lowered;
	s5 =	simm.s32 $_tile_overlayer_lowered  }
0x9b: {  	s22 =	simm.s32 $0x1BFF;
	s21 =	sshll.u32 s5, $0x1;
	s2 =	sadd.s32 s19, s18  }
0x9c: {  	s6 =	simm.s32 $0x0;
	s20 =	sshll.u32 s4, $0x1;
	s4 =	sadd.s32 s21, s2  }
0x9d: {  	[timem:s6], [sflag:s22] =	dma.local [hbm:s4], s20  }
0x9e: {  	_ =	swait.ge [sflag:s22], s20  }
0x9f: {  	s3 =	ssub.s32 $0x0, s20;
	[sflag:s22] =	ssyncset.done $0x0  }
0xa0: {  	[sflag:s22] =	ssyncadd.s32 s3;
	_ =	sdelay $0x1  }
0xa1: {  	s23 =	simm.s32 $0x1B8B  }
0xa2: {  	_ =	swait.ge [sflag:s23], $0x1  }
0xa3: {  	[sflag:s23] =	ssyncset.done $0x0  }
0xa4: {  	s25 =	simm.s32 $0x1B8E;
	s24 =	sld [smem:$0x3FFE];
	[sflag:s23] =	ssyncadd.s32 $0xFFFFFFFF  }
0xa5: {  	s26 =	simm.s32 $execute0_lowered;
	[smem:$0x3FD2] =	sst s25  }
0xa6: {  	s4 =	sshll.u32 s26, $0x1;
	_ =	strace $0x80000058;
	[dreg:$0x1] =	wrdreg $0xFFFFFFFF  }
0xa7: {  	s28 =	simm.s32 $_size_execute0_lowered;
	s2 =	sadd.s32 s2, s4;
	[dreg:$0x0] =	wrdreg $0x0  }
0xa8: {  	s4 =	sshll.u32 s28, $0x1;
	[dreg:$0x2] =	wrdreg s2  }
0xa9: {  	[dreg:$0x3] =	wrdreg s4  }
0xaa: {  	[dreg:$0x4] =	wrdreg $0xC0  }
0xab: {  	_ =	task [dreg:s6], $0x5FFFF  }
0xac: {  	[dreg:$0x1] =	wrdreg $0xFFFFFFFF  }
0xad: {  	[dreg:$0x0] =	wrdreg $0x60  }
0xae: {  	[dreg:$0x2] =	wrdreg s24  }
0xaf: {  	[dreg:$0x3] =	wrdreg $0x40800  }
0xb0: {  	[dreg:$0x4] =	wrdreg $0x9  }
0xb1: {  	_ =	task.clear_ibuf [dreg:s6], $0x5FFFF;
	_ =	strace $0x90000058  }
0xb2: {  	s29 =	simm.s32 $0x9;
	_ =	strace $0x8000005A  }
0xb3: {  	_ =	swait.ge [sflag:s29], $0x1  }
0xb4: {  	[sflag:s29] =	ssyncadd.s32 $0xFFFFFFFF  }
0xb5: {  	_ =	strace $0x9000005A  }
0xb6: {  	_ =	sfence  }
0xb7: {  	s30 =	sld [smem:$0x0];
	_ =	sdelay $0x2  }
0xb8: {  	s31 =	sshll.u32 s1, $0xD;
	s1 =	sshrl.u32 s1, $0x2  }
0xb9: {  	s3 =	sand.u32 $0x4000, s31;
	s1 =	sadd.s32 s1, s30  }
0xba: {  	s0 =	sor.u32 s3, s0;
	s1 =	sshll.u32 s1, $0x11  }
0xbb: {  	s0 =	sor.u32 s1, s0  }
0xbc: {  	s0 =	sadd.s32 $0x8F2B, s0  }
0xbd: {  	[sflag:s0] =	ssyncadd.remote.s32 $0x1  }
0xbe: {  	_ =	sfence.sel $0xFFFF  }
0xbf: {  	[dreg:$0x0] =	wrdreg $0xFFFFFFFF;
	(pc) =	sbr.abs _section_cstart, $3  }
0xc0: {  	[dreg:$0x1] =	wrdreg $0xFFFFFFFF  }
0xc1: {  	_ =	task.clear_ibuf [dreg:s6], $0x2FFFF;
	_ =	strace $0x9FFFFFFF  }
0xc2: {  	(tm) =	ssettm $0x7FFFFFFF  }
0xc3: {  	_ =	shalt  }
tec
execute0_lowered:
.L_overlay_start_1:
0x0: {  	(tag) =	ssettag $0x1  }
0x1: {  	s4 =	rddreg [dreg:$0x0]  }
0x2: {  	s1 =	rddreg [dreg:$0x1]  }
0x3: {  	s0 =	rddreg [dreg:$0x2]  }
0x4: {  	s3 =	simm.s32 $0x0;
	s5 =	srdreg.scid;
	s2 =	stileid.u32  }
0x5: {  	s13 =	simm.s32 $0x1;
	s14 =	simm.s32 $0x2;
	s15 =	simm.s32 $0x0  }
0x6: {  	[smem:$0x7FF] =	sst s3;
	s5 =	sand.u32 $0x1, s5;
	s8 =	smul.u32 $0x2780, s2  }
0x7: {  	s6 =	sshll.u32 s2, $0x8;
	s9 =	sshll.u32 s2, $0xC;
	s10 =	smul.u32 $0x4F000, s2  }
0x8: {  	s30 =	sshll.u32 s2, $0x6;
	_ =	strace $0x80000059;
	s7 =	sshll.u32 s5, $0x7  }
0x9: {  	s26 =	smul.u32 $0x27800, s5;
	s9 =	sadd.s32 s9, s4;
	s12 =	ssub.s32 $0x2, s5  }
0xa: {  	s31 =	sshll.u32 s5, $0xB;
	s5 =	sor.u32 $0x1C03, s30;
	s6 =	sor.u32 s7, s6  }
0xb: {  	s28 =	sadd.s32 s8, s4;
	s29 =	sshrl.u32 s12, $0x1;
	s10 =	sshrl.u32 s10, $0x2  }
0xc: {  	s9 =	sadd.s32 s31, s9;
	s6 =	sshrl.u32 s6, $0x3;
	s7 =	sadd.s32 s8, s26  }
0xd: {  	s8 =	ssub.s32 s12, s29;
	s10 =	sadd.s32 s10, s1;
	s12 =	simm.s32 $0x80  }
0xe: {  	s11 =	sadd.s32 s6, s4;
	s7 =	sadd.s32 s7, s4;
	s4 =	sadd.s32 $0x2B8C00, s28  }
0xf: {  	s10 =	sshrl.u32 s10, $0x3;
	s6 =	sadd.s32 $0x33C00, s7;
	s7 =	smax.u32 s8, $0x1  }
0x10: {  	s8 =	sadd.s32 $0x32FC00, s9;
	s9 =	sadd.s32 $0x2B3C00, s11;
	s11 =	simm.s32 $0x3  }
.LBB2_1:
0x11: {  	[spmem:s10], [sflag:s5] =	dma.local [hbm:s4], $0x2780  }
0x12: {  	_ =	swait.ge [sflag:s11], $0x2780  }
0x13: {  	[sflag:s11] =	ssyncset.done $0x0  }
0x14: {  	[sflag:s11] =	ssyncadd.s32 $0xFFFFD880  }
0x15: {  	s16 =	sadd.s32 $0x0, s9;
	[bflag:$0x0] =	sbarrier.arrive $0xFFFF  }
0x16: {  	[tilespmem:s3], [sflag:$0x1] =	stream.linear.gather [hbm4b:s16+s3], $0x80, $0x38;
	[tilespmem:$0x17C80] =	vst v63  }
0x17: {  	_ = 	snop  }
0x18: {  	[tilespmem:s12], [sflag:$0x2] =	stream.linear.gather [hbm4b:s8+s3], $0x4000, $0x38;
	[tilespmem:$0x17C80] =	vst v63  }
0x19: {  	_ =	swait.ge [sflag:s13], $0x80  }
0x1a: {  	[sflag:s13] =	ssyncset.done $0x0  }
0x1b: {  	[sflag:s13] =	ssyncadd.s32 $0xFFFFFF80  }
0x1c: {  	_ =	swait.ge [sflag:s14], $0x4000  }
0x1d: {  	[sflag:s14] =	ssyncset.done $0x0  }
0x1e: {  	[sflag:s14] =	ssyncadd.s32 $0xFFFFC000  }
0x1f: {  	[spmem:s1] =	stream.indirect.scatter.add.f32 [tilespmem:s12], [sflag:$0x3], $0x80, s3, s12, $0xb8;
	[tilespmem:$0x17C80] =	vst v63  }
0x20: {  	s17 =	simm.s32 $0x200;
	_ =	swait.ge [sflag:s11], $0x4000  }
0x21: {  	s18 =	simm.s32 $0x400;
	s16 =	sadd.s32 $0x10000, s8;
	[sflag:s11] =	ssyncset.done $0x0  }
.LBB2_2:
0x22: {  	s19 =	sadd.s32 s17, s9  }
0x23: {  	[sflag:s11] =	ssyncadd.s32 $0xFFFFC000;
	s17 =	smov.u32 s18;
	s20 =	sadd.s32 $0x200, s18  }
0x24: {  	[tilespmem:s3], [sflag:$0x1] =	stream.linear.gather [hbm4b:s19+s3], $0x80, $0x38;
	[tilespmem:$0x17C80] =	vst v63  }
0x25: {  	p0 =	sne.s32 s18, $0x4E00  }
0x26: {  	[tilespmem:s12], [sflag:$0x2] =	stream.linear.gather [hbm4b:s16+s3], $0x4000, $0x38;
	[tilespmem:$0x17C80] =	vst v63  }
0x27: {  	_ =	swait.ge [sflag:s13], $0x80  }
0x28: {  	[sflag:s13] =	ssyncset.done $0x0  }
0x29: {  	[sflag:s13] =	ssyncadd.s32 $0xFFFFFF80  }
0x2a: {  	_ =	swait.ge [sflag:s14], $0x4000  }
.Ltmp0:
0x2b: {  	[sflag:s14] =	ssyncset.done $0x0;
	(pc) =	sbr.rel @p0 .LBB2_2-.Ltmp0, $4  }
0x2c: {  	[sflag:s14] =	ssyncadd.s32 $0xFFFFC000  }
0x2d: {  	[spmem:s1] =	stream.indirect.scatter.add.f32 [tilespmem:s12], [sflag:$0x3], $0x80, s3, s12, $0xb8;
	[tilespmem:$0x17C80] =	vst v63  }
0x2e: {  	_ =	swait.ge [sflag:s11], $0x4000  }
0x2f: {  	s18 =	smov.u32 s20;
	s16 =	sadd.s32 $0x10000, s16;
	[sflag:s11] =	ssyncset.done $0x0  }
0x30: {  	s17 =	sadd.s32 s17, s9;
	[sflag:s11] =	ssyncadd.s32 $0xFFFFC000  }
0x31: {  	[tilespmem:s3], [sflag:$0x1] =	stream.linear.gather [hbm4b:s17+s3], $0x80, $0x38;
	[tilespmem:$0x17C80] =	vst v63  }
0x32: {  	_ = 	snop  }
0x33: {  	[tilespmem:s12], [sflag:$0x2] =	stream.linear.gather [hbm4b:s16+s3], $0x4000, $0x38;
	[tilespmem:$0x17C80] =	vst v63  }
0x34: {  	_ =	swait.ge [sflag:s13], $0x80  }
0x35: {  	[sflag:s13] =	ssyncset.done $0x0  }
0x36: {  	[sflag:s13] =	ssyncadd.s32 $0xFFFFFF80  }
0x37: {  	_ =	swait.ge [sflag:s14], $0x4000  }
0x38: {  	[sflag:s14] =	ssyncset.done $0x0  }
0x39: {  	[sflag:s14] =	ssyncadd.s32 $0xFFFFC000  }
0x3a: {  	[spmem:s1] =	stream.indirect.scatter.add.f32 [tilespmem:s12], [sflag:$0x3], $0x80, s3, s12, $0xb8;
	[tilespmem:$0x17C80] =	vst v63  }
0x3b: {  	_ =	swait.ge [sflag:s11], $0x4000  }
0x3c: {  	s15 =	sadd.s32 $0x1, s15;
	[sflag:s11] =	ssyncset.done $0x0  }
0x3d: {  	p0 =	sne.s32 s15, s7;
	[sflag:s11] =	ssyncadd.s32 $0xFFFFC000  }
.Ltmp1:
0x3e: {  	[bflag:$0x0] =	sbarrier.arrive $0xFFFF;
	(pc) =	sbr.rel @p0 .LBB2_1-.Ltmp1, $4  }
0x3f: {  	[hbm:s6], [sflag:s5] =	dma.local [spmem:s10], $0x2780  }
0x40: {  	_ =	swait.ge [sflag:s11], $0x2780  }
0x41: {  	[sflag:s11] =	ssyncset.done $0x0  }
0x42: {  	[sflag:s11] =	ssyncadd.s32 $0xFFFFD880  }
0x43: {  	_ =	sfence.sel $0x180000  }
0x44: {  	[bflag:$0x0] =	sbarrier.arrive $0xFFFF  }
0x45: {  	p0 =	sne.s32 s2, $0x0;
	_ =	strace $0x90000059  }
0x46: {  	s0 =	sadd.s32 @!p0 $0x100000, s0;
	[bflag:$0x2] =	sbarrier.arrive $0xFFFF  }
0x47: {  	[sflag:s0] =	ssyncadd.tile.s32 @!p0 $0x1;
	_ =	shalt  }
.Lfunc_end2:
_tile_overlayer_lowered:
.L_overlay_start_2:
0x48: {  	(tag) =	ssettag $0x2  }
0x49: {  	s0 =	rddreg [dreg:$0x0];
	s2 =	stileid.u32  }
0x4a: {  	s1 =	rddreg [dreg:$0x1];
	p0 =	sne.s32 s2, $0x0  }
0x4b: {  	s3 =	rddreg [dreg:$0x2];
	[bflag:$0x3] =	sbarrier.arrive $0xFFFF;
	s2 =	simm.s32 @!p0 $0x1C03  }
0x4c: {  	[timem:s3], [sflag:s2] =	dma.local @!p0 [hbm:s0], s1  }
0x4d: {  	s0 =	simm.s32 @!p0 $0x3  }
0x4e: {  	_ =	swait.ge @!p0 [sflag:s0], s1  }
0x4f: {  	s1 =	ssub.s32 @!p0 $0x0, s1;
	[sflag:s0] =	ssyncset.done @!p0 $0x0  }
0x50: {  	[sflag:s0] =	ssyncadd.s32 @!p0 s1  }
0x51: {  	[bflag:$0x3] =	sbarrier.arrive $0xFFFF  }
0x52: {  	_ =	shalt  }

</sc_bundles>
